<compile_context>
chip_gen: v7x
topology: tpu7x:2x2x1
jax: 0.10.2.dev20260603
libtpu: 0.0.44.dev20260713+nightly
codegen_flags: <defaults>
</compile_context>

<pallas_src>
import functools

import jax
import jax.numpy as jnp
from jax import lax
from jax.experimental import pallas as pl
from jax.experimental.pallas import tpu as pltpu
from jax.experimental.pallas import tpu_sc as plsc

NC = 2
NS = 16
NW = NC * NS
K = 128
L = 16


@functools.partial(jax.jit, static_argnames=("n_pad", "w", "with_cnt"))
def _sc_scatter(table, srcs, dst2, zrow, zcnt, ones, *, n_pad, w, with_cnt):
    npass = len(srcs)
    tch, kk = dst2.shape
    if w == 64:
        gk = 4 if with_cnt else 5
    else:
        gk = 10
    ngroups = tch // gk
    base = ngroups // NW
    extra = ngroups % NW
    rpt = n_pad // NS

    mesh = plsc.VectorSubcoreMesh(core_axis_name="c", subcore_axis_name="s")
    out_type = [jax.ShapeDtypeStruct((n_pad, 128), jnp.float32)
                for _ in range(npass)]
    scratch = [
        pltpu.VMEM((2, gk, kk), jnp.int32),
        pltpu.VMEM((2, gk, kk), jnp.int32),
        pltpu.VMEM((2, gk, kk, w), jnp.float32),
        pltpu.VMEM_SHARED((n_pad, w), jnp.float32),
        pltpu.SemaphoreType.DMA,
    ]
    if with_cnt:
        out_type.append(jax.ShapeDtypeStruct((n_pad, 128), jnp.float32))
        scratch += [
            pltpu.VMEM((kk, 16), jnp.float32),
            pltpu.VMEM_SHARED((n_pad, 16), jnp.float32),
        ]

    @functools.partial(
        pl.kernel, mesh=mesh, out_type=out_type, scratch_types=scratch,
        compiler_params=pltpu.CompilerParams(use_tc_tiling_on_sc=False))
    def body(t_hbm, *rest):
        src_hbms = rest[:npass]
        dst_hbm, zrow_hbm, zcnt_hbm, ones_hbm = rest[npass:npass + 4]
        refs = rest[npass + 4:]
        if with_cnt:
            outs = refs[:npass]
            (c_out, src_v, dst_v, rows_v, s_sh, gsem,
             ones_v, c_sh) = refs[npass:]
        else:
            outs = refs[:npass]
            (src_v, dst_v, rows_v, s_sh, gsem) = refs[npass:]
        c = lax.axis_index("c")
        s = lax.axis_index("s")
        t = c * NS + s

        ng = base + jnp.where(t < extra, 1, 0)
        g0 = t * base + jnp.minimum(t, extra)

        if with_cnt:
            pltpu.sync_copy(ones_hbm, ones_v)

        def one_pass(src_hbm, out_hbm, do_cnt):
            pltpu.sync_copy(zrow_hbm, s_sh.at[pl.ds(s * rpt, rpt)])
            if do_cnt:
                pltpu.sync_copy(zcnt_hbm, c_sh.at[pl.ds(s * rpt, rpt)])
            plsc.subcore_barrier()

            def load_and_fire(b, g):
                chunk0 = (g0 + g) * gk
                pltpu.sync_copy(src_hbm.at[pl.ds(chunk0, gk)], src_v.at[b])
                pltpu.sync_copy(dst_hbm.at[pl.ds(chunk0, gk)], dst_v.at[b])
                for j in range(gk):
                    pltpu.async_copy(t_hbm.at[src_v.at[b, j]],
                                     rows_v.at[b, j], gsem)

            @pl.when(ng > 0)
            def _():
                load_and_fire(0, 0)

            def step(g, carry):
                b = lax.rem(g, 2)

                @pl.when(g + 1 < ng)
                def _():
                    load_and_fire(1 - b, g + 1)

                for j in range(gk):
                    pltpu.make_async_copy(t_hbm.at[src_v.at[b, j]],
                                          rows_v.at[b, j], gsem).wait()
                for j in range(gk):
                    pltpu.sync_copy(rows_v.at[b, j], s_sh.at[dst_v.at[b, j]],
                                    add=True)
                    if do_cnt:
                        pltpu.sync_copy(ones_v, c_sh.at[dst_v.at[b, j]],
                                        add=True)
                return carry

            lax.fori_loop(0, ng, step, 0)
            plsc.subcore_barrier()
            pltpu.sync_copy(s_sh.at[pl.ds(s * rpt, rpt)],
                            out_hbm.at[pl.ds(s * rpt, rpt), pl.ds(w * c, w)])
            if do_cnt:
                pltpu.sync_copy(
                    c_sh.at[pl.ds(s * rpt, rpt)],
                    c_out.at[pl.ds(s * rpt, rpt), pl.ds(16 * c, 16)])

        for p in range(npass):
            one_pass(src_hbms[p], outs[p], with_cnt and p == 0)

    return body(table, *srcs, dst2, zrow, zcnt, ones)


def _bn_relu(a, g, be):
    mu = jnp.mean(a, axis=0, keepdims=True)
    var = jnp.mean((a - mu) * (a - mu), axis=0, keepdims=True)
    h = (a - mu) * lax.rsqrt(var + 1e-5) * g + be
    return jnp.maximum(h, 0.0)


def _tc_pre(x, wl, wr):
    def body(x_ref, wl_ref, wr_ref, t_ref, q_ref):
        xv = x_ref[...]
        t_ref[...] = jnp.dot(xv, wl_ref[...],
                             preferred_element_type=jnp.float32)
        q_ref[...] = jnp.dot(xv, wr_ref[...],
                             preferred_element_type=jnp.float32)
    sh = jax.ShapeDtypeStruct((x.shape[0], wl.shape[1]), jnp.float32)
    return pl.pallas_call(body, out_shape=[sh, sh])(x, wl, wr)


def _tc_mid1(sa, sb, cnt, q1, b, g, be, wl, wr, *, n):
    def body(sa_ref, sb_ref, c_ref, q_ref, b_ref, g_ref, be_ref,
             wl_ref, wr_ref, o_ref):
        s_lo = sa_ref[0:n, 0:64] + sa_ref[0:n, 64:128]
        s_hi = sb_ref[0:n, 0:64] + sb_ref[0:n, 64:128]
        ssum = jnp.concatenate([s_lo, s_hi], axis=1)
        cv = c_ref[0:n, 0:1] + c_ref[0:n, 16:17]
        a = ssum / jnp.maximum(cv, 1.0) + b_ref[...] + q_ref[...]
        h = _bn_relu(a, g_ref[...], be_ref[...])
        o_ref[...] = jnp.concatenate(
            [jnp.dot(h, wl_ref[...], preferred_element_type=jnp.float32),
             jnp.dot(h, wr_ref[...], preferred_element_type=jnp.float32)],
            axis=1)

    return pl.pallas_call(
        body, out_shape=jax.ShapeDtypeStruct((n, 128), jnp.float32),
    )(sa, sb, cnt, q1, b.reshape(1, -1), g.reshape(1, -1), be.reshape(1, -1),
      wl, wr)


def _tc_mid2(s2, cnt, t2, b, g, be, wl, wr, *, n):
    def body(s_ref, c_ref, t_ref, b_ref, g_ref, be_ref, wl_ref, wr_ref,
             o_ref):
        ssum = s_ref[0:n, 0:64] + s_ref[0:n, 64:128]
        cv = c_ref[0:n, 0:1] + c_ref[0:n, 16:17]
        a = ssum / jnp.maximum(cv, 1.0) + b_ref[...] + t_ref[0:n, 64:128]
        h = _bn_relu(a, g_ref[...], be_ref[...])
        p3 = jnp.dot(h, wl_ref[...], preferred_element_type=jnp.float32)
        q3 = jnp.dot(h, wr_ref[...], preferred_element_type=jnp.float32)
        o_ref[:, 0:64] = jnp.concatenate([p3, q3], axis=1)

    return pl.pallas_call(
        body, out_shape=jax.ShapeDtypeStruct((n, 128), jnp.float32),
    )(s2, cnt, t2, b.reshape(1, -1), g.reshape(1, -1), be.reshape(1, -1),
      wl, wr)


def _tc_final(s3, cnt, t3, b, g, be, batch2, f1w, f1b, f2w, f2b, f3w, f3b,
              *, n, g_groups):
    def body(s_ref, c_ref, t_ref, b_ref, g_ref, be_ref, batch_ref,
             f1w_ref, f1b_ref, f2w_ref, f2b_ref, f3w_ref, f3b_ref, o_ref):
        ssum = s_ref[0:n, 0:32] + s_ref[0:n, 32:64]
        cv = c_ref[0:n, 0:1] + c_ref[0:n, 16:17]
        a = ssum / jnp.maximum(cv, 1.0) + b_ref[...] + t_ref[0:n, 32:64]
        h = _bn_relu(a, g_ref[...], be_ref[...])

        gid = lax.broadcasted_iota(jnp.int32, (g_groups, n), 0)
        onehot = (gid == batch_ref[...]).astype(jnp.float32)
        gsum = jnp.dot(onehot, h, preferred_element_type=jnp.float32)
        gcnt = jnp.sum(onehot, axis=1, keepdims=True)
        hp = gsum / jnp.maximum(gcnt, 1.0)

        hp = jnp.maximum(jnp.dot(hp, f1w_ref[...],
                                 preferred_element_type=jnp.float32)
                         + f1b_ref[...], 0.0)
        hp = jnp.maximum(jnp.dot(hp, f2w_ref[...],
                                 preferred_element_type=jnp.float32)
                         + f2b_ref[...], 0.0)
        o_ref[...] = jnp.dot(hp, f3w_ref[...],
                             preferred_element_type=jnp.float32) + f3b_ref[...]

    return pl.pallas_call(
        body,
        out_shape=jax.ShapeDtypeStruct((g_groups, f3w.shape[1]), jnp.float32),
    )(s3, cnt, t3, b.reshape(1, -1), g.reshape(1, -1), be.reshape(1, -1),
      batch2, f1w, f1b.reshape(1, -1), f2w, f2b.reshape(1, -1), f3w,
      f3b.reshape(1, -1))


def kernel(x, edge_index, batch, W1l, b1, W1r, g1, be1, W2l, b2, W2r, g2, be2,
           W3l, b3, W3r, g3, be3, f1W, f1b, f2W, f2b, f3W, f3b):
    n, d = x.shape
    n_pad = ((n + NS * 8 - 1) // (NS * 8)) * (NS * 8)
    rpt = n_pad // NS
    e = edge_index.shape[1]
    tch = e // K
    src_a = (edge_index[0] * 2).reshape(tch, K)
    src_b = src_a + 1
    src_4 = src_a * 2
    dst2 = edge_index[1].reshape(tch, K)
    g_groups = 64

    zrow64 = jnp.zeros((rpt, 64), jnp.float32)
    zrow32 = jnp.zeros((rpt, 32), jnp.float32)
    zcnt = jnp.zeros((rpt, 16), jnp.float32)
    ones = jnp.ones((K, 16), jnp.float32)
    batch2 = batch.reshape(1, n)

    t1, q1 = _tc_pre(x, W1l, W1r)
    sa1, sb1, c1 = _sc_scatter(t1.reshape(2 * n, 64), (src_a, src_b), dst2,
                               zrow64, zcnt, ones,
                               n_pad=n_pad, w=64, with_cnt=True)
    t2 = _tc_mid1(sa1, sb1, c1, q1, b1, g1, be1, W2l, W2r, n=n)
    (s2,) = _sc_scatter(t2.reshape(2 * n, 64), (src_a,), dst2,
                        zrow64, zcnt, ones, n_pad=n_pad, w=64, with_cnt=False)
    t3 = _tc_mid2(s2, c1, t2, b2, g2, be2, W3l, W3r, n=n)
    (s3,) = _sc_scatter(t3.reshape(4 * n, 32), (src_4,), dst2,
                        zrow32, zcnt, ones, n_pad=n_pad, w=32, with_cnt=False)
    return _tc_final(s3, c1, t3, b3, g3, be3, batch2,
                     f1W, f1b, f2W, f2b, f3W, f3b,
                     n=n, g_groups=g_groups)

# --- scband reference (transcript-rebuilt; emitter-appended) ---
"""Pipeline reference for scband-graph-sage-11596411699546 (READ-ONLY COPY).

The authoritative reference and input builder live on the scoring server;
editing this copy changes nothing except your own understanding.
"""

import jax, jax.numpy as jnp
import numpy as np

N = 10000
E = 320000
D = 128
H = 128
G = 64
OUT = 10

def _sage(x, ei, Wl, bl, Wr):
    src = ei[0]
    dst = ei[1]
    agg = jax.ops.segment_sum(x[src], dst, num_segments=x.shape[0])
    cnt = jax.ops.segment_sum(jnp.ones((ei.shape[1],), jnp.float32), dst, num_segments=x.shape[0])
    agg = agg / jnp.maximum(cnt, 1.0)[:, None]
    return agg @ Wl + bl + x @ Wr

def _bn(h, g, b):
    mu = jnp.mean(h, axis=0)
    var = jnp.var(h, axis=0)
    return (h - mu) / jnp.sqrt(var + 1e-5) * g + b

def setup_inputs(seed: int = 0):
    key = jax.random.key(seed)
    ks = jax.random.split(key, 24)
    def p(k, shape):
        return jax.random.normal(k, shape, dtype=jnp.float32) * 0.05
    inp = {}
    inp["x"] = jax.random.normal(ks[0], (N, D), dtype=jnp.float32)
    inp["edge_index"] = jax.random.randint(ks[1], (2, E), 0, N, dtype=jnp.int32)
    inp["batch"] = jnp.sort(jax.random.randint(ks[2], (N,), 0, G, dtype=jnp.int32))
    inp["W1l"] = p(ks[3], (D, H)); inp["b1"] = jnp.zeros((H,), jnp.float32); inp["W1r"] = p(ks[4], (D, H))
    inp["g1"] = jnp.ones((H,), jnp.float32); inp["be1"] = jnp.zeros((H,), jnp.float32)
    inp["W2l"] = p(ks[5], (H, H // 2)); inp["b2"] = jnp.zeros((H // 2,), jnp.float32); inp["W2r"] = p(ks[6], (H, H // 2))
    inp["g2"] = jnp.ones((H // 2,), jnp.float32); inp["be2"] = jnp.zeros((H // 2,), jnp.float32)
    inp["W3l"] = p(ks[7], (H // 2, H // 4)); inp["b3"] = jnp.zeros((H // 4,), jnp.float32); inp["W3r"] = p(ks[8], (H // 2, H // 4))
    inp["g3"] = jnp.ones((H // 4,), jnp.float32); inp["be3"] = jnp.zeros((H // 4,), jnp.float32)
    inp["f1W"] = p(ks[9], (H // 4, 64)); inp["f1b"] = jnp.zeros((64,), jnp.float32)
    inp["f2W"] = p(ks[10], (64, 32)); inp["f2b"] = jnp.zeros((32,), jnp.float32)
    inp["f3W"] = p(ks[11], (32, OUT)); inp["f3b"] = jnp.zeros((OUT,), jnp.float32)
    return inp

def reference(x, edge_index, batch, W1l, b1, W1r, g1, be1, W2l, b2, W2r, g2, be2, W3l, b3, W3r, g3, be3, f1W, f1b, f2W, f2b, f3W, f3b):
    h = jax.nn.relu(_bn(_sage(x, edge_index, W1l, b1, W1r), g1, be1))
    h = jax.nn.relu(_bn(_sage(h, edge_index, W2l, b2, W2r), g2, be2))
    h = jax.nn.relu(_bn(_sage(h, edge_index, W3l, b3, W3r), g3, be3))
    gsum = jax.ops.segment_sum(h, batch, num_segments=G)
    gcnt = jax.ops.segment_sum(jnp.ones((h.shape[0],), jnp.float32), batch, num_segments=G)
    hp = gsum / jnp.maximum(gcnt, 1.0)[:, None]
    hp = jax.nn.relu(hp @ f1W + f1b)
    hp = jax.nn.relu(hp @ f2W + f2b)
    return hp @ f3W + f3b

if __name__ == "__main__":
    import jax
    _d = setup_inputs()
    print(jax.jit(kernel)(*tuple(_d.values())))

</pallas_src>

<mosaic_0001>
#map = affine_map<(d0, d1) -> (0, 0)>
module attributes {stable_mosaic.version = 14 : i64} {
  func.func @body(%arg0: i32, %arg1: i32, %arg2: memref<20000x64xf32, #tpu.memory_space<hbm>>, %arg3: memref<2500x128xi32, #tpu.memory_space<hbm>>, %arg4: memref<2500x128xi32, #tpu.memory_space<hbm>>, %arg5: memref<2500x128xi32, #tpu.memory_space<hbm>>, %arg6: memref<632x64xf32, #tpu.memory_space<hbm>>, %arg7: memref<632x16xf32, #tpu.memory_space<hbm>>, %arg8: memref<128x16xf32, #tpu.memory_space<hbm>>, %arg9: memref<10112x128xf32, #tpu.memory_space<hbm>>, %arg10: memref<10112x128xf32, #tpu.memory_space<hbm>>, %arg11: memref<10112x128xf32, #tpu.memory_space<hbm>>, %arg12: memref<2x4x128xi32, #tpu.memory_space<vmem>>, %arg13: memref<2x4x128xi32, #tpu.memory_space<vmem>>, %arg14: memref<2x4x128x64xf32, #tpu.memory_space<vmem>>, %arg15: memref<10112x64xf32, #tpu.memory_space<vmem_shared>>, %arg16: memref<!tpu.dma_semaphore, #tpu.memory_space<semaphore_mem>>, %arg17: memref<128x16xf32, #tpu.memory_space<vmem>>, %arg18: memref<10112x16xf32, #tpu.memory_space<vmem_shared>>) attributes {dimension_semantics = [#tpu.dimension_semantics<core_parallel>, #tpu.dimension_semantics<subcore_parallel>], iteration_bounds = array<i64: 2, 16>, scalar_prefetch = 0 : i64, scratch_operands = 7 : i64, tpu.core_type = #tpu.core_type<sc_vector_subcore>, window_params = [{transform_indices = #map}, {transform_indices = #map}, {transform_indices = #map}, {transform_indices = #map}, {transform_indices = #map}, {transform_indices = #map}, {transform_indices = #map}, {transform_indices = #map}, {transform_indices = #map}, {transform_indices = #map}]} {
    %mul3A = arith.constant 16 : i32
    %mul3A_0 = arith.muli %arg0, %mul3A : i32
    %add3A = arith.addi %mul3A_0, %arg1 : i32
    %lt3A = arith.constant 17 : i32
    %lt3A_1 = arith.cmpi slt, %add3A, %lt3A : i32
    %jit3A = arith.constant 1 : i32
    %jit3A_2 = arith.constant 0 : i32
    %select_n3A = arith.select %lt3A_1, %jit3A, %jit3A_2 : i32
    %add3A_3 = arith.constant 19 : i32
    %add3A_4 = arith.addi %add3A_3, %select_n3A : i32
    %mul3A_5 = arith.constant 19 : i32
    %mul3A_6 = arith.muli %add3A, %mul3A_5 : i32
    %min3A = arith.constant 17 : i32
    %min3A_7 = arith.minsi %add3A, %min3A : i32
    %add3A_8 = arith.addi %mul3A_6, %min3A_7 : i32
    "tpu.region"() ({
      %run_scoped3A = tpu.sem_alloc : memref<!tpu.dma_semaphore, #tpu.memory_space<semaphore_mem>>
      tpu.enqueue_dma source(%arg8 : memref<128x16xf32, #tpu.memory_space<hbm>>) target(%arg17 : memref<128x16xf32, #tpu.memory_space<vmem>>) target_semaphore(%run_scoped3A : memref<!tpu.dma_semaphore, #tpu.memory_space<semaphore_mem>>)
      tpu.wait_dma2 semaphore(%run_scoped3A : memref<!tpu.dma_semaphore, #tpu.memory_space<semaphore_mem>>) src(%arg8 : memref<128x16xf32, #tpu.memory_space<hbm>>) dst(%arg17 : memref<128x16xf32, #tpu.memory_space<vmem>>)
      tpu.yield
    }) : () -> ()
    %mul3A_9 = arith.constant 632 : i32
    %mul3A_10 = arith.muli %arg1, %mul3A_9 : i32
    "tpu.region"() ({
      %run_scoped3A = tpu.sem_alloc : memref<!tpu.dma_semaphore, #tpu.memory_space<semaphore_mem>>
      %dma_start3A = arith.constant 0 : i32
      %dma_start3A_62 = tpu.memref_slice %arg15[%mul3A_10, %dma_start3A] : memref<10112x64xf32, #tpu.memory_space<vmem_shared>> -> memref<632x64xf32, #tpu.memory_space<vmem_shared>>
      tpu.enqueue_dma source(%arg6 : memref<632x64xf32, #tpu.memory_space<hbm>>) target(%dma_start3A_62 : memref<632x64xf32, #tpu.memory_space<vmem_shared>>) target_semaphore(%run_scoped3A : memref<!tpu.dma_semaphore, #tpu.memory_space<semaphore_mem>>)
      %dma_wait3A = arith.constant 0 : i32
      %dma_wait3A_63 = tpu.memref_slice %arg15[%mul3A_10, %dma_wait3A] : memref<10112x64xf32, #tpu.memory_space<vmem_shared>> -> memref<632x64xf32, #tpu.memory_space<vmem_shared>>
      tpu.wait_dma2 semaphore(%run_scoped3A : memref<!tpu.dma_semaphore, #tpu.memory_space<semaphore_mem>>) src(%arg6 : memref<632x64xf32, #tpu.memory_space<hbm>>) dst(%dma_wait3A_63 : memref<632x64xf32, #tpu.memory_space<vmem_shared>>)
      tpu.yield
    }) : () -> ()
    %mul3A_11 = arith.constant 632 : i32
    %mul3A_12 = arith.muli %arg1, %mul3A_11 : i32
    "tpu.region"() ({
      %run_scoped3A = tpu.sem_alloc : memref<!tpu.dma_semaphore, #tpu.memory_space<semaphore_mem>>
      %dma_start3A = arith.constant 0 : i32
      %dma_start3A_62 = tpu.memref_slice %arg18[%mul3A_12, %dma_start3A] : memref<10112x16xf32, #tpu.memory_space<vmem_shared>> -> memref<632x16xf32, #tpu.memory_space<vmem_shared>>
      tpu.enqueue_dma source(%arg7 : memref<632x16xf32, #tpu.memory_space<hbm>>) target(%dma_start3A_62 : memref<632x16xf32, #tpu.memory_space<vmem_shared>>) target_semaphore(%run_scoped3A : memref<!tpu.dma_semaphore, #tpu.memory_space<semaphore_mem>>)
      %dma_wait3A = arith.constant 0 : i32
      %dma_wait3A_63 = tpu.memref_slice %arg18[%mul3A_12, %dma_wait3A] : memref<10112x16xf32, #tpu.memory_space<vmem_shared>> -> memref<632x16xf32, #tpu.memory_space<vmem_shared>>
      tpu.wait_dma2 semaphore(%run_scoped3A : memref<!tpu.dma_semaphore, #tpu.memory_space<semaphore_mem>>) src(%arg7 : memref<632x16xf32, #tpu.memory_space<hbm>>) dst(%dma_wait3A_63 : memref<632x16xf32, #tpu.memory_space<vmem_shared>>)
      tpu.yield
    }) : () -> ()
    %barrier3A = arith.constant 0 : index
    tpu.barrier barrier_id(%barrier3A)
    %gt3A = arith.constant 0 : i32
    %gt3A_13 = arith.cmpi sgt, %add3A_4, %gt3A : i32
    %convert_element_type3A = arith.extui %gt3A_13 : i1 to i32
    %cond3A = arith.constant 0 : i32
    %cond3A_14 = arith.cmpi ne, %convert_element_type3A, %cond3A : i32
    scf.if %cond3A_14 {
      %add3A_62 = arith.constant 0 : i32
      %add3A_63 = arith.addi %add3A_8, %add3A_62 : i32
      %mul3A_64 = arith.constant 4 : i32
      %mul3A_65 = arith.muli %add3A_63, %mul3A_64 : i32
      %run_scoped3A = arith.constant 0 : i32
      "tpu.region"() ({
        %run_scoped3A_122 = tpu.sem_alloc : memref<!tpu.dma_semaphore, #tpu.memory_space<semaphore_mem>>
        %dma_start3A_123 = arith.constant 0 : i32
        %dma_start3A_124 = arith.constant 0 : i32
        %dma_start3A_125 = tpu.memref_slice %arg12[%run_scoped3A, %dma_start3A_123, %dma_start3A_124] : memref<2x4x128xi32, #tpu.memory_space<vmem>> -> memref<1x4x128xi32, #tpu.memory_space<vmem>>
        %dma_start3A_126 = tpu.memref_squeeze %dma_start3A_125 : memref<1x4x128xi32, #tpu.memory_space<vmem>> -> memref<4x128xi32, #tpu.memory_space<vmem>>
        %dma_start3A_127 = arith.constant 0 : i32
        %dma_start3A_128 = tpu.memref_slice %arg3[%mul3A_65, %dma_start3A_127] : memref<2500x128xi32, #tpu.memory_space<hbm>> -> memref<4x128xi32, #tpu.memory_space<hbm>>
        %dma_start3A_129 = arith.constant 0 : i32
        %dma_start3A_130 = arith.constant 0 : i32
        %dma_start3A_131 = tpu.memref_slice %arg12[%run_scoped3A, %dma_start3A_129, %dma_start3A_130] : memref<2x4x128xi32, #tpu.memory_space<vmem>> -> memref<1x4x128xi32, #tpu.memory_space<vmem>>
        %dma_start3A_132 = tpu.memref_squeeze %dma_start3A_131 : memref<1x4x128xi32, #tpu.memory_space<vmem>> -> memref<4x128xi32, #tpu.memory_space<vmem>>
        %dma_start3A_133 = arith.constant 0 : i32
        %dma_start3A_134 = tpu.memref_slice %arg3[%mul3A_65, %dma_start3A_133] : memref<2500x128xi32, #tpu.memory_space<hbm>> -> memref<4x128xi32, #tpu.memory_space<hbm>>
        tpu.enqueue_dma source(%dma_start3A_134 : memref<4x128xi32, #tpu.memory_space<hbm>>) target(%dma_start3A_132 : memref<4x128xi32, #tpu.memory_space<vmem>>) target_semaphore(%run_scoped3A_122 : memref<!tpu.dma_semaphore, #tpu.memory_space<semaphore_mem>>)
        %dma_wait3A = arith.constant 0 : i32
        %dma_wait3A_135 = arith.constant 0 : i32
        %dma_wait3A_136 = tpu.memref_slice %arg12[%run_scoped3A, %dma_wait3A, %dma_wait3A_135] : memref<2x4x128xi32, #tpu.memory_space<vmem>> -> memref<1x4x128xi32, #tpu.memory_space<vmem>>
        %dma_wait3A_137 = tpu.memref_squeeze %dma_wait3A_136 : memref<1x4x128xi32, #tpu.memory_space<vmem>> -> memref<4x128xi32, #tpu.memory_space<vmem>>
        %dma_wait3A_138 = arith.constant 0 : i32
        %dma_wait3A_139 = tpu.memref_slice %arg3[%mul3A_65, %dma_wait3A_138] : memref<2500x128xi32, #tpu.memory_space<hbm>> -> memref<4x128xi32, #tpu.memory_space<hbm>>
        %dma_wait3A_140 = arith.constant 0 : i32
        %dma_wait3A_141 = arith.constant 0 : i32
        %dma_wait3A_142 = tpu.memref_slice %arg12[%run_scoped3A, %dma_wait3A_140, %dma_wait3A_141] : memref<2x4x128xi32, #tpu.memory_space<vmem>> -> memref<1x4x128xi32, #tpu.memory_space<vmem>>
        %dma_wait3A_143 = tpu.memref_squeeze %dma_wait3A_142 : memref<1x4x128xi32, #tpu.memory_space<vmem>> -> memref<4x128xi32, #tpu.memory_space<vmem>>
        %dma_wait3A_144 = arith.constant 0 : i32
        %dma_wait3A_145 = tpu.memref_slice %arg3[%mul3A_65, %dma_wait3A_144] : memref<2500x128xi32, #tpu.memory_space<hbm>> -> memref<4x128xi32, #tpu.memory_space<hbm>>
        tpu.wait_dma2 semaphore(%run_scoped3A_122 : memref<!tpu.dma_semaphore, #tpu.memory_space<semaphore_mem>>) src(%dma_wait3A_145 : memref<4x128xi32, #tpu.memory_space<hbm>>) dst(%dma_wait3A_143 : memref<4x128xi32, #tpu.memory_space<vmem>>)
        tpu.yield
      }) : () -> ()
      %run_scoped3A_66 = arith.constant 0 : i32
      "tpu.region"() ({
        %run_scoped3A_122 = tpu.sem_alloc : memref<!tpu.dma_semaphore, #tpu.memory_space<semaphore_mem>>
        %dma_start3A_123 = arith.constant 0 : i32
        %dma_start3A_124 = arith.constant 0 : i32
        %dma_start3A_125 = tpu.memref_slice %arg13[%run_scoped3A_66, %dma_start3A_123, %dma_start3A_124] : memref<2x4x128xi32, #tpu.memory_space<vmem>> -> memref<1x4x128xi32, #tpu.memory_space<vmem>>
        %dma_start3A_126 = tpu.memref_squeeze %dma_start3A_125 : memref<1x4x128xi32, #tpu.memory_space<vmem>> -> memref<4x128xi32, #tpu.memory_space<vmem>>
        %dma_start3A_127 = arith.constant 0 : i32
        %dma_start3A_128 = tpu.memref_slice %arg5[%mul3A_65, %dma_start3A_127] : memref<2500x128xi32, #tpu.memory_space<hbm>> -> memref<4x128xi32, #tpu.memory_space<hbm>>
        %dma_start3A_129 = arith.constant 0 : i32
        %dma_start3A_130 = arith.constant 0 : i32
        %dma_start3A_131 = tpu.memref_slice %arg13[%run_scoped3A_66, %dma_start3A_129, %dma_start3A_130] : memref<2x4x128xi32, #tpu.memory_space<vmem>> -> memref<1x4x128xi32, #tpu.memory_space<vmem>>
        %dma_start3A_132 = tpu.memref_squeeze %dma_start3A_131 : memref<1x4x128xi32, #tpu.memory_space<vmem>> -> memref<4x128xi32, #tpu.memory_space<vmem>>
        %dma_start3A_133 = arith.constant 0 : i32
        %dma_start3A_134 = tpu.memref_slice %arg5[%mul3A_65, %dma_start3A_133] : memref<2500x128xi32, #tpu.memory_space<hbm>> -> memref<4x128xi32, #tpu.memory_space<hbm>>
        tpu.enqueue_dma source(%dma_start3A_134 : memref<4x128xi32, #tpu.memory_space<hbm>>) target(%dma_start3A_132 : memref<4x128xi32, #tpu.memory_space<vmem>>) target_semaphore(%run_scoped3A_122 : memref<!tpu.dma_semaphore, #tpu.memory_space<semaphore_mem>>)
        %dma_wait3A = arith.constant 0 : i32
        %dma_wait3A_135 = arith.constant 0 : i32
        %dma_wait3A_136 = tpu.memref_slice %arg13[%run_scoped3A_66, %dma_wait3A, %dma_wait3A_135] : memref<2x4x128xi32, #tpu.memory_space<vmem>> -> memref<1x4x128xi32, #tpu.memory_space<vmem>>
        %dma_wait3A_137 = tpu.memref_squeeze %dma_wait3A_136 : memref<1x4x128xi32, #tpu.memory_space<vmem>> -> memref<4x128xi32, #tpu.memory_space<vmem>>
        %dma_wait3A_138 = arith.constant 0 : i32
        %dma_wait3A_139 = tpu.memref_slice %arg5[%mul3A_65, %dma_wait3A_138] : memref<2500x128xi32, #tpu.memory_space<hbm>> -> memref<4x128xi32, #tpu.memory_space<hbm>>
        %dma_wait3A_140 = arith.constant 0 : i32
        %dma_wait3A_141 = arith.constant 0 : i32
        %dma_wait3A_142 = tpu.memref_slice %arg13[%run_scoped3A_66, %dma_wait3A_140, %dma_wait3A_141] : memref<2x4x128xi32, #tpu.memory_space<vmem>> -> memref<1x4x128xi32, #tpu.memory_space<vmem>>
        %dma_wait3A_143 = tpu.memref_squeeze %dma_wait3A_142 : memref<1x4x128xi32, #tpu.memory_space<vmem>> -> memref<4x128xi32, #tpu.memory_space<vmem>>
        %dma_wait3A_144 = arith.constant 0 : i32
        %dma_wait3A_145 = tpu.memref_slice %arg5[%mul3A_65, %dma_wait3A_144] : memref<2500x128xi32, #tpu.memory_space<hbm>> -> memref<4x128xi32, #tpu.memory_space<hbm>>
        tpu.wait_dma2 semaphore(%run_scoped3A_122 : memref<!tpu.dma_semaphore, #tpu.memory_space<semaphore_mem>>) src(%dma_wait3A_145 : memref<4x128xi32, #tpu.memory_space<hbm>>) dst(%dma_wait3A_143 : memref<4x128xi32, #tpu.memory_space<vmem>>)
        tpu.yield
      }) : () -> ()
      %dma_start3A = arith.constant 0 : i32
      %dma_start3A_67 = arith.constant 0 : i32
      %dma_start3A_68 = arith.constant 0 : i32
      %dma_start3A_69 = arith.constant 0 : i32
      %dma_start3A_70 = arith.constant 0 : i32
      %dma_start3A_71 = arith.constant 0 : i32
      %dma_start3A_72 = tpu.memref_slice %arg14[%dma_start3A_68, %dma_start3A_69, %dma_start3A_70, %dma_start3A_71] : memref<2x4x128x64xf32, #tpu.memory_space<vmem>> -> memref<1x1x128x64xf32, #tpu.memory_space<vmem>>
      %dma_start3A_73 = tpu.memref_squeeze %dma_start3A_72 : memref<1x1x128x64xf32, #tpu.memory_space<vmem>> -> memref<128x64xf32, #tpu.memory_space<vmem>>
      %dma_start3A_74 = arith.constant 0 : i32
      %dma_start3A_75 = tpu.memref_slice %arg12[%dma_start3A, %dma_start3A_67, %dma_start3A_74] : memref<2x4x128xi32, #tpu.memory_space<vmem>> -> memref<1x1x128xi32, #tpu.memory_space<vmem>>
      %dma_start3A_76 = tpu.memref_squeeze %dma_start3A_75 : memref<1x1x128xi32, #tpu.memory_space<vmem>> -> memref<128xi32, #tpu.memory_space<vmem>>
      %dma_start3A_77 = arith.constant 0 : i32
      %dma_start3A_78 = arith.constant 0 : i32
      %dma_start3A_79 = tpu.memref_slice %arg2[%dma_start3A_77, %dma_start3A_78] : memref<20000x64xf32, #tpu.memory_space<hbm>> -> memref<20000x64xf32, #tpu.memory_space<hbm>>
      tpu.enqueue_indirect_dma source(%dma_start3A_79 : memref<20000x64xf32, #tpu.memory_space<hbm>>) target(%dma_start3A_73 : memref<128x64xf32, #tpu.memory_space<vmem>>) offsets(%dma_start3A_76 : memref<128xi32, #tpu.memory_space<vmem>>) semaphore(%arg16 : memref<!tpu.dma_semaphore, #tpu.memory_space<semaphore_mem>>)
      %dma_start3A_80 = arith.constant 0 : i32
      %dma_start3A_81 = arith.constant 1 : i32
      %dma_start3A_82 = arith.constant 0 : i32
      %dma_start3A_83 = arith.constant 1 : i32
      %dma_start3A_84 = arith.constant 0 : i32
      %dma_start3A_85 = arith.constant 0 : i32
      %dma_start3A_86 = tpu.memref_slice %arg14[%dma_start3A_82, %dma_start3A_83, %dma_start3A_84, %dma_start3A_85] : memref<2x4x128x64xf32, #tpu.memory_space<vmem>> -> memref<1x1x128x64xf32, #tpu.memory_space<vmem>>
      %dma_start3A_87 = tpu.memref_squeeze %dma_start3A_86 : memref<1x1x128x64xf32, #tpu.memory_space<vmem>> -> memref<128x64xf32, #tpu.memory_space<vmem>>
      %dma_start3A_88 = arith.constant 0 : i32
      %dma_start3A_89 = tpu.memref_slice %arg12[%dma_start3A_80, %dma_start3A_81, %dma_start3A_88] : memref<2x4x128xi32, #tpu.memory_space<vmem>> -> memref<1x1x128xi32, #tpu.memory_space<vmem>>
      %dma_start3A_90 = tpu.memref_squeeze %dma_start3A_89 : memref<1x1x128xi32, #tpu.memory_space<vmem>> -> memref<128xi32, #tpu.memory_space<vmem>>
      %dma_start3A_91 = arith.constant 0 : i32
      %dma_start3A_92 = arith.constant 0 : i32
      %dma_start3A_93 = tpu.memref_slice %arg2[%dma_start3A_91, %dma_start3A_92] : memref<20000x64xf32, #tpu.memory_space<hbm>> -> memref<20000x64xf32, #tpu.memory_space<hbm>>
      tpu.enqueue_indirect_dma source(%dma_start3A_93 : memref<20000x64xf32, #tpu.memory_space<hbm>>) target(%dma_start3A_87 : memref<128x64xf32, #tpu.memory_space<vmem>>) offsets(%dma_start3A_90 : memref<128xi32, #tpu.memory_space<vmem>>) semaphore(%arg16 : memref<!tpu.dma_semaphore, #tpu.memory_space<semaphore_mem>>)
      %dma_start3A_94 = arith.constant 0 : i32
      %dma_start3A_95 = arith.constant 2 : i32
      %dma_start3A_96 = arith.constant 0 : i32
      %dma_start3A_97 = arith.constant 2 : i32
      %dma_start3A_98 = arith.constant 0 : i32
      %dma_start3A_99 = arith.constant 0 : i32
      %dma_start3A_100 = tpu.memref_slice %arg14[%dma_start3A_96, %dma_start3A_97, %dma_start3A_98, %dma_start3A_99] : memref<2x4x128x64xf32, #tpu.memory_space<vmem>> -> memref<1x1x128x64xf32, #tpu.memory_space<vmem>>
      %dma_start3A_101 = tpu.memref_squeeze %dma_start3A_100 : memref<1x1x128x64xf32, #tpu.memory_space<vmem>> -> memref<128x64xf32, #tpu.memory_space<vmem>>
      %dma_start3A_102 = arith.constant 0 : i32
      %dma_start3A_103 = tpu.memref_slice %arg12[%dma_start3A_94, %dma_start3A_95, %dma_start3A_102] : memref<2x4x128xi32, #tpu.memory_space<vmem>> -> memref<1x1x128xi32, #tpu.memory_space<vmem>>
      %dma_start3A_104 = tpu.memref_squeeze %dma_start3A_103 : memref<1x1x128xi32, #tpu.memory_space<vmem>> -> memref<128xi32, #tpu.memory_space<vmem>>
      %dma_start3A_105 = arith.constant 0 : i32
      %dma_start3A_106 = arith.constant 0 : i32
      %dma_start3A_107 = tpu.memref_slice %arg2[%dma_start3A_105, %dma_start3A_106] : memref<20000x64xf32, #tpu.memory_space<hbm>> -> memref<20000x64xf32, #tpu.memory_space<hbm>>
      tpu.enqueue_indirect_dma source(%dma_start3A_107 : memref<20000x64xf32, #tpu.memory_space<hbm>>) target(%dma_start3A_101 : memref<128x64xf32, #tpu.memory_space<vmem>>) offsets(%dma_start3A_104 : memref<128xi32, #tpu.memory_space<vmem>>) semaphore(%arg16 : memref<!tpu.dma_semaphore, #tpu.memory_space<semaphore_mem>>)
      %dma_start3A_108 = arith.constant 0 : i32
      %dma_start3A_109 = arith.constant 3 : i32
      %dma_start3A_110 = arith.constant 0 : i32
      %dma_start3A_111 = arith.constant 3 : i32
      %dma_start3A_112 = arith.constant 0 : i32
      %dma_start3A_113 = arith.constant 0 : i32
      %dma_start3A_114 = tpu.memref_slice %arg14[%dma_start3A_110, %dma_start3A_111, %dma_start3A_112, %dma_start3A_113] : memref<2x4x128x64xf32, #tpu.memory_space<vmem>> -> memref<1x1x128x64xf32, #tpu.memory_space<vmem>>
      %dma_start3A_115 = tpu.memref_squeeze %dma_start3A_114 : memref<1x1x128x64xf32, #tpu.memory_space<vmem>> -> memref<128x64xf32, #tpu.memory_space<vmem>>
      %dma_start3A_116 = arith.constant 0 : i32
      %dma_start3A_117 = tpu.memref_slice %arg12[%dma_start3A_108, %dma_start3A_109, %dma_start3A_116] : memref<2x4x128xi32, #tpu.memory_space<vmem>> -> memref<1x1x128xi32, #tpu.memory_space<vmem>>
      %dma_start3A_118 = tpu.memref_squeeze %dma_start3A_117 : memref<1x1x128xi32, #tpu.memory_space<vmem>> -> memref<128xi32, #tpu.memory_space<vmem>>
      %dma_start3A_119 = arith.constant 0 : i32
      %dma_start3A_120 = arith.constant 0 : i32
      %dma_start3A_121 = tpu.memref_slice %arg2[%dma_start3A_119, %dma_start3A_120] : memref<20000x64xf32, #tpu.memory_space<hbm>> -> memref<20000x64xf32, #tpu.memory_space<hbm>>
      tpu.enqueue_indirect_dma source(%dma_start3A_121 : memref<20000x64xf32, #tpu.memory_space<hbm>>) target(%dma_start3A_115 : memref<128x64xf32, #tpu.memory_space<vmem>>) offsets(%dma_start3A_118 : memref<128xi32, #tpu.memory_space<vmem>>) semaphore(%arg16 : memref<!tpu.dma_semaphore, #tpu.memory_space<semaphore_mem>>)
    } else {
    }
    %while3A = arith.constant 0 : i32
    %while3A_15 = arith.constant 0 : i32
    %while3A_16 = arith.subi %add3A_4, %while3A_15 : i32
    %while3A_17 = arith.addi %while3A_15, %while3A_16 : i32
    %while3A_18 = arith.constant 1 : i32
    %while3A_19 = arith.divsi %while3A_16, %while3A_18 : i32
    %while3A_20 = arith.muli %while3A_19, %while3A_18 : i32
    %while3A_21 = arith.addi %while3A_15, %while3A_20 : i32
    %while3A_22 = arith.constant 1 : i32
    scf.for %while3A_62 = %while3A_15 to %while3A_21 step %while3A_22  : i32 {
      %rem3A = arith.constant 2 : i32
      %rem3A_63 = arith.remsi %while3A_62, %rem3A : i32
      %add3A_64 = arith.constant 1 : i32
      %add3A_65 = arith.addi %while3A_62, %add3A_64 : i32
      %lt3A_66 = arith.cmpi slt, %add3A_65, %add3A_4 : i32
      %convert_element_type3A_67 = arith.extui %lt3A_66 : i1 to i32
      %cond3A_68 = arith.constant 0 : i32
      %cond3A_69 = arith.cmpi ne, %convert_element_type3A_67, %cond3A_68 : i32
      scf.if %cond3A_69 {
        %sub3A = arith.constant 1 : i32
        %sub3A_128 = arith.subi %sub3A, %rem3A_63 : i32
        %add3A_129 = arith.constant 1 : i32
        %add3A_130 = arith.addi %while3A_62, %add3A_129 : i32
        %add3A_131 = arith.addi %add3A_8, %add3A_130 : i32
        %mul3A_132 = arith.constant 4 : i32
        %mul3A_133 = arith.muli %add3A_131, %mul3A_132 : i32
        "tpu.region"() ({
          %run_scoped3A_181 = tpu.sem_alloc : memref<!tpu.dma_semaphore, #tpu.memory_space<semaphore_mem>>
          %dma_start3A_182 = arith.constant 0 : i32
          %dma_start3A_183 = arith.constant 0 : i32
          %dma_start3A_184 = tpu.memref_slice %arg12[%sub3A_128, %dma_start3A_182, %dma_start3A_183] : memref<2x4x128xi32, #tpu.memory_space<vmem>> -> memref<1x4x128xi32, #tpu.memory_space<vmem>>
          %dma_start3A_185 = tpu.memref_squeeze %dma_start3A_184 : memref<1x4x128xi32, #tpu.memory_space<vmem>> -> memref<4x128xi32, #tpu.memory_space<vmem>>
          %dma_start3A_186 = arith.constant 0 : i32
          %dma_start3A_187 = tpu.memref_slice %arg3[%mul3A_133, %dma_start3A_186] : memref<2500x128xi32, #tpu.memory_space<hbm>> -> memref<4x128xi32, #tpu.memory_space<hbm>>
          %dma_start3A_188 = arith.constant 0 : i32
          %dma_start3A_189 = arith.constant 0 : i32
          %dma_start3A_190 = tpu.memref_slice %arg12[%sub3A_128, %dma_start3A_188, %dma_start3A_189] : memref<2x4x128xi32, #tpu.memory_space<vmem>> -> memref<1x4x128xi32, #tpu.memory_space<vmem>>
          %dma_start3A_191 = tpu.memref_squeeze %dma_start3A_190 : memref<1x4x128xi32, #tpu.memory_space<vmem>> -> memref<4x128xi32, #tpu.memory_space<vmem>>
          %dma_start3A_192 = arith.constant 0 : i32
          %dma_start3A_193 = tpu.memref_slice %arg3[%mul3A_133, %dma_start3A_192] : memref<2500x128xi32, #tpu.memory_space<hbm>> -> memref<4x128xi32, #tpu.memory_space<hbm>>
          tpu.enqueue_dma source(%dma_start3A_193 : memref<4x128xi32, #tpu.memory_space<hbm>>) target(%dma_start3A_191 : memref<4x128xi32, #tpu.memory_space<vmem>>) target_semaphore(%run_scoped3A_181 : memref<!tpu.dma_semaphore, #tpu.memory_space<semaphore_mem>>)
          %dma_wait3A_194 = arith.constant 0 : i32
          %dma_wait3A_195 = arith.constant 0 : i32
          %dma_wait3A_196 = tpu.memref_slice %arg12[%sub3A_128, %dma_wait3A_194, %dma_wait3A_195] : memref<2x4x128xi32, #tpu.memory_space<vmem>> -> memref<1x4x128xi32, #tpu.memory_space<vmem>>
          %dma_wait3A_197 = tpu.memref_squeeze %dma_wait3A_196 : memref<1x4x128xi32, #tpu.memory_space<vmem>> -> memref<4x128xi32, #tpu.memory_space<vmem>>
          %dma_wait3A_198 = arith.constant 0 : i32
          %dma_wait3A_199 = tpu.memref_slice %arg3[%mul3A_133, %dma_wait3A_198] : memref<2500x128xi32, #tpu.memory_space<hbm>> -> memref<4x128xi32, #tpu.memory_space<hbm>>
          %dma_wait3A_200 = arith.constant 0 : i32
          %dma_wait3A_201 = arith.constant 0 : i32
          %dma_wait3A_202 = tpu.memref_slice %arg12[%sub3A_128, %dma_wait3A_200, %dma_wait3A_201] : memref<2x4x128xi32, #tpu.memory_space<vmem>> -> memref<1x4x128xi32, #tpu.memory_space<vmem>>
          %dma_wait3A_203 = tpu.memref_squeeze %dma_wait3A_202 : memref<1x4x128xi32, #tpu.memory_space<vmem>> -> memref<4x128xi32, #tpu.memory_space<vmem>>
          %dma_wait3A_204 = arith.constant 0 : i32
          %dma_wait3A_205 = tpu.memref_slice %arg3[%mul3A_133, %dma_wait3A_204] : memref<2500x128xi32, #tpu.memory_space<hbm>> -> memref<4x128xi32, #tpu.memory_space<hbm>>
          tpu.wait_dma2 semaphore(%run_scoped3A_181 : memref<!tpu.dma_semaphore, #tpu.memory_space<semaphore_mem>>) src(%dma_wait3A_205 : memref<4x128xi32, #tpu.memory_space<hbm>>) dst(%dma_wait3A_203 : memref<4x128xi32, #tpu.memory_space<vmem>>)
          tpu.yield
        }) : () -> ()
        "tpu.region"() ({
          %run_scoped3A_181 = tpu.sem_alloc : memref<!tpu.dma_semaphore, #tpu.memory_space<semaphore_mem>>
          %dma_start3A_182 = arith.constant 0 : i32
          %dma_start3A_183 = arith.constant 0 : i32
          %dma_start3A_184 = tpu.memref_slice %arg13[%sub3A_128, %dma_start3A_182, %dma_start3A_183] : memref<2x4x128xi32, #tpu.memory_space<vmem>> -> memref<1x4x128xi32, #tpu.memory_space<vmem>>
          %dma_start3A_185 = tpu.memref_squeeze %dma_start3A_184 : memref<1x4x128xi32, #tpu.memory_space<vmem>> -> memref<4x128xi32, #tpu.memory_space<vmem>>
          %dma_start3A_186 = arith.constant 0 : i32
          %dma_start3A_187 = tpu.memref_slice %arg5[%mul3A_133, %dma_start3A_186] : memref<2500x128xi32, #tpu.memory_space<hbm>> -> memref<4x128xi32, #tpu.memory_space<hbm>>
          %dma_start3A_188 = arith.constant 0 : i32
          %dma_start3A_189 = arith.constant 0 : i32
          %dma_start3A_190 = tpu.memref_slice %arg13[%sub3A_128, %dma_start3A_188, %dma_start3A_189] : memref<2x4x128xi32, #tpu.memory_space<vmem>> -> memref<1x4x128xi32, #tpu.memory_space<vmem>>
          %dma_start3A_191 = tpu.memref_squeeze %dma_start3A_190 : memref<1x4x128xi32, #tpu.memory_space<vmem>> -> memref<4x128xi32, #tpu.memory_space<vmem>>
          %dma_start3A_192 = arith.constant 0 : i32
          %dma_start3A_193 = tpu.memref_slice %arg5[%mul3A_133, %dma_start3A_192] : memref<2500x128xi32, #tpu.memory_space<hbm>> -> memref<4x128xi32, #tpu.memory_space<hbm>>
          tpu.enqueue_dma source(%dma_start3A_193 : memref<4x128xi32, #tpu.memory_space<hbm>>) target(%dma_start3A_191 : memref<4x128xi32, #tpu.memory_space<vmem>>) target_semaphore(%run_scoped3A_181 : memref<!tpu.dma_semaphore, #tpu.memory_space<semaphore_mem>>)
          %dma_wait3A_194 = arith.constant 0 : i32
          %dma_wait3A_195 = arith.constant 0 : i32
          %dma_wait3A_196 = tpu.memref_slice %arg13[%sub3A_128, %dma_wait3A_194, %dma_wait3A_195] : memref<2x4x128xi32, #tpu.memory_space<vmem>> -> memref<1x4x128xi32, #tpu.memory_space<vmem>>
          %dma_wait3A_197 = tpu.memref_squeeze %dma_wait3A_196 : memref<1x4x128xi32, #tpu.memory_space<vmem>> -> memref<4x128xi32, #tpu.memory_space<vmem>>
          %dma_wait3A_198 = arith.constant 0 : i32
          %dma_wait3A_199 = tpu.memref_slice %arg5[%mul3A_133, %dma_wait3A_198] : memref<2500x128xi32, #tpu.memory_space<hbm>> -> memref<4x128xi32, #tpu.memory_space<hbm>>
          %dma_wait3A_200 = arith.constant 0 : i32
          %dma_wait3A_201 = arith.constant 0 : i32
          %dma_wait3A_202 = tpu.memref_slice %arg13[%sub3A_128, %dma_wait3A_200, %dma_wait3A_201] : memref<2x4x128xi32, #tpu.memory_space<vmem>> -> memref<1x4x128xi32, #tpu.memory_space<vmem>>
          %dma_wait3A_203 = tpu.memref_squeeze %dma_wait3A_202 : memref<1x4x128xi32, #tpu.memory_space<vmem>> -> memref<4x128xi32, #tpu.memory_space<vmem>>
          %dma_wait3A_204 = arith.constant 0 : i32
          %dma_wait3A_205 = tpu.memref_slice %arg5[%mul3A_133, %dma_wait3A_204] : memref<2500x128xi32, #tpu.memory_space<hbm>> -> memref<4x128xi32, #tpu.memory_space<hbm>>
          tpu.wait_dma2 semaphore(%run_scoped3A_181 : memref<!tpu.dma_semaphore, #tpu.memory_space<semaphore_mem>>) src(%dma_wait3A_205 : memref<4x128xi32, #tpu.memory_space<hbm>>) dst(%dma_wait3A_203 : memref<4x128xi32, #tpu.memory_space<vmem>>)
          tpu.yield
        }) : () -> ()
        %dma_start3A = arith.constant 0 : i32
        %dma_start3A_134 = arith.constant 0 : i32
        %dma_start3A_135 = arith.constant 0 : i32
        %dma_start3A_136 = arith.constant 0 : i32
        %dma_start3A_137 = tpu.memref_slice %arg14[%sub3A_128, %dma_start3A_134, %dma_start3A_135, %dma_start3A_136] : memref<2x4x128x64xf32, #tpu.memory_space<vmem>> -> memref<1x1x128x64xf32, #tpu.memory_space<vmem>>
        %dma_start3A_138 = tpu.memref_squeeze %dma_start3A_137 : memref<1x1x128x64xf32, #tpu.memory_space<vmem>> -> memref<128x64xf32, #tpu.memory_space<vmem>>
        %dma_start3A_139 = arith.constant 0 : i32
        %dma_start3A_140 = tpu.memref_slice %arg12[%sub3A_128, %dma_start3A, %dma_start3A_139] : memref<2x4x128xi32, #tpu.memory_space<vmem>> -> memref<1x1x128xi32, #tpu.memory_space<vmem>>
        %dma_start3A_141 = tpu.memref_squeeze %dma_start3A_140 : memref<1x1x128xi32, #tpu.memory_space<vmem>> -> memref<128xi32, #tpu.memory_space<vmem>>
        %dma_start3A_142 = arith.constant 0 : i32
        %dma_start3A_143 = arith.constant 0 : i32
        %dma_start3A_144 = tpu.memref_slice %arg2[%dma_start3A_142, %dma_start3A_143] : memref<20000x64xf32, #tpu.memory_space<hbm>> -> memref<20000x64xf32, #tpu.memory_space<hbm>>
        tpu.enqueue_indirect_dma source(%dma_start3A_144 : memref<20000x64xf32, #tpu.memory_space<hbm>>) target(%dma_start3A_138 : memref<128x64xf32, #tpu.memory_space<vmem>>) offsets(%dma_start3A_141 : memref<128xi32, #tpu.memory_space<vmem>>) semaphore(%arg16 : memref<!tpu.dma_semaphore, #tpu.memory_space<semaphore_mem>>)
        %dma_start3A_145 = arith.constant 1 : i32
        %dma_start3A_146 = arith.constant 1 : i32
        %dma_start3A_147 = arith.constant 0 : i32
        %dma_start3A_148 = arith.constant 0 : i32
        %dma_start3A_149 = tpu.memref_slice %arg14[%sub3A_128, %dma_start3A_146, %dma_start3A_147, %dma_start3A_148] : memref<2x4x128x64xf32, #tpu.memory_space<vmem>> -> memref<1x1x128x64xf32, #tpu.memory_space<vmem>>
        %dma_start3A_150 = tpu.memref_squeeze %dma_start3A_149 : memref<1x1x128x64xf32, #tpu.memory_space<vmem>> -> memref<128x64xf32, #tpu.memory_space<vmem>>
        %dma_start3A_151 = arith.constant 0 : i32
        %dma_start3A_152 = tpu.memref_slice %arg12[%sub3A_128, %dma_start3A_145, %dma_start3A_151] : memref<2x4x128xi32, #tpu.memory_space<vmem>> -> memref<1x1x128xi32, #tpu.memory_space<vmem>>
        %dma_start3A_153 = tpu.memref_squeeze %dma_start3A_152 : memref<1x1x128xi32, #tpu.memory_space<vmem>> -> memref<128xi32, #tpu.memory_space<vmem>>
        %dma_start3A_154 = arith.constant 0 : i32
        %dma_start3A_155 = arith.constant 0 : i32
        %dma_start3A_156 = tpu.memref_slice %arg2[%dma_start3A_154, %dma_start3A_155] : memref<20000x64xf32, #tpu.memory_space<hbm>> -> memref<20000x64xf32, #tpu.memory_space<hbm>>
        tpu.enqueue_indirect_dma source(%dma_start3A_156 : memref<20000x64xf32, #tpu.memory_space<hbm>>) target(%dma_start3A_150 : memref<128x64xf32, #tpu.memory_space<vmem>>) offsets(%dma_start3A_153 : memref<128xi32, #tpu.memory_space<vmem>>) semaphore(%arg16 : memref<!tpu.dma_semaphore, #tpu.memory_space<semaphore_mem>>)
        %dma_start3A_157 = arith.constant 2 : i32
        %dma_start3A_158 = arith.constant 2 : i32
        %dma_start3A_159 = arith.constant 0 : i32
        %dma_start3A_160 = arith.constant 0 : i32
        %dma_start3A_161 = tpu.memref_slice %arg14[%sub3A_128, %dma_start3A_158, %dma_start3A_159, %dma_start3A_160] : memref<2x4x128x64xf32, #tpu.memory_space<vmem>> -> memref<1x1x128x64xf32, #tpu.memory_space<vmem>>
        %dma_start3A_162 = tpu.memref_squeeze %dma_start3A_161 : memref<1x1x128x64xf32, #tpu.memory_space<vmem>> -> memref<128x64xf32, #tpu.memory_space<vmem>>
        %dma_start3A_163 = arith.constant 0 : i32
        %dma_start3A_164 = tpu.memref_slice %arg12[%sub3A_128, %dma_start3A_157, %dma_start3A_163] : memref<2x4x128xi32, #tpu.memory_space<vmem>> -> memref<1x1x128xi32, #tpu.memory_space<vmem>>
        %dma_start3A_165 = tpu.memref_squeeze %dma_start3A_164 : memref<1x1x128xi32, #tpu.memory_space<vmem>> -> memref<128xi32, #tpu.memory_space<vmem>>
        %dma_start3A_166 = arith.constant 0 : i32
        %dma_start3A_167 = arith.constant 0 : i32
        %dma_start3A_168 = tpu.memref_slice %arg2[%dma_start3A_166, %dma_start3A_167] : memref<20000x64xf32, #tpu.memory_space<hbm>> -> memref<20000x64xf32, #tpu.memory_space<hbm>>
        tpu.enqueue_indirect_dma source(%dma_start3A_168 : memref<20000x64xf32, #tpu.memory_space<hbm>>) target(%dma_start3A_162 : memref<128x64xf32, #tpu.memory_space<vmem>>) offsets(%dma_start3A_165 : memref<128xi32, #tpu.memory_space<vmem>>) semaphore(%arg16 : memref<!tpu.dma_semaphore, #tpu.memory_space<semaphore_mem>>)
        %dma_start3A_169 = arith.constant 3 : i32
        %dma_start3A_170 = arith.constant 3 : i32
        %dma_start3A_171 = arith.constant 0 : i32
        %dma_start3A_172 = arith.constant 0 : i32
        %dma_start3A_173 = tpu.memref_slice %arg14[%sub3A_128, %dma_start3A_170, %dma_start3A_171, %dma_start3A_172] : memref<2x4x128x64xf32, #tpu.memory_space<vmem>> -> memref<1x1x128x64xf32, #tpu.memory_space<vmem>>
        %dma_start3A_174 = tpu.memref_squeeze %dma_start3A_173 : memref<1x1x128x64xf32, #tpu.memory_space<vmem>> -> memref<128x64xf32, #tpu.memory_space<vmem>>
        %dma_start3A_175 = arith.constant 0 : i32
        %dma_start3A_176 = tpu.memref_slice %arg12[%sub3A_128, %dma_start3A_169, %dma_start3A_175] : memref<2x4x128xi32, #tpu.memory_space<vmem>> -> memref<1x1x128xi32, #tpu.memory_space<vmem>>
        %dma_start3A_177 = tpu.memref_squeeze %dma_start3A_176 : memref<1x1x128xi32, #tpu.memory_space<vmem>> -> memref<128xi32, #tpu.memory_space<vmem>>
        %dma_start3A_178 = arith.constant 0 : i32
        %dma_start3A_179 = arith.constant 0 : i32
        %dma_start3A_180 = tpu.memref_slice %arg2[%dma_start3A_178, %dma_start3A_179] : memref<20000x64xf32, #tpu.memory_space<hbm>> -> memref<20000x64xf32, #tpu.memory_space<hbm>>
        tpu.enqueue_indirect_dma source(%dma_start3A_180 : memref<20000x64xf32, #tpu.memory_space<hbm>>) target(%dma_start3A_174 : memref<128x64xf32, #tpu.memory_space<vmem>>) offsets(%dma_start3A_177 : memref<128xi32, #tpu.memory_space<vmem>>) semaphore(%arg16 : memref<!tpu.dma_semaphore, #tpu.memory_space<semaphore_mem>>)
      } else {
      }
      %dma_wait3A = arith.constant 0 : i32
      %dma_wait3A_70 = arith.constant 0 : i32
      %dma_wait3A_71 = arith.constant 0 : i32
      %dma_wait3A_72 = arith.constant 0 : i32
      %dma_wait3A_73 = tpu.memref_slice %arg14[%rem3A_63, %dma_wait3A_70, %dma_wait3A_71, %dma_wait3A_72] : memref<2x4x128x64xf32, #tpu.memory_space<vmem>> -> memref<1x1x128x64xf32, #tpu.memory_space<vmem>>
      %dma_wait3A_74 = tpu.memref_squeeze %dma_wait3A_73 : memref<1x1x128x64xf32, #tpu.memory_space<vmem>> -> memref<128x64xf32, #tpu.memory_space<vmem>>
      %dma_wait3A_75 = arith.constant 0 : i32
      %dma_wait3A_76 = tpu.memref_slice %arg12[%rem3A_63, %dma_wait3A, %dma_wait3A_75] : memref<2x4x128xi32, #tpu.memory_space<vmem>> -> memref<1x1x128xi32, #tpu.memory_space<vmem>>
      %dma_wait3A_77 = tpu.memref_squeeze %dma_wait3A_76 : memref<1x1x128xi32, #tpu.memory_space<vmem>> -> memref<128xi32, #tpu.memory_space<vmem>>
      %dma_wait3A_78 = arith.constant 0 : i32
      %dma_wait3A_79 = arith.constant 0 : i32
      %dma_wait3A_80 = tpu.memref_slice %arg2[%dma_wait3A_78, %dma_wait3A_79] : memref<20000x64xf32, #tpu.memory_space<hbm>> -> memref<20000x64xf32, #tpu.memory_space<hbm>>
      tpu.wait_indirect_dma semaphore(%arg16 : memref<!tpu.dma_semaphore, #tpu.memory_space<semaphore_mem>>) src(%dma_wait3A_80 : memref<20000x64xf32, #tpu.memory_space<hbm>>) dst(%dma_wait3A_74 : memref<128x64xf32, #tpu.memory_space<vmem>>)
      %dma_wait3A_81 = arith.constant 1 : i32
      %dma_wait3A_82 = arith.constant 1 : i32
      %dma_wait3A_83 = arith.constant 0 : i32
      %dma_wait3A_84 = arith.constant 0 : i32
      %dma_wait3A_85 = tpu.memref_slice %arg14[%rem3A_63, %dma_wait3A_82, %dma_wait3A_83, %dma_wait3A_84] : memref<2x4x128x64xf32, #tpu.memory_space<vmem>> -> memref<1x1x128x64xf32, #tpu.memory_space<vmem>>
      %dma_wait3A_86 = tpu.memref_squeeze %dma_wait3A_85 : memref<1x1x128x64xf32, #tpu.memory_space<vmem>> -> memref<128x64xf32, #tpu.memory_space<vmem>>
      %dma_wait3A_87 = arith.constant 0 : i32
      %dma_wait3A_88 = tpu.memref_slice %arg12[%rem3A_63, %dma_wait3A_81, %dma_wait3A_87] : memref<2x4x128xi32, #tpu.memory_space<vmem>> -> memref<1x1x128xi32, #tpu.memory_space<vmem>>
      %dma_wait3A_89 = tpu.memref_squeeze %dma_wait3A_88 : memref<1x1x128xi32, #tpu.memory_space<vmem>> -> memref<128xi32, #tpu.memory_space<vmem>>
      %dma_wait3A_90 = arith.constant 0 : i32
      %dma_wait3A_91 = arith.constant 0 : i32
      %dma_wait3A_92 = tpu.memref_slice %arg2[%dma_wait3A_90, %dma_wait3A_91] : memref<20000x64xf32, #tpu.memory_space<hbm>> -> memref<20000x64xf32, #tpu.memory_space<hbm>>
      tpu.wait_indirect_dma semaphore(%arg16 : memref<!tpu.dma_semaphore, #tpu.memory_space<semaphore_mem>>) src(%dma_wait3A_92 : memref<20000x64xf32, #tpu.memory_space<hbm>>) dst(%dma_wait3A_86 : memref<128x64xf32, #tpu.memory_space<vmem>>)
      %dma_wait3A_93 = arith.constant 2 : i32
      %dma_wait3A_94 = arith.constant 2 : i32
      %dma_wait3A_95 = arith.constant 0 : i32
      %dma_wait3A_96 = arith.constant 0 : i32
      %dma_wait3A_97 = tpu.memref_slice %arg14[%rem3A_63, %dma_wait3A_94, %dma_wait3A_95, %dma_wait3A_96] : memref<2x4x128x64xf32, #tpu.memory_space<vmem>> -> memref<1x1x128x64xf32, #tpu.memory_space<vmem>>
      %dma_wait3A_98 = tpu.memref_squeeze %dma_wait3A_97 : memref<1x1x128x64xf32, #tpu.memory_space<vmem>> -> memref<128x64xf32, #tpu.memory_space<vmem>>
      %dma_wait3A_99 = arith.constant 0 : i32
      %dma_wait3A_100 = tpu.memref_slice %arg12[%rem3A_63, %dma_wait3A_93, %dma_wait3A_99] : memref<2x4x128xi32, #tpu.memory_space<vmem>> -> memref<1x1x128xi32, #tpu.memory_space<vmem>>
      %dma_wait3A_101 = tpu.memref_squeeze %dma_wait3A_100 : memref<1x1x128xi32, #tpu.memory_space<vmem>> -> memref<128xi32, #tpu.memory_space<vmem>>
      %dma_wait3A_102 = arith.constant 0 : i32
      %dma_wait3A_103 = arith.constant 0 : i32
      %dma_wait3A_104 = tpu.memref_slice %arg2[%dma_wait3A_102, %dma_wait3A_103] : memref<20000x64xf32, #tpu.memory_space<hbm>> -> memref<20000x64xf32, #tpu.memory_space<hbm>>
      tpu.wait_indirect_dma semaphore(%arg16 : memref<!tpu.dma_semaphore, #tpu.memory_space<semaphore_mem>>) src(%dma_wait3A_104 : memref<20000x64xf32, #tpu.memory_space<hbm>>) dst(%dma_wait3A_98 : memref<128x64xf32, #tpu.memory_space<vmem>>)
      %dma_wait3A_105 = arith.constant 3 : i32
      %dma_wait3A_106 = arith.constant 3 : i32
      %dma_wait3A_107 = arith.constant 0 : i32
      %dma_wait3A_108 = arith.constant 0 : i32
      %dma_wait3A_109 = tpu.memref_slice %arg14[%rem3A_63, %dma_wait3A_106, %dma_wait3A_107, %dma_wait3A_108] : memref<2x4x128x64xf32, #tpu.memory_space<vmem>> -> memref<1x1x128x64xf32, #tpu.memory_space<vmem>>
      %dma_wait3A_110 = tpu.memref_squeeze %dma_wait3A_109 : memref<1x1x128x64xf32, #tpu.memory_space<vmem>> -> memref<128x64xf32, #tpu.memory_space<vmem>>
      %dma_wait3A_111 = arith.constant 0 : i32
      %dma_wait3A_112 = tpu.memref_slice %arg12[%rem3A_63, %dma_wait3A_105, %dma_wait3A_111] : memref<2x4x128xi32, #tpu.memory_space<vmem>> -> memref<1x1x128xi32, #tpu.memory_space<vmem>>
      %dma_wait3A_113 = tpu.memref_squeeze %dma_wait3A_112 : memref<1x1x128xi32, #tpu.memory_space<vmem>> -> memref<128xi32, #tpu.memory_space<vmem>>
      %dma_wait3A_114 = arith.constant 0 : i32
      %dma_wait3A_115 = arith.constant 0 : i32
      %dma_wait3A_116 = tpu.memref_slice %arg2[%dma_wait3A_114, %dma_wait3A_115] : memref<20000x64xf32, #tpu.memory_space<hbm>> -> memref<20000x64xf32, #tpu.memory_space<hbm>>
      tpu.wait_indirect_dma semaphore(%arg16 : memref<!tpu.dma_semaphore, #tpu.memory_space<semaphore_mem>>) src(%dma_wait3A_116 : memref<20000x64xf32, #tpu.memory_space<hbm>>) dst(%dma_wait3A_110 : memref<128x64xf32, #tpu.memory_space<vmem>>)
      %run_scoped3A = arith.constant 0 : i32
      %run_scoped3A_117 = arith.constant 0 : i32
      "tpu.region"() ({
        %run_scoped3A_128 = tpu.sem_alloc : memref<!tpu.dma_semaphore, #tpu.memory_space<semaphore_mem>>
        %dma_start3A = arith.constant 0 : i32
        %dma_start3A_129 = arith.constant 0 : i32
        %dma_start3A_130 = tpu.memref_slice %arg14[%rem3A_63, %run_scoped3A, %dma_start3A, %dma_start3A_129] : memref<2x4x128x64xf32, #tpu.memory_space<vmem>> -> memref<1x1x128x64xf32, #tpu.memory_space<vmem>>
        %dma_start3A_131 = tpu.memref_squeeze %dma_start3A_130 : memref<1x1x128x64xf32, #tpu.memory_space<vmem>> -> memref<128x64xf32, #tpu.memory_space<vmem>>
        %dma_start3A_132 = arith.constant 0 : i32
        %dma_start3A_133 = tpu.memref_slice %arg13[%rem3A_63, %run_scoped3A_117, %dma_start3A_132] : memref<2x4x128xi32, #tpu.memory_space<vmem>> -> memref<1x1x128xi32, #tpu.memory_space<vmem>>
        %dma_start3A_134 = tpu.memref_squeeze %dma_start3A_133 : memref<1x1x128xi32, #tpu.memory_space<vmem>> -> memref<128xi32, #tpu.memory_space<vmem>>
        %dma_start3A_135 = arith.constant 0 : i32
        %dma_start3A_136 = arith.constant 0 : i32
        %dma_start3A_137 = tpu.memref_slice %arg15[%dma_start3A_135, %dma_start3A_136] : memref<10112x64xf32, #tpu.memory_space<vmem_shared>> -> memref<10112x64xf32, #tpu.memory_space<vmem_shared>>
        tpu.enqueue_indirect_dma source(%dma_start3A_131 : memref<128x64xf32, #tpu.memory_space<vmem>>) target(%dma_start3A_137 : memref<10112x64xf32, #tpu.memory_space<vmem_shared>>) offsets(%dma_start3A_134 : memref<128xi32, #tpu.memory_space<vmem>>) semaphore(%run_scoped3A_128 : memref<!tpu.dma_semaphore, #tpu.memory_space<semaphore_mem>>) {add = true}
        %dma_wait3A_138 = arith.constant 0 : i32
        %dma_wait3A_139 = arith.constant 0 : i32
        %dma_wait3A_140 = tpu.memref_slice %arg14[%rem3A_63, %run_scoped3A, %dma_wait3A_138, %dma_wait3A_139] : memref<2x4x128x64xf32, #tpu.memory_space<vmem>> -> memref<1x1x128x64xf32, #tpu.memory_space<vmem>>
        %dma_wait3A_141 = tpu.memref_squeeze %dma_wait3A_140 : memref<1x1x128x64xf32, #tpu.memory_space<vmem>> -> memref<128x64xf32, #tpu.memory_space<vmem>>
        %dma_wait3A_142 = arith.constant 0 : i32
        %dma_wait3A_143 = tpu.memref_slice %arg13[%rem3A_63, %run_scoped3A_117, %dma_wait3A_142] : memref<2x4x128xi32, #tpu.memory_space<vmem>> -> memref<1x1x128xi32, #tpu.memory_space<vmem>>
        %dma_wait3A_144 = tpu.memref_squeeze %dma_wait3A_143 : memref<1x1x128xi32, #tpu.memory_space<vmem>> -> memref<128xi32, #tpu.memory_space<vmem>>
        %dma_wait3A_145 = arith.constant 0 : i32
        %dma_wait3A_146 = arith.constant 0 : i32
        %dma_wait3A_147 = tpu.memref_slice %arg15[%dma_wait3A_145, %dma_wait3A_146] : memref<10112x64xf32, #tpu.memory_space<vmem_shared>> -> memref<10112x64xf32, #tpu.memory_space<vmem_shared>>
        tpu.wait_indirect_dma semaphore(%run_scoped3A_128 : memref<!tpu.dma_semaphore, #tpu.memory_space<semaphore_mem>>) src(%dma_wait3A_141 : memref<128x64xf32, #tpu.memory_space<vmem>>) dst(%dma_wait3A_147 : memref<10112x64xf32, #tpu.memory_space<vmem_shared>>)
        tpu.yield
      }) : () -> ()
      %run_scoped3A_118 = arith.constant 0 : i32
      "tpu.region"() ({
        %run_scoped3A_128 = tpu.sem_alloc : memref<!tpu.dma_semaphore, #tpu.memory_space<semaphore_mem>>
        %dma_start3A = arith.constant 0 : i32
        %dma_start3A_129 = tpu.memref_slice %arg13[%rem3A_63, %run_scoped3A_118, %dma_start3A] : memref<2x4x128xi32, #tpu.memory_space<vmem>> -> memref<1x1x128xi32, #tpu.memory_space<vmem>>
        %dma_start3A_130 = tpu.memref_squeeze %dma_start3A_129 : memref<1x1x128xi32, #tpu.memory_space<vmem>> -> memref<128xi32, #tpu.memory_space<vmem>>
        %dma_start3A_131 = arith.constant 0 : i32
        %dma_start3A_132 = arith.constant 0 : i32
        %dma_start3A_133 = tpu.memref_slice %arg18[%dma_start3A_131, %dma_start3A_132] : memref<10112x16xf32, #tpu.memory_space<vmem_shared>> -> memref<10112x16xf32, #tpu.memory_space<vmem_shared>>
        tpu.enqueue_indirect_dma source(%arg17 : memref<128x16xf32, #tpu.memory_space<vmem>>) target(%dma_start3A_133 : memref<10112x16xf32, #tpu.memory_space<vmem_shared>>) offsets(%dma_start3A_130 : memref<128xi32, #tpu.memory_space<vmem>>) semaphore(%run_scoped3A_128 : memref<!tpu.dma_semaphore, #tpu.memory_space<semaphore_mem>>) {add = true}
        %dma_wait3A_134 = arith.constant 0 : i32
        %dma_wait3A_135 = tpu.memref_slice %arg13[%rem3A_63, %run_scoped3A_118, %dma_wait3A_134] : memref<2x4x128xi32, #tpu.memory_space<vmem>> -> memref<1x1x128xi32, #tpu.memory_space<vmem>>
        %dma_wait3A_136 = tpu.memref_squeeze %dma_wait3A_135 : memref<1x1x128xi32, #tpu.memory_space<vmem>> -> memref<128xi32, #tpu.memory_space<vmem>>
        %dma_wait3A_137 = arith.constant 0 : i32
        %dma_wait3A_138 = arith.constant 0 : i32
        %dma_wait3A_139 = tpu.memref_slice %arg18[%dma_wait3A_137, %dma_wait3A_138] : memref<10112x16xf32, #tpu.memory_space<vmem_shared>> -> memref<10112x16xf32, #tpu.memory_space<vmem_shared>>
        tpu.wait_indirect_dma semaphore(%run_scoped3A_128 : memref<!tpu.dma_semaphore, #tpu.memory_space<semaphore_mem>>) src(%arg17 : memref<128x16xf32, #tpu.memory_space<vmem>>) dst(%dma_wait3A_139 : memref<10112x16xf32, #tpu.memory_space<vmem_shared>>)
        tpu.yield
      }) : () -> ()
      %run_scoped3A_119 = arith.constant 1 : i32
      %run_scoped3A_120 = arith.constant 1 : i32
      "tpu.region"() ({
        %run_scoped3A_128 = tpu.sem_alloc : memref<!tpu.dma_semaphore, #tpu.memory_space<semaphore_mem>>
        %dma_start3A = arith.constant 0 : i32
        %dma_start3A_129 = arith.constant 0 : i32
        %dma_start3A_130 = tpu.memref_slice %arg14[%rem3A_63, %run_scoped3A_119, %dma_start3A, %dma_start3A_129] : memref<2x4x128x64xf32, #tpu.memory_space<vmem>> -> memref<1x1x128x64xf32, #tpu.memory_space<vmem>>
        %dma_start3A_131 = tpu.memref_squeeze %dma_start3A_130 : memref<1x1x128x64xf32, #tpu.memory_space<vmem>> -> memref<128x64xf32, #tpu.memory_space<vmem>>
        %dma_start3A_132 = arith.constant 0 : i32
        %dma_start3A_133 = tpu.memref_slice %arg13[%rem3A_63, %run_scoped3A_120, %dma_start3A_132] : memref<2x4x128xi32, #tpu.memory_space<vmem>> -> memref<1x1x128xi32, #tpu.memory_space<vmem>>
        %dma_start3A_134 = tpu.memref_squeeze %dma_start3A_133 : memref<1x1x128xi32, #tpu.memory_space<vmem>> -> memref<128xi32, #tpu.memory_space<vmem>>
        %dma_start3A_135 = arith.constant 0 : i32
        %dma_start3A_136 = arith.constant 0 : i32
        %dma_start3A_137 = tpu.memref_slice %arg15[%dma_start3A_135, %dma_start3A_136] : memref<10112x64xf32, #tpu.memory_space<vmem_shared>> -> memref<10112x64xf32, #tpu.memory_space<vmem_shared>>
        tpu.enqueue_indirect_dma source(%dma_start3A_131 : memref<128x64xf32, #tpu.memory_space<vmem>>) target(%dma_start3A_137 : memref<10112x64xf32, #tpu.memory_space<vmem_shared>>) offsets(%dma_start3A_134 : memref<128xi32, #tpu.memory_space<vmem>>) semaphore(%run_scoped3A_128 : memref<!tpu.dma_semaphore, #tpu.memory_space<semaphore_mem>>) {add = true}
        %dma_wait3A_138 = arith.constant 0 : i32
        %dma_wait3A_139 = arith.constant 0 : i32
        %dma_wait3A_140 = tpu.memref_slice %arg14[%rem3A_63, %run_scoped3A_119, %dma_wait3A_138, %dma_wait3A_139] : memref<2x4x128x64xf32, #tpu.memory_space<vmem>> -> memref<1x1x128x64xf32, #tpu.memory_space<vmem>>
        %dma_wait3A_141 = tpu.memref_squeeze %dma_wait3A_140 : memref<1x1x128x64xf32, #tpu.memory_space<vmem>> -> memref<128x64xf32, #tpu.memory_space<vmem>>
        %dma_wait3A_142 = arith.constant 0 : i32
        %dma_wait3A_143 = tpu.memref_slice %arg13[%rem3A_63, %run_scoped3A_120, %dma_wait3A_142] : memref<2x4x128xi32, #tpu.memory_space<vmem>> -> memref<1x1x128xi32, #tpu.memory_space<vmem>>
        %dma_wait3A_144 = tpu.memref_squeeze %dma_wait3A_143 : memref<1x1x128xi32, #tpu.memory_space<vmem>> -> memref<128xi32, #tpu.memory_space<vmem>>
        %dma_wait3A_145 = arith.constant 0 : i32
        %dma_wait3A_146 = arith.constant 0 : i32
        %dma_wait3A_147 = tpu.memref_slice %arg15[%dma_wait3A_145, %dma_wait3A_146] : memref<10112x64xf32, #tpu.memory_space<vmem_shared>> -> memref<10112x64xf32, #tpu.memory_space<vmem_shared>>
        tpu.wait_indirect_dma semaphore(%run_scoped3A_128 : memref<!tpu.dma_semaphore, #tpu.memory_space<semaphore_mem>>) src(%dma_wait3A_141 : memref<128x64xf32, #tpu.memory_space<vmem>>) dst(%dma_wait3A_147 : memref<10112x64xf32, #tpu.memory_space<vmem_shared>>)
        tpu.yield
      }) : () -> ()
      %run_scoped3A_121 = arith.constant 1 : i32
      "tpu.region"() ({
        %run_scoped3A_128 = tpu.sem_alloc : memref<!tpu.dma_semaphore, #tpu.memory_space<semaphore_mem>>
        %dma_start3A = arith.constant 0 : i32
        %dma_start3A_129 = tpu.memref_slice %arg13[%rem3A_63, %run_scoped3A_121, %dma_start3A] : memref<2x4x128xi32, #tpu.memory_space<vmem>> -> memref<1x1x128xi32, #tpu.memory_space<vmem>>
        %dma_start3A_130 = tpu.memref_squeeze %dma_start3A_129 : memref<1x1x128xi32, #tpu.memory_space<vmem>> -> memref<128xi32, #tpu.memory_space<vmem>>
        %dma_start3A_131 = arith.constant 0 : i32
        %dma_start3A_132 = arith.constant 0 : i32
        %dma_start3A_133 = tpu.memref_slice %arg18[%dma_start3A_131, %dma_start3A_132] : memref<10112x16xf32, #tpu.memory_space<vmem_shared>> -> memref<10112x16xf32, #tpu.memory_space<vmem_shared>>
        tpu.enqueue_indirect_dma source(%arg17 : memref<128x16xf32, #tpu.memory_space<vmem>>) target(%dma_start3A_133 : memref<10112x16xf32, #tpu.memory_space<vmem_shared>>) offsets(%dma_start3A_130 : memref<128xi32, #tpu.memory_space<vmem>>) semaphore(%run_scoped3A_128 : memref<!tpu.dma_semaphore, #tpu.memory_space<semaphore_mem>>) {add = true}
        %dma_wait3A_134 = arith.constant 0 : i32
        %dma_wait3A_135 = tpu.memref_slice %arg13[%rem3A_63, %run_scoped3A_121, %dma_wait3A_134] : memref<2x4x128xi32, #tpu.memory_space<vmem>> -> memref<1x1x128xi32, #tpu.memory_space<vmem>>
        %dma_wait3A_136 = tpu.memref_squeeze %dma_wait3A_135 : memref<1x1x128xi32, #tpu.memory_space<vmem>> -> memref<128xi32, #tpu.memory_space<vmem>>
        %dma_wait3A_137 = arith.constant 0 : i32
        %dma_wait3A_138 = arith.constant 0 : i32
        %dma_wait3A_139 = tpu.memref_slice %arg18[%dma_wait3A_137, %dma_wait3A_138] : memref<10112x16xf32, #tpu.memory_space<vmem_shared>> -> memref<10112x16xf32, #tpu.memory_space<vmem_shared>>
        tpu.wait_indirect_dma semaphore(%run_scoped3A_128 : memref<!tpu.dma_semaphore, #tpu.memory_space<semaphore_mem>>) src(%arg17 : memref<128x16xf32, #tpu.memory_space<vmem>>) dst(%dma_wait3A_139 : memref<10112x16xf32, #tpu.memory_space<vmem_shared>>)
        tpu.yield
      }) : () -> ()
      %run_scoped3A_122 = arith.constant 2 : i32
      %run_scoped3A_123 = arith.constant 2 : i32
      "tpu.region"() ({
        %run_scoped3A_128 = tpu.sem_alloc : memref<!tpu.dma_semaphore, #tpu.memory_space<semaphore_mem>>
        %dma_start3A = arith.constant 0 : i32
        %dma_start3A_129 = arith.constant 0 : i32
        %dma_start3A_130 = tpu.memref_slice %arg14[%rem3A_63, %run_scoped3A_122, %dma_start3A, %dma_start3A_129] : memref<2x4x128x64xf32, #tpu.memory_space<vmem>> -> memref<1x1x128x64xf32, #tpu.memory_space<vmem>>
        %dma_start3A_131 = tpu.memref_squeeze %dma_start3A_130 : memref<1x1x128x64xf32, #tpu.memory_space<vmem>> -> memref<128x64xf32, #tpu.memory_space<vmem>>
        %dma_start3A_132 = arith.constant 0 : i32
        %dma_start3A_133 = tpu.memref_slice %arg13[%rem3A_63, %run_scoped3A_123, %dma_start3A_132] : memref<2x4x128xi32, #tpu.memory_space<vmem>> -> memref<1x1x128xi32, #tpu.memory_space<vmem>>
        %dma_start3A_134 = tpu.memref_squeeze %dma_start3A_133 : memref<1x1x128xi32, #tpu.memory_space<vmem>> -> memref<128xi32, #tpu.memory_space<vmem>>
        %dma_start3A_135 = arith.constant 0 : i32
        %dma_start3A_136 = arith.constant 0 : i32
        %dma_start3A_137 = tpu.memref_slice %arg15[%dma_start3A_135, %dma_start3A_136] : memref<10112x64xf32, #tpu.memory_space<vmem_shared>> -> memref<10112x64xf32, #tpu.memory_space<vmem_shared>>
        tpu.enqueue_indirect_dma source(%dma_start3A_131 : memref<128x64xf32, #tpu.memory_space<vmem>>) target(%dma_start3A_137 : memref<10112x64xf32, #tpu.memory_space<vmem_shared>>) offsets(%dma_start3A_134 : memref<128xi32, #tpu.memory_space<vmem>>) semaphore(%run_scoped3A_128 : memref<!tpu.dma_semaphore, #tpu.memory_space<semaphore_mem>>) {add = true}
        %dma_wait3A_138 = arith.constant 0 : i32
        %dma_wait3A_139 = arith.constant 0 : i32
        %dma_wait3A_140 = tpu.memref_slice %arg14[%rem3A_63, %run_scoped3A_122, %dma_wait3A_138, %dma_wait3A_139] : memref<2x4x128x64xf32, #tpu.memory_space<vmem>> -> memref<1x1x128x64xf32, #tpu.memory_space<vmem>>
        %dma_wait3A_141 = tpu.memref_squeeze %dma_wait3A_140 : memref<1x1x128x64xf32, #tpu.memory_space<vmem>> -> memref<128x64xf32, #tpu.memory_space<vmem>>
        %dma_wait3A_142 = arith.constant 0 : i32
        %dma_wait3A_143 = tpu.memref_slice %arg13[%rem3A_63, %run_scoped3A_123, %dma_wait3A_142] : memref<2x4x128xi32, #tpu.memory_space<vmem>> -> memref<1x1x128xi32, #tpu.memory_space<vmem>>
        %dma_wait3A_144 = tpu.memref_squeeze %dma_wait3A_143 : memref<1x1x128xi32, #tpu.memory_space<vmem>> -> memref<128xi32, #tpu.memory_space<vmem>>
        %dma_wait3A_145 = arith.constant 0 : i32
        %dma_wait3A_146 = arith.constant 0 : i32
        %dma_wait3A_147 = tpu.memref_slice %arg15[%dma_wait3A_145, %dma_wait3A_146] : memref<10112x64xf32, #tpu.memory_space<vmem_shared>> -> memref<10112x64xf32, #tpu.memory_space<vmem_shared>>
        tpu.wait_indirect_dma semaphore(%run_scoped3A_128 : memref<!tpu.dma_semaphore, #tpu.memory_space<semaphore_mem>>) src(%dma_wait3A_141 : memref<128x64xf32, #tpu.memory_space<vmem>>) dst(%dma_wait3A_147 : memref<10112x64xf32, #tpu.memory_space<vmem_shared>>)
        tpu.yield
      }) : () -> ()
      %run_scoped3A_124 = arith.constant 2 : i32
      "tpu.region"() ({
        %run_scoped3A_128 = tpu.sem_alloc : memref<!tpu.dma_semaphore, #tpu.memory_space<semaphore_mem>>
        %dma_start3A = arith.constant 0 : i32
        %dma_start3A_129 = tpu.memref_slice %arg13[%rem3A_63, %run_scoped3A_124, %dma_start3A] : memref<2x4x128xi32, #tpu.memory_space<vmem>> -> memref<1x1x128xi32, #tpu.memory_space<vmem>>
        %dma_start3A_130 = tpu.memref_squeeze %dma_start3A_129 : memref<1x1x128xi32, #tpu.memory_space<vmem>> -> memref<128xi32, #tpu.memory_space<vmem>>
        %dma_start3A_131 = arith.constant 0 : i32
        %dma_start3A_132 = arith.constant 0 : i32
        %dma_start3A_133 = tpu.memref_slice %arg18[%dma_start3A_131, %dma_start3A_132] : memref<10112x16xf32, #tpu.memory_space<vmem_shared>> -> memref<10112x16xf32, #tpu.memory_space<vmem_shared>>
        tpu.enqueue_indirect_dma source(%arg17 : memref<128x16xf32, #tpu.memory_space<vmem>>) target(%dma_start3A_133 : memref<10112x16xf32, #tpu.memory_space<vmem_shared>>) offsets(%dma_start3A_130 : memref<128xi32, #tpu.memory_space<vmem>>) semaphore(%run_scoped3A_128 : memref<!tpu.dma_semaphore, #tpu.memory_space<semaphore_mem>>) {add = true}
        %dma_wait3A_134 = arith.constant 0 : i32
        %dma_wait3A_135 = tpu.memref_slice %arg13[%rem3A_63, %run_scoped3A_124, %dma_wait3A_134] : memref<2x4x128xi32, #tpu.memory_space<vmem>> -> memref<1x1x128xi32, #tpu.memory_space<vmem>>
        %dma_wait3A_136 = tpu.memref_squeeze %dma_wait3A_135 : memref<1x1x128xi32, #tpu.memory_space<vmem>> -> memref<128xi32, #tpu.memory_space<vmem>>
        %dma_wait3A_137 = arith.constant 0 : i32
        %dma_wait3A_138 = arith.constant 0 : i32
        %dma_wait3A_139 = tpu.memref_slice %arg18[%dma_wait3A_137, %dma_wait3A_138] : memref<10112x16xf32, #tpu.memory_space<vmem_shared>> -> memref<10112x16xf32, #tpu.memory_space<vmem_shared>>
        tpu.wait_indirect_dma semaphore(%run_scoped3A_128 : memref<!tpu.dma_semaphore, #tpu.memory_space<semaphore_mem>>) src(%arg17 : memref<128x16xf32, #tpu.memory_space<vmem>>) dst(%dma_wait3A_139 : memref<10112x16xf32, #tpu.memory_space<vmem_shared>>)
        tpu.yield
      }) : () -> ()
      %run_scoped3A_125 = arith.constant 3 : i32
      %run_scoped3A_126 = arith.constant 3 : i32
      "tpu.region"() ({
        %run_scoped3A_128 = tpu.sem_alloc : memref<!tpu.dma_semaphore, #tpu.memory_space<semaphore_mem>>
        %dma_start3A = arith.constant 0 : i32
        %dma_start3A_129 = arith.constant 0 : i32
        %dma_start3A_130 = tpu.memref_slice %arg14[%rem3A_63, %run_scoped3A_125, %dma_start3A, %dma_start3A_129] : memref<2x4x128x64xf32, #tpu.memory_space<vmem>> -> memref<1x1x128x64xf32, #tpu.memory_space<vmem>>
        %dma_start3A_131 = tpu.memref_squeeze %dma_start3A_130 : memref<1x1x128x64xf32, #tpu.memory_space<vmem>> -> memref<128x64xf32, #tpu.memory_space<vmem>>
        %dma_start3A_132 = arith.constant 0 : i32
        %dma_start3A_133 = tpu.memref_slice %arg13[%rem3A_63, %run_scoped3A_126, %dma_start3A_132] : memref<2x4x128xi32, #tpu.memory_space<vmem>> -> memref<1x1x128xi32, #tpu.memory_space<vmem>>
        %dma_start3A_134 = tpu.memref_squeeze %dma_start3A_133 : memref<1x1x128xi32, #tpu.memory_space<vmem>> -> memref<128xi32, #tpu.memory_space<vmem>>
        %dma_start3A_135 = arith.constant 0 : i32
        %dma_start3A_136 = arith.constant 0 : i32
        %dma_start3A_137 = tpu.memref_slice %arg15[%dma_start3A_135, %dma_start3A_136] : memref<10112x64xf32, #tpu.memory_space<vmem_shared>> -> memref<10112x64xf32, #tpu.memory_space<vmem_shared>>
        tpu.enqueue_indirect_dma source(%dma_start3A_131 : memref<128x64xf32, #tpu.memory_space<vmem>>) target(%dma_start3A_137 : memref<10112x64xf32, #tpu.memory_space<vmem_shared>>) offsets(%dma_start3A_134 : memref<128xi32, #tpu.memory_space<vmem>>) semaphore(%run_scoped3A_128 : memref<!tpu.dma_semaphore, #tpu.memory_space<semaphore_mem>>) {add = true}
        %dma_wait3A_138 = arith.constant 0 : i32
        %dma_wait3A_139 = arith.constant 0 : i32
        %dma_wait3A_140 = tpu.memref_slice %arg14[%rem3A_63, %run_scoped3A_125, %dma_wait3A_138, %dma_wait3A_139] : memref<2x4x128x64xf32, #tpu.memory_space<vmem>> -> memref<1x1x128x64xf32, #tpu.memory_space<vmem>>
        %dma_wait3A_141 = tpu.memref_squeeze %dma_wait3A_140 : memref<1x1x128x64xf32, #tpu.memory_space<vmem>> -> memref<128x64xf32, #tpu.memory_space<vmem>>
        %dma_wait3A_142 = arith.constant 0 : i32
        %dma_wait3A_143 = tpu.memref_slice %arg13[%rem3A_63, %run_scoped3A_126, %dma_wait3A_142] : memref<2x4x128xi32, #tpu.memory_space<vmem>> -> memref<1x1x128xi32, #tpu.memory_space<vmem>>
        %dma_wait3A_144 = tpu.memref_squeeze %dma_wait3A_143 : memref<1x1x128xi32, #tpu.memory_space<vmem>> -> memref<128xi32, #tpu.memory_space<vmem>>
        %dma_wait3A_145 = arith.constant 0 : i32
        %dma_wait3A_146 = arith.constant 0 : i32
        %dma_wait3A_147 = tpu.memref_slice %arg15[%dma_wait3A_145, %dma_wait3A_146] : memref<10112x64xf32, #tpu.memory_space<vmem_shared>> -> memref<10112x64xf32, #tpu.memory_space<vmem_shared>>
        tpu.wait_indirect_dma semaphore(%run_scoped3A_128 : memref<!tpu.dma_semaphore, #tpu.memory_space<semaphore_mem>>) src(%dma_wait3A_141 : memref<128x64xf32, #tpu.memory_space<vmem>>) dst(%dma_wait3A_147 : memref<10112x64xf32, #tpu.memory_space<vmem_shared>>)
        tpu.yield
      }) : () -> ()
      %run_scoped3A_127 = arith.constant 3 : i32
      "tpu.region"() ({
        %run_scoped3A_128 = tpu.sem_alloc : memref<!tpu.dma_semaphore, #tpu.memory_space<semaphore_mem>>
        %dma_start3A = arith.constant 0 : i32
        %dma_start3A_129 = tpu.memref_slice %arg13[%rem3A_63, %run_scoped3A_127, %dma_start3A] : memref<2x4x128xi32, #tpu.memory_space<vmem>> -> memref<1x1x128xi32, #tpu.memory_space<vmem>>
        %dma_start3A_130 = tpu.memref_squeeze %dma_start3A_129 : memref<1x1x128xi32, #tpu.memory_space<vmem>> -> memref<128xi32, #tpu.memory_space<vmem>>
        %dma_start3A_131 = arith.constant 0 : i32
        %dma_start3A_132 = arith.constant 0 : i32
        %dma_start3A_133 = tpu.memref_slice %arg18[%dma_start3A_131, %dma_start3A_132] : memref<10112x16xf32, #tpu.memory_space<vmem_shared>> -> memref<10112x16xf32, #tpu.memory_space<vmem_shared>>
        tpu.enqueue_indirect_dma source(%arg17 : memref<128x16xf32, #tpu.memory_space<vmem>>) target(%dma_start3A_133 : memref<10112x16xf32, #tpu.memory_space<vmem_shared>>) offsets(%dma_start3A_130 : memref<128xi32, #tpu.memory_space<vmem>>) semaphore(%run_scoped3A_128 : memref<!tpu.dma_semaphore, #tpu.memory_space<semaphore_mem>>) {add = true}
        %dma_wait3A_134 = arith.constant 0 : i32
        %dma_wait3A_135 = tpu.memref_slice %arg13[%rem3A_63, %run_scoped3A_127, %dma_wait3A_134] : memref<2x4x128xi32, #tpu.memory_space<vmem>> -> memref<1x1x128xi32, #tpu.memory_space<vmem>>
        %dma_wait3A_136 = tpu.memref_squeeze %dma_wait3A_135 : memref<1x1x128xi32, #tpu.memory_space<vmem>> -> memref<128xi32, #tpu.memory_space<vmem>>
        %dma_wait3A_137 = arith.constant 0 : i32
        %dma_wait3A_138 = arith.constant 0 : i32
        %dma_wait3A_139 = tpu.memref_slice %arg18[%dma_wait3A_137, %dma_wait3A_138] : memref<10112x16xf32, #tpu.memory_space<vmem_shared>> -> memref<10112x16xf32, #tpu.memory_space<vmem_shared>>
        tpu.wait_indirect_dma semaphore(%run_scoped3A_128 : memref<!tpu.dma_semaphore, #tpu.memory_space<semaphore_mem>>) src(%arg17 : memref<128x16xf32, #tpu.memory_space<vmem>>) dst(%dma_wait3A_139 : memref<10112x16xf32, #tpu.memory_space<vmem_shared>>)
        tpu.yield
      }) : () -> ()
    }
    %while3A_23 = arith.constant 1 : i32
    scf.for %while3A_62 = %while3A_21 to %while3A_17 step %while3A_23  : i32 {
      %rem3A = arith.constant 2 : i32
      %rem3A_63 = arith.remsi %while3A_62, %rem3A : i32
      %add3A_64 = arith.constant 1 : i32
      %add3A_65 = arith.addi %while3A_62, %add3A_64 : i32
      %lt3A_66 = arith.cmpi slt, %add3A_65, %add3A_4 : i32
      %convert_element_type3A_67 = arith.extui %lt3A_66 : i1 to i32
      %cond3A_68 = arith.constant 0 : i32
      %cond3A_69 = arith.cmpi ne, %convert_element_type3A_67, %cond3A_68 : i32
      scf.if %cond3A_69 {
        %sub3A = arith.constant 1 : i32
        %sub3A_128 = arith.subi %sub3A, %rem3A_63 : i32
        %add3A_129 = arith.constant 1 : i32
        %add3A_130 = arith.addi %while3A_62, %add3A_129 : i32
        %add3A_131 = arith.addi %add3A_8, %add3A_130 : i32
        %mul3A_132 = arith.constant 4 : i32
        %mul3A_133 = arith.muli %add3A_131, %mul3A_132 : i32
        "tpu.region"() ({
          %run_scoped3A_181 = tpu.sem_alloc : memref<!tpu.dma_semaphore, #tpu.memory_space<semaphore_mem>>
          %dma_start3A_182 = arith.constant 0 : i32
          %dma_start3A_183 = arith.constant 0 : i32
          %dma_start3A_184 = tpu.memref_slice %arg12[%sub3A_128, %dma_start3A_182, %dma_start3A_183] : memref<2x4x128xi32, #tpu.memory_space<vmem>> -> memref<1x4x128xi32, #tpu.memory_space<vmem>>
          %dma_start3A_185 = tpu.memref_squeeze %dma_start3A_184 : memref<1x4x128xi32, #tpu.memory_space<vmem>> -> memref<4x128xi32, #tpu.memory_space<vmem>>
          %dma_start3A_186 = arith.constant 0 : i32
          %dma_start3A_187 = tpu.memref_slice %arg3[%mul3A_133, %dma_start3A_186] : memref<2500x128xi32, #tpu.memory_space<hbm>> -> memref<4x128xi32, #tpu.memory_space<hbm>>
          %dma_start3A_188 = arith.constant 0 : i32
          %dma_start3A_189 = arith.constant 0 : i32
          %dma_start3A_190 = tpu.memref_slice %arg12[%sub3A_128, %dma_start3A_188, %dma_start3A_189] : memref<2x4x128xi32, #tpu.memory_space<vmem>> -> memref<1x4x128xi32, #tpu.memory_space<vmem>>
          %dma_start3A_191 = tpu.memref_squeeze %dma_start3A_190 : memref<1x4x128xi32, #tpu.memory_space<vmem>> -> memref<4x128xi32, #tpu.memory_space<vmem>>
          %dma_start3A_192 = arith.constant 0 : i32
          %dma_start3A_193 = tpu.memref_slice %arg3[%mul3A_133, %dma_start3A_192] : memref<2500x128xi32, #tpu.memory_space<hbm>> -> memref<4x128xi32, #tpu.memory_space<hbm>>
          tpu.enqueue_dma source(%dma_start3A_193 : memref<4x128xi32, #tpu.memory_space<hbm>>) target(%dma_start3A_191 : memref<4x128xi32, #tpu.memory_space<vmem>>) target_semaphore(%run_scoped3A_181 : memref<!tpu.dma_semaphore, #tpu.memory_space<semaphore_mem>>)
          %dma_wait3A_194 = arith.constant 0 : i32
          %dma_wait3A_195 = arith.constant 0 : i32
          %dma_wait3A_196 = tpu.memref_slice %arg12[%sub3A_128, %dma_wait3A_194, %dma_wait3A_195] : memref<2x4x128xi32, #tpu.memory_space<vmem>> -> memref<1x4x128xi32, #tpu.memory_space<vmem>>
          %dma_wait3A_197 = tpu.memref_squeeze %dma_wait3A_196 : memref<1x4x128xi32, #tpu.memory_space<vmem>> -> memref<4x128xi32, #tpu.memory_space<vmem>>
          %dma_wait3A_198 = arith.constant 0 : i32
          %dma_wait3A_199 = tpu.memref_slice %arg3[%mul3A_133, %dma_wait3A_198] : memref<2500x128xi32, #tpu.memory_space<hbm>> -> memref<4x128xi32, #tpu.memory_space<hbm>>
          %dma_wait3A_200 = arith.constant 0 : i32
          %dma_wait3A_201 = arith.constant 0 : i32
          %dma_wait3A_202 = tpu.memref_slice %arg12[%sub3A_128, %dma_wait3A_200, %dma_wait3A_201] : memref<2x4x128xi32, #tpu.memory_space<vmem>> -> memref<1x4x128xi32, #tpu.memory_space<vmem>>
          %dma_wait3A_203 = tpu.memref_squeeze %dma_wait3A_202 : memref<1x4x128xi32, #tpu.memory_space<vmem>> -> memref<4x128xi32, #tpu.memory_space<vmem>>
          %dma_wait3A_204 = arith.constant 0 : i32
          %dma_wait3A_205 = tpu.memref_slice %arg3[%mul3A_133, %dma_wait3A_204] : memref<2500x128xi32, #tpu.memory_space<hbm>> -> memref<4x128xi32, #tpu.memory_space<hbm>>
          tpu.wait_dma2 semaphore(%run_scoped3A_181 : memref<!tpu.dma_semaphore, #tpu.memory_space<semaphore_mem>>) src(%dma_wait3A_205 : memref<4x128xi32, #tpu.memory_space<hbm>>) dst(%dma_wait3A_203 : memref<4x128xi32, #tpu.memory_space<vmem>>)
          tpu.yield
        }) : () -> ()
        "tpu.region"() ({
          %run_scoped3A_181 = tpu.sem_alloc : memref<!tpu.dma_semaphore, #tpu.memory_space<semaphore_mem>>
          %dma_start3A_182 = arith.constant 0 : i32
          %dma_start3A_183 = arith.constant 0 : i32
          %dma_start3A_184 = tpu.memref_slice %arg13[%sub3A_128, %dma_start3A_182, %dma_start3A_183] : memref<2x4x128xi32, #tpu.memory_space<vmem>> -> memref<1x4x128xi32, #tpu.memory_space<vmem>>
          %dma_start3A_185 = tpu.memref_squeeze %dma_start3A_184 : memref<1x4x128xi32, #tpu.memory_space<vmem>> -> memref<4x128xi32, #tpu.memory_space<vmem>>
          %dma_start3A_186 = arith.constant 0 : i32
          %dma_start3A_187 = tpu.memref_slice %arg5[%mul3A_133, %dma_start3A_186] : memref<2500x128xi32, #tpu.memory_space<hbm>> -> memref<4x128xi32, #tpu.memory_space<hbm>>
          %dma_start3A_188 = arith.constant 0 : i32
          %dma_start3A_189 = arith.constant 0 : i32
          %dma_start3A_190 = tpu.memref_slice %arg13[%sub3A_128, %dma_start3A_188, %dma_start3A_189] : memref<2x4x128xi32, #tpu.memory_space<vmem>> -> memref<1x4x128xi32, #tpu.memory_space<vmem>>
          %dma_start3A_191 = tpu.memref_squeeze %dma_start3A_190 : memref<1x4x128xi32, #tpu.memory_space<vmem>> -> memref<4x128xi32, #tpu.memory_space<vmem>>
          %dma_start3A_192 = arith.constant 0 : i32
          %dma_start3A_193 = tpu.memref_slice %arg5[%mul3A_133, %dma_start3A_192] : memref<2500x128xi32, #tpu.memory_space<hbm>> -> memref<4x128xi32, #tpu.memory_space<hbm>>
          tpu.enqueue_dma source(%dma_start3A_193 : memref<4x128xi32, #tpu.memory_space<hbm>>) target(%dma_start3A_191 : memref<4x128xi32, #tpu.memory_space<vmem>>) target_semaphore(%run_scoped3A_181 : memref<!tpu.dma_semaphore, #tpu.memory_space<semaphore_mem>>)
          %dma_wait3A_194 = arith.constant 0 : i32
          %dma_wait3A_195 = arith.constant 0 : i32
          %dma_wait3A_196 = tpu.memref_slice %arg13[%sub3A_128, %dma_wait3A_194, %dma_wait3A_195] : memref<2x4x128xi32, #tpu.memory_space<vmem>> -> memref<1x4x128xi32, #tpu.memory_space<vmem>>
          %dma_wait3A_197 = tpu.memref_squeeze %dma_wait3A_196 : memref<1x4x128xi32, #tpu.memory_space<vmem>> -> memref<4x128xi32, #tpu.memory_space<vmem>>
          %dma_wait3A_198 = arith.constant 0 : i32
          %dma_wait3A_199 = tpu.memref_slice %arg5[%mul3A_133, %dma_wait3A_198] : memref<2500x128xi32, #tpu.memory_space<hbm>> -> memref<4x128xi32, #tpu.memory_space<hbm>>
          %dma_wait3A_200 = arith.constant 0 : i32
          %dma_wait3A_201 = arith.constant 0 : i32
          %dma_wait3A_202 = tpu.memref_slice %arg13[%sub3A_128, %dma_wait3A_200, %dma_wait3A_201] : memref<2x4x128xi32, #tpu.memory_space<vmem>> -> memref<1x4x128xi32, #tpu.memory_space<vmem>>
          %dma_wait3A_203 = tpu.memref_squeeze %dma_wait3A_202 : memref<1x4x128xi32, #tpu.memory_space<vmem>> -> memref<4x128xi32, #tpu.memory_space<vmem>>
          %dma_wait3A_204 = arith.constant 0 : i32
          %dma_wait3A_205 = tpu.memref_slice %arg5[%mul3A_133, %dma_wait3A_204] : memref<2500x128xi32, #tpu.memory_space<hbm>> -> memref<4x128xi32, #tpu.memory_space<hbm>>
          tpu.wait_dma2 semaphore(%run_scoped3A_181 : memref<!tpu.dma_semaphore, #tpu.memory_space<semaphore_mem>>) src(%dma_wait3A_205 : memref<4x128xi32, #tpu.memory_space<hbm>>) dst(%dma_wait3A_203 : memref<4x128xi32, #tpu.memory_space<vmem>>)
          tpu.yield
        }) : () -> ()
        %dma_start3A = arith.constant 0 : i32
        %dma_start3A_134 = arith.constant 0 : i32
        %dma_start3A_135 = arith.constant 0 : i32
        %dma_start3A_136 = arith.constant 0 : i32
        %dma_start3A_137 = tpu.memref_slice %arg14[%sub3A_128, %dma_start3A_134, %dma_start3A_135, %dma_start3A_136] : memref<2x4x128x64xf32, #tpu.memory_space<vmem>> -> memref<1x1x128x64xf32, #tpu.memory_space<vmem>>
        %dma_start3A_138 = tpu.memref_squeeze %dma_start3A_137 : memref<1x1x128x64xf32, #tpu.memory_space<vmem>> -> memref<128x64xf32, #tpu.memory_space<vmem>>
        %dma_start3A_139 = arith.constant 0 : i32
        %dma_start3A_140 = tpu.memref_slice %arg12[%sub3A_128, %dma_start3A, %dma_start3A_139] : memref<2x4x128xi32, #tpu.memory_space<vmem>> -> memref<1x1x128xi32, #tpu.memory_space<vmem>>
        %dma_start3A_141 = tpu.memref_squeeze %dma_start3A_140 : memref<1x1x128xi32, #tpu.memory_space<vmem>> -> memref<128xi32, #tpu.memory_space<vmem>>
        %dma_start3A_142 = arith.constant 0 : i32
        %dma_start3A_143 = arith.constant 0 : i32
        %dma_start3A_144 = tpu.memref_slice %arg2[%dma_start3A_142, %dma_start3A_143] : memref<20000x64xf32, #tpu.memory_space<hbm>> -> memref<20000x64xf32, #tpu.memory_space<hbm>>
        tpu.enqueue_indirect_dma source(%dma_start3A_144 : memref<20000x64xf32, #tpu.memory_space<hbm>>) target(%dma_start3A_138 : memref<128x64xf32, #tpu.memory_space<vmem>>) offsets(%dma_start3A_141 : memref<128xi32, #tpu.memory_space<vmem>>) semaphore(%arg16 : memref<!tpu.dma_semaphore, #tpu.memory_space<semaphore_mem>>)
        %dma_start3A_145 = arith.constant 1 : i32
        %dma_start3A_146 = arith.constant 1 : i32
        %dma_start3A_147 = arith.constant 0 : i32
        %dma_start3A_148 = arith.constant 0 : i32
        %dma_start3A_149 = tpu.memref_slice %arg14[%sub3A_128, %dma_start3A_146, %dma_start3A_147, %dma_start3A_148] : memref<2x4x128x64xf32, #tpu.memory_space<vmem>> -> memref<1x1x128x64xf32, #tpu.memory_space<vmem>>
        %dma_start3A_150 = tpu.memref_squeeze %dma_start3A_149 : memref<1x1x128x64xf32, #tpu.memory_space<vmem>> -> memref<128x64xf32, #tpu.memory_space<vmem>>
        %dma_start3A_151 = arith.constant 0 : i32
        %dma_start3A_152 = tpu.memref_slice %arg12[%sub3A_128, %dma_start3A_145, %dma_start3A_151] : memref<2x4x128xi32, #tpu.memory_space<vmem>> -> memref<1x1x128xi32, #tpu.memory_space<vmem>>
        %dma_start3A_153 = tpu.memref_squeeze %dma_start3A_152 : memref<1x1x128xi32, #tpu.memory_space<vmem>> -> memref<128xi32, #tpu.memory_space<vmem>>
        %dma_start3A_154 = arith.constant 0 : i32
        %dma_start3A_155 = arith.constant 0 : i32
        %dma_start3A_156 = tpu.memref_slice %arg2[%dma_start3A_154, %dma_start3A_155] : memref<20000x64xf32, #tpu.memory_space<hbm>> -> memref<20000x64xf32, #tpu.memory_space<hbm>>
        tpu.enqueue_indirect_dma source(%dma_start3A_156 : memref<20000x64xf32, #tpu.memory_space<hbm>>) target(%dma_start3A_150 : memref<128x64xf32, #tpu.memory_space<vmem>>) offsets(%dma_start3A_153 : memref<128xi32, #tpu.memory_space<vmem>>) semaphore(%arg16 : memref<!tpu.dma_semaphore, #tpu.memory_space<semaphore_mem>>)
        %dma_start3A_157 = arith.constant 2 : i32
        %dma_start3A_158 = arith.constant 2 : i32
        %dma_start3A_159 = arith.constant 0 : i32
        %dma_start3A_160 = arith.constant 0 : i32
        %dma_start3A_161 = tpu.memref_slice %arg14[%sub3A_128, %dma_start3A_158, %dma_start3A_159, %dma_start3A_160] : memref<2x4x128x64xf32, #tpu.memory_space<vmem>> -> memref<1x1x128x64xf32, #tpu.memory_space<vmem>>
        %dma_start3A_162 = tpu.memref_squeeze %dma_start3A_161 : memref<1x1x128x64xf32, #tpu.memory_space<vmem>> -> memref<128x64xf32, #tpu.memory_space<vmem>>
        %dma_start3A_163 = arith.constant 0 : i32
        %dma_start3A_164 = tpu.memref_slice %arg12[%sub3A_128, %dma_start3A_157, %dma_start3A_163] : memref<2x4x128xi32, #tpu.memory_space<vmem>> -> memref<1x1x128xi32, #tpu.memory_space<vmem>>
        %dma_start3A_165 = tpu.memref_squeeze %dma_start3A_164 : memref<1x1x128xi32, #tpu.memory_space<vmem>> -> memref<128xi32, #tpu.memory_space<vmem>>
        %dma_start3A_166 = arith.constant 0 : i32
        %dma_start3A_167 = arith.constant 0 : i32
        %dma_start3A_168 = tpu.memref_slice %arg2[%dma_start3A_166, %dma_start3A_167] : memref<20000x64xf32, #tpu.memory_space<hbm>> -> memref<20000x64xf32, #tpu.memory_space<hbm>>
        tpu.enqueue_indirect_dma source(%dma_start3A_168 : memref<20000x64xf32, #tpu.memory_space<hbm>>) target(%dma_start3A_162 : memref<128x64xf32, #tpu.memory_space<vmem>>) offsets(%dma_start3A_165 : memref<128xi32, #tpu.memory_space<vmem>>) semaphore(%arg16 : memref<!tpu.dma_semaphore, #tpu.memory_space<semaphore_mem>>)
        %dma_start3A_169 = arith.constant 3 : i32
        %dma_start3A_170 = arith.constant 3 : i32
        %dma_start3A_171 = arith.constant 0 : i32
        %dma_start3A_172 = arith.constant 0 : i32
        %dma_start3A_173 = tpu.memref_slice %arg14[%sub3A_128, %dma_start3A_170, %dma_start3A_171, %dma_start3A_172] : memref<2x4x128x64xf32, #tpu.memory_space<vmem>> -> memref<1x1x128x64xf32, #tpu.memory_space<vmem>>
        %dma_start3A_174 = tpu.memref_squeeze %dma_start3A_173 : memref<1x1x128x64xf32, #tpu.memory_space<vmem>> -> memref<128x64xf32, #tpu.memory_space<vmem>>
        %dma_start3A_175 = arith.constant 0 : i32
        %dma_start3A_176 = tpu.memref_slice %arg12[%sub3A_128, %dma_start3A_169, %dma_start3A_175] : memref<2x4x128xi32, #tpu.memory_space<vmem>> -> memref<1x1x128xi32, #tpu.memory_space<vmem>>
        %dma_start3A_177 = tpu.memref_squeeze %dma_start3A_176 : memref<1x1x128xi32, #tpu.memory_space<vmem>> -> memref<128xi32, #tpu.memory_space<vmem>>
        %dma_start3A_178 = arith.constant 0 : i32
        %dma_start3A_179 = arith.constant 0 : i32
        %dma_start3A_180 = tpu.memref_slice %arg2[%dma_start3A_178, %dma_start3A_179] : memref<20000x64xf32, #tpu.memory_space<hbm>> -> memref<20000x64xf32, #tpu.memory_space<hbm>>
        tpu.enqueue_indirect_dma source(%dma_start3A_180 : memref<20000x64xf32, #tpu.memory_space<hbm>>) target(%dma_start3A_174 : memref<128x64xf32, #tpu.memory_space<vmem>>) offsets(%dma_start3A_177 : memref<128xi32, #tpu.memory_space<vmem>>) semaphore(%arg16 : memref<!tpu.dma_semaphore, #tpu.memory_space<semaphore_mem>>)
      } else {
      }
      %dma_wait3A = arith.constant 0 : i32
      %dma_wait3A_70 = arith.constant 0 : i32
      %dma_wait3A_71 = arith.constant 0 : i32
      %dma_wait3A_72 = arith.constant 0 : i32
      %dma_wait3A_73 = tpu.memref_slice %arg14[%rem3A_63, %dma_wait3A_70, %dma_wait3A_71, %dma_wait3A_72] : memref<2x4x128x64xf32, #tpu.memory_space<vmem>> -> memref<1x1x128x64xf32, #tpu.memory_space<vmem>>
      %dma_wait3A_74 = tpu.memref_squeeze %dma_wait3A_73 : memref<1x1x128x64xf32, #tpu.memory_space<vmem>> -> memref<128x64xf32, #tpu.memory_space<vmem>>
      %dma_wait3A_75 = arith.constant 0 : i32
      %dma_wait3A_76 = tpu.memref_slice %arg12[%rem3A_63, %dma_wait3A, %dma_wait3A_75] : memref<2x4x128xi32, #tpu.memory_space<vmem>> -> memref<1x1x128xi32, #tpu.memory_space<vmem>>
      %dma_wait3A_77 = tpu.memref_squeeze %dma_wait3A_76 : memref<1x1x128xi32, #tpu.memory_space<vmem>> -> memref<128xi32, #tpu.memory_space<vmem>>
      %dma_wait3A_78 = arith.constant 0 : i32
      %dma_wait3A_79 = arith.constant 0 : i32
      %dma_wait3A_80 = tpu.memref_slice %arg2[%dma_wait3A_78, %dma_wait3A_79] : memref<20000x64xf32, #tpu.memory_space<hbm>> -> memref<20000x64xf32, #tpu.memory_space<hbm>>
      tpu.wait_indirect_dma semaphore(%arg16 : memref<!tpu.dma_semaphore, #tpu.memory_space<semaphore_mem>>) src(%dma_wait3A_80 : memref<20000x64xf32, #tpu.memory_space<hbm>>) dst(%dma_wait3A_74 : memref<128x64xf32, #tpu.memory_space<vmem>>)
      %dma_wait3A_81 = arith.constant 1 : i32
      %dma_wait3A_82 = arith.constant 1 : i32
      %dma_wait3A_83 = arith.constant 0 : i32
      %dma_wait3A_84 = arith.constant 0 : i32
      %dma_wait3A_85 = tpu.memref_slice %arg14[%rem3A_63, %dma_wait3A_82, %dma_wait3A_83, %dma_wait3A_84] : memref<2x4x128x64xf32, #tpu.memory_space<vmem>> -> memref<1x1x128x64xf32, #tpu.memory_space<vmem>>
      %dma_wait3A_86 = tpu.memref_squeeze %dma_wait3A_85 : memref<1x1x128x64xf32, #tpu.memory_space<vmem>> -> memref<128x64xf32, #tpu.memory_space<vmem>>
      %dma_wait3A_87 = arith.constant 0 : i32
      %dma_wait3A_88 = tpu.memref_slice %arg12[%rem3A_63, %dma_wait3A_81, %dma_wait3A_87] : memref<2x4x128xi32, #tpu.memory_space<vmem>> -> memref<1x1x128xi32, #tpu.memory_space<vmem>>
      %dma_wait3A_89 = tpu.memref_squeeze %dma_wait3A_88 : memref<1x1x128xi32, #tpu.memory_space<vmem>> -> memref<128xi32, #tpu.memory_space<vmem>>
      %dma_wait3A_90 = arith.constant 0 : i32
      %dma_wait3A_91 = arith.constant 0 : i32
      %dma_wait3A_92 = tpu.memref_slice %arg2[%dma_wait3A_90, %dma_wait3A_91] : memref<20000x64xf32, #tpu.memory_space<hbm>> -> memref<20000x64xf32, #tpu.memory_space<hbm>>
      tpu.wait_indirect_dma semaphore(%arg16 : memref<!tpu.dma_semaphore, #tpu.memory_space<semaphore_mem>>) src(%dma_wait3A_92 : memref<20000x64xf32, #tpu.memory_space<hbm>>) dst(%dma_wait3A_86 : memref<128x64xf32, #tpu.memory_space<vmem>>)
      %dma_wait3A_93 = arith.constant 2 : i32
      %dma_wait3A_94 = arith.constant 2 : i32
      %dma_wait3A_95 = arith.constant 0 : i32
      %dma_wait3A_96 = arith.constant 0 : i32
      %dma_wait3A_97 = tpu.memref_slice %arg14[%rem3A_63, %dma_wait3A_94, %dma_wait3A_95, %dma_wait3A_96] : memref<2x4x128x64xf32, #tpu.memory_space<vmem>> -> memref<1x1x128x64xf32, #tpu.memory_space<vmem>>
      %dma_wait3A_98 = tpu.memref_squeeze %dma_wait3A_97 : memref<1x1x128x64xf32, #tpu.memory_space<vmem>> -> memref<128x64xf32, #tpu.memory_space<vmem>>
      %dma_wait3A_99 = arith.constant 0 : i32
      %dma_wait3A_100 = tpu.memref_slice %arg12[%rem3A_63, %dma_wait3A_93, %dma_wait3A_99] : memref<2x4x128xi32, #tpu.memory_space<vmem>> -> memref<1x1x128xi32, #tpu.memory_space<vmem>>
      %dma_wait3A_101 = tpu.memref_squeeze %dma_wait3A_100 : memref<1x1x128xi32, #tpu.memory_space<vmem>> -> memref<128xi32, #tpu.memory_space<vmem>>
      %dma_wait3A_102 = arith.constant 0 : i32
      %dma_wait3A_103 = arith.constant 0 : i32
      %dma_wait3A_104 = tpu.memref_slice %arg2[%dma_wait3A_102, %dma_wait3A_103] : memref<20000x64xf32, #tpu.memory_space<hbm>> -> memref<20000x64xf32, #tpu.memory_space<hbm>>
      tpu.wait_indirect_dma semaphore(%arg16 : memref<!tpu.dma_semaphore, #tpu.memory_space<semaphore_mem>>) src(%dma_wait3A_104 : memref<20000x64xf32, #tpu.memory_space<hbm>>) dst(%dma_wait3A_98 : memref<128x64xf32, #tpu.memory_space<vmem>>)
      %dma_wait3A_105 = arith.constant 3 : i32
      %dma_wait3A_106 = arith.constant 3 : i32
      %dma_wait3A_107 = arith.constant 0 : i32
      %dma_wait3A_108 = arith.constant 0 : i32
      %dma_wait3A_109 = tpu.memref_slice %arg14[%rem3A_63, %dma_wait3A_106, %dma_wait3A_107, %dma_wait3A_108] : memref<2x4x128x64xf32, #tpu.memory_space<vmem>> -> memref<1x1x128x64xf32, #tpu.memory_space<vmem>>
      %dma_wait3A_110 = tpu.memref_squeeze %dma_wait3A_109 : memref<1x1x128x64xf32, #tpu.memory_space<vmem>> -> memref<128x64xf32, #tpu.memory_space<vmem>>
      %dma_wait3A_111 = arith.constant 0 : i32
      %dma_wait3A_112 = tpu.memref_slice %arg12[%rem3A_63, %dma_wait3A_105, %dma_wait3A_111] : memref<2x4x128xi32, #tpu.memory_space<vmem>> -> memref<1x1x128xi32, #tpu.memory_space<vmem>>
      %dma_wait3A_113 = tpu.memref_squeeze %dma_wait3A_112 : memref<1x1x128xi32, #tpu.memory_space<vmem>> -> memref<128xi32, #tpu.memory_space<vmem>>
      %dma_wait3A_114 = arith.constant 0 : i32
      %dma_wait3A_115 = arith.constant 0 : i32
      %dma_wait3A_116 = tpu.memref_slice %arg2[%dma_wait3A_114, %dma_wait3A_115] : memref<20000x64xf32, #tpu.memory_space<hbm>> -> memref<20000x64xf32, #tpu.memory_space<hbm>>
      tpu.wait_indirect_dma semaphore(%arg16 : memref<!tpu.dma_semaphore, #tpu.memory_space<semaphore_mem>>) src(%dma_wait3A_116 : memref<20000x64xf32, #tpu.memory_space<hbm>>) dst(%dma_wait3A_110 : memref<128x64xf32, #tpu.memory_space<vmem>>)
      %run_scoped3A = arith.constant 0 : i32
      %run_scoped3A_117 = arith.constant 0 : i32
      "tpu.region"() ({
        %run_scoped3A_128 = tpu.sem_alloc : memref<!tpu.dma_semaphore, #tpu.memory_space<semaphore_mem>>
        %dma_start3A = arith.constant 0 : i32
        %dma_start3A_129 = arith.constant 0 : i32
        %dma_start3A_130 = tpu.memref_slice %arg14[%rem3A_63, %run_scoped3A, %dma_start3A, %dma_start3A_129] : memref<2x4x128x64xf32, #tpu.memory_space<vmem>> -> memref<1x1x128x64xf32, #tpu.memory_space<vmem>>
        %dma_start3A_131 = tpu.memref_squeeze %dma_start3A_130 : memref<1x1x128x64xf32, #tpu.memory_space<vmem>> -> memref<128x64xf32, #tpu.memory_space<vmem>>
        %dma_start3A_132 = arith.constant 0 : i32
        %dma_start3A_133 = tpu.memref_slice %arg13[%rem3A_63, %run_scoped3A_117, %dma_start3A_132] : memref<2x4x128xi32, #tpu.memory_space<vmem>> -> memref<1x1x128xi32, #tpu.memory_space<vmem>>
        %dma_start3A_134 = tpu.memref_squeeze %dma_start3A_133 : memref<1x1x128xi32, #tpu.memory_space<vmem>> -> memref<128xi32, #tpu.memory_space<vmem>>
        %dma_start3A_135 = arith.constant 0 : i32
        %dma_start3A_136 = arith.constant 0 : i32
        %dma_start3A_137 = tpu.memref_slice %arg15[%dma_start3A_135, %dma_start3A_136] : memref<10112x64xf32, #tpu.memory_space<vmem_shared>> -> memref<10112x64xf32, #tpu.memory_space<vmem_shared>>
        tpu.enqueue_indirect_dma source(%dma_start3A_131 : memref<128x64xf32, #tpu.memory_space<vmem>>) target(%dma_start3A_137 : memref<10112x64xf32, #tpu.memory_space<vmem_shared>>) offsets(%dma_start3A_134 : memref<128xi32, #tpu.memory_space<vmem>>) semaphore(%run_scoped3A_128 : memref<!tpu.dma_semaphore, #tpu.memory_space<semaphore_mem>>) {add = true}
        %dma_wait3A_138 = arith.constant 0 : i32
        %dma_wait3A_139 = arith.constant 0 : i32
        %dma_wait3A_140 = tpu.memref_slice %arg14[%rem3A_63, %run_scoped3A, %dma_wait3A_138, %dma_wait3A_139] : memref<2x4x128x64xf32, #tpu.memory_space<vmem>> -> memref<1x1x128x64xf32, #tpu.memory_space<vmem>>
        %dma_wait3A_141 = tpu.memref_squeeze %dma_wait3A_140 : memref<1x1x128x64xf32, #tpu.memory_space<vmem>> -> memref<128x64xf32, #tpu.memory_space<vmem>>
        %dma_wait3A_142 = arith.constant 0 : i32
        %dma_wait3A_143 = tpu.memref_slice %arg13[%rem3A_63, %run_scoped3A_117, %dma_wait3A_142] : memref<2x4x128xi32, #tpu.memory_space<vmem>> -> memref<1x1x128xi32, #tpu.memory_space<vmem>>
        %dma_wait3A_144 = tpu.memref_squeeze %dma_wait3A_143 : memref<1x1x128xi32, #tpu.memory_space<vmem>> -> memref<128xi32, #tpu.memory_space<vmem>>
        %dma_wait3A_145 = arith.constant 0 : i32
        %dma_wait3A_146 = arith.constant 0 : i32
        %dma_wait3A_147 = tpu.memref_slice %arg15[%dma_wait3A_145, %dma_wait3A_146] : memref<10112x64xf32, #tpu.memory_space<vmem_shared>> -> memref<10112x64xf32, #tpu.memory_space<vmem_shared>>
        tpu.wait_indirect_dma semaphore(%run_scoped3A_128 : memref<!tpu.dma_semaphore, #tpu.memory_space<semaphore_mem>>) src(%dma_wait3A_141 : memref<128x64xf32, #tpu.memory_space<vmem>>) dst(%dma_wait3A_147 : memref<10112x64xf32, #tpu.memory_space<vmem_shared>>)
        tpu.yield
      }) : () -> ()
      %run_scoped3A_118 = arith.constant 0 : i32
      "tpu.region"() ({
        %run_scoped3A_128 = tpu.sem_alloc : memref<!tpu.dma_semaphore, #tpu.memory_space<semaphore_mem>>
        %dma_start3A = arith.constant 0 : i32
        %dma_start3A_129 = tpu.memref_slice %arg13[%rem3A_63, %run_scoped3A_118, %dma_start3A] : memref<2x4x128xi32, #tpu.memory_space<vmem>> -> memref<1x1x128xi32, #tpu.memory_space<vmem>>
        %dma_start3A_130 = tpu.memref_squeeze %dma_start3A_129 : memref<1x1x128xi32, #tpu.memory_space<vmem>> -> memref<128xi32, #tpu.memory_space<vmem>>
        %dma_start3A_131 = arith.constant 0 : i32
        %dma_start3A_132 = arith.constant 0 : i32
        %dma_start3A_133 = tpu.memref_slice %arg18[%dma_start3A_131, %dma_start3A_132] : memref<10112x16xf32, #tpu.memory_space<vmem_shared>> -> memref<10112x16xf32, #tpu.memory_space<vmem_shared>>
        tpu.enqueue_indirect_dma source(%arg17 : memref<128x16xf32, #tpu.memory_space<vmem>>) target(%dma_start3A_133 : memref<10112x16xf32, #tpu.memory_space<vmem_shared>>) offsets(%dma_start3A_130 : memref<128xi32, #tpu.memory_space<vmem>>) semaphore(%run_scoped3A_128 : memref<!tpu.dma_semaphore, #tpu.memory_space<semaphore_mem>>) {add = true}
        %dma_wait3A_134 = arith.constant 0 : i32
        %dma_wait3A_135 = tpu.memref_slice %arg13[%rem3A_63, %run_scoped3A_118, %dma_wait3A_134] : memref<2x4x128xi32, #tpu.memory_space<vmem>> -> memref<1x1x128xi32, #tpu.memory_space<vmem>>
        %dma_wait3A_136 = tpu.memref_squeeze %dma_wait3A_135 : memref<1x1x128xi32, #tpu.memory_space<vmem>> -> memref<128xi32, #tpu.memory_space<vmem>>
        %dma_wait3A_137 = arith.constant 0 : i32
        %dma_wait3A_138 = arith.constant 0 : i32
        %dma_wait3A_139 = tpu.memref_slice %arg18[%dma_wait3A_137, %dma_wait3A_138] : memref<10112x16xf32, #tpu.memory_space<vmem_shared>> -> memref<10112x16xf32, #tpu.memory_space<vmem_shared>>
        tpu.wait_indirect_dma semaphore(%run_scoped3A_128 : memref<!tpu.dma_semaphore, #tpu.memory_space<semaphore_mem>>) src(%arg17 : memref<128x16xf32, #tpu.memory_space<vmem>>) dst(%dma_wait3A_139 : memref<10112x16xf32, #tpu.memory_space<vmem_shared>>)
        tpu.yield
      }) : () -> ()
      %run_scoped3A_119 = arith.constant 1 : i32
      %run_scoped3A_120 = arith.constant 1 : i32
      "tpu.region"() ({
        %run_scoped3A_128 = tpu.sem_alloc : memref<!tpu.dma_semaphore, #tpu.memory_space<semaphore_mem>>
        %dma_start3A = arith.constant 0 : i32
        %dma_start3A_129 = arith.constant 0 : i32
        %dma_start3A_130 = tpu.memref_slice %arg14[%rem3A_63, %run_scoped3A_119, %dma_start3A, %dma_start3A_129] : memref<2x4x128x64xf32, #tpu.memory_space<vmem>> -> memref<1x1x128x64xf32, #tpu.memory_space<vmem>>
        %dma_start3A_131 = tpu.memref_squeeze %dma_start3A_130 : memref<1x1x128x64xf32, #tpu.memory_space<vmem>> -> memref<128x64xf32, #tpu.memory_space<vmem>>
        %dma_start3A_132 = arith.constant 0 : i32
        %dma_start3A_133 = tpu.memref_slice %arg13[%rem3A_63, %run_scoped3A_120, %dma_start3A_132] : memref<2x4x128xi32, #tpu.memory_space<vmem>> -> memref<1x1x128xi32, #tpu.memory_space<vmem>>
        %dma_start3A_134 = tpu.memref_squeeze %dma_start3A_133 : memref<1x1x128xi32, #tpu.memory_space<vmem>> -> memref<128xi32, #tpu.memory_space<vmem>>
        %dma_start3A_135 = arith.constant 0 : i32
        %dma_start3A_136 = arith.constant 0 : i32
        %dma_start3A_137 = tpu.memref_slice %arg15[%dma_start3A_135, %dma_start3A_136] : memref<10112x64xf32, #tpu.memory_space<vmem_shared>> -> memref<10112x64xf32, #tpu.memory_space<vmem_shared>>
        tpu.enqueue_indirect_dma source(%dma_start3A_131 : memref<128x64xf32, #tpu.memory_space<vmem>>) target(%dma_start3A_137 : memref<10112x64xf32, #tpu.memory_space<vmem_shared>>) offsets(%dma_start3A_134 : memref<128xi32, #tpu.memory_space<vmem>>) semaphore(%run_scoped3A_128 : memref<!tpu.dma_semaphore, #tpu.memory_space<semaphore_mem>>) {add = true}
        %dma_wait3A_138 = arith.constant 0 : i32
        %dma_wait3A_139 = arith.constant 0 : i32
        %dma_wait3A_140 = tpu.memref_slice %arg14[%rem3A_63, %run_scoped3A_119, %dma_wait3A_138, %dma_wait3A_139] : memref<2x4x128x64xf32, #tpu.memory_space<vmem>> -> memref<1x1x128x64xf32, #tpu.memory_space<vmem>>
        %dma_wait3A_141 = tpu.memref_squeeze %dma_wait3A_140 : memref<1x1x128x64xf32, #tpu.memory_space<vmem>> -> memref<128x64xf32, #tpu.memory_space<vmem>>
        %dma_wait3A_142 = arith.constant 0 : i32
        %dma_wait3A_143 = tpu.memref_slice %arg13[%rem3A_63, %run_scoped3A_120, %dma_wait3A_142] : memref<2x4x128xi32, #tpu.memory_space<vmem>> -> memref<1x1x128xi32, #tpu.memory_space<vmem>>
        %dma_wait3A_144 = tpu.memref_squeeze %dma_wait3A_143 : memref<1x1x128xi32, #tpu.memory_space<vmem>> -> memref<128xi32, #tpu.memory_space<vmem>>
        %dma_wait3A_145 = arith.constant 0 : i32
        %dma_wait3A_146 = arith.constant 0 : i32
        %dma_wait3A_147 = tpu.memref_slice %arg15[%dma_wait3A_145, %dma_wait3A_146] : memref<10112x64xf32, #tpu.memory_space<vmem_shared>> -> memref<10112x64xf32, #tpu.memory_space<vmem_shared>>
        tpu.wait_indirect_dma semaphore(%run_scoped3A_128 : memref<!tpu.dma_semaphore, #tpu.memory_space<semaphore_mem>>) src(%dma_wait3A_141 : memref<128x64xf32, #tpu.memory_space<vmem>>) dst(%dma_wait3A_147 : memref<10112x64xf32, #tpu.memory_space<vmem_shared>>)
        tpu.yield
      }) : () -> ()
      %run_scoped3A_121 = arith.constant 1 : i32
      "tpu.region"() ({
        %run_scoped3A_128 = tpu.sem_alloc : memref<!tpu.dma_semaphore, #tpu.memory_space<semaphore_mem>>
        %dma_start3A = arith.constant 0 : i32
        %dma_start3A_129 = tpu.memref_slice %arg13[%rem3A_63, %run_scoped3A_121, %dma_start3A] : memref<2x4x128xi32, #tpu.memory_space<vmem>> -> memref<1x1x128xi32, #tpu.memory_space<vmem>>
        %dma_start3A_130 = tpu.memref_squeeze %dma_start3A_129 : memref<1x1x128xi32, #tpu.memory_space<vmem>> -> memref<128xi32, #tpu.memory_space<vmem>>
        %dma_start3A_131 = arith.constant 0 : i32
        %dma_start3A_132 = arith.constant 0 : i32
        %dma_start3A_133 = tpu.memref_slice %arg18[%dma_start3A_131, %dma_start3A_132] : memref<10112x16xf32, #tpu.memory_space<vmem_shared>> -> memref<10112x16xf32, #tpu.memory_space<vmem_shared>>
        tpu.enqueue_indirect_dma source(%arg17 : memref<128x16xf32, #tpu.memory_space<vmem>>) target(%dma_start3A_133 : memref<10112x16xf32, #tpu.memory_space<vmem_shared>>) offsets(%dma_start3A_130 : memref<128xi32, #tpu.memory_space<vmem>>) semaphore(%run_scoped3A_128 : memref<!tpu.dma_semaphore, #tpu.memory_space<semaphore_mem>>) {add = true}
        %dma_wait3A_134 = arith.constant 0 : i32
        %dma_wait3A_135 = tpu.memref_slice %arg13[%rem3A_63, %run_scoped3A_121, %dma_wait3A_134] : memref<2x4x128xi32, #tpu.memory_space<vmem>> -> memref<1x1x128xi32, #tpu.memory_space<vmem>>
        %dma_wait3A_136 = tpu.memref_squeeze %dma_wait3A_135 : memref<1x1x128xi32, #tpu.memory_space<vmem>> -> memref<128xi32, #tpu.memory_space<vmem>>
        %dma_wait3A_137 = arith.constant 0 : i32
        %dma_wait3A_138 = arith.constant 0 : i32
        %dma_wait3A_139 = tpu.memref_slice %arg18[%dma_wait3A_137, %dma_wait3A_138] : memref<10112x16xf32, #tpu.memory_space<vmem_shared>> -> memref<10112x16xf32, #tpu.memory_space<vmem_shared>>
        tpu.wait_indirect_dma semaphore(%run_scoped3A_128 : memref<!tpu.dma_semaphore, #tpu.memory_space<semaphore_mem>>) src(%arg17 : memref<128x16xf32, #tpu.memory_space<vmem>>) dst(%dma_wait3A_139 : memref<10112x16xf32, #tpu.memory_space<vmem_shared>>)
        tpu.yield
      }) : () -> ()
      %run_scoped3A_122 = arith.constant 2 : i32
      %run_scoped3A_123 = arith.constant 2 : i32
      "tpu.region"() ({
        %run_scoped3A_128 = tpu.sem_alloc : memref<!tpu.dma_semaphore, #tpu.memory_space<semaphore_mem>>
        %dma_start3A = arith.constant 0 : i32
        %dma_start3A_129 = arith.constant 0 : i32
        %dma_start3A_130 = tpu.memref_slice %arg14[%rem3A_63, %run_scoped3A_122, %dma_start3A, %dma_start3A_129] : memref<2x4x128x64xf32, #tpu.memory_space<vmem>> -> memref<1x1x128x64xf32, #tpu.memory_space<vmem>>
        %dma_start3A_131 = tpu.memref_squeeze %dma_start3A_130 : memref<1x1x128x64xf32, #tpu.memory_space<vmem>> -> memref<128x64xf32, #tpu.memory_space<vmem>>
        %dma_start3A_132 = arith.constant 0 : i32
        %dma_start3A_133 = tpu.memref_slice %arg13[%rem3A_63, %run_scoped3A_123, %dma_start3A_132] : memref<2x4x128xi32, #tpu.memory_space<vmem>> -> memref<1x1x128xi32, #tpu.memory_space<vmem>>
        %dma_start3A_134 = tpu.memref_squeeze %dma_start3A_133 : memref<1x1x128xi32, #tpu.memory_space<vmem>> -> memref<128xi32, #tpu.memory_space<vmem>>
        %dma_start3A_135 = arith.constant 0 : i32
        %dma_start3A_136 = arith.constant 0 : i32
        %dma_start3A_137 = tpu.memref_slice %arg15[%dma_start3A_135, %dma_start3A_136] : memref<10112x64xf32, #tpu.memory_space<vmem_shared>> -> memref<10112x64xf32, #tpu.memory_space<vmem_shared>>
        tpu.enqueue_indirect_dma source(%dma_start3A_131 : memref<128x64xf32, #tpu.memory_space<vmem>>) target(%dma_start3A_137 : memref<10112x64xf32, #tpu.memory_space<vmem_shared>>) offsets(%dma_start3A_134 : memref<128xi32, #tpu.memory_space<vmem>>) semaphore(%run_scoped3A_128 : memref<!tpu.dma_semaphore, #tpu.memory_space<semaphore_mem>>) {add = true}
        %dma_wait3A_138 = arith.constant 0 : i32
        %dma_wait3A_139 = arith.constant 0 : i32
        %dma_wait3A_140 = tpu.memref_slice %arg14[%rem3A_63, %run_scoped3A_122, %dma_wait3A_138, %dma_wait3A_139] : memref<2x4x128x64xf32, #tpu.memory_space<vmem>> -> memref<1x1x128x64xf32, #tpu.memory_space<vmem>>
        %dma_wait3A_141 = tpu.memref_squeeze %dma_wait3A_140 : memref<1x1x128x64xf32, #tpu.memory_space<vmem>> -> memref<128x64xf32, #tpu.memory_space<vmem>>
        %dma_wait3A_142 = arith.constant 0 : i32
        %dma_wait3A_143 = tpu.memref_slice %arg13[%rem3A_63, %run_scoped3A_123, %dma_wait3A_142] : memref<2x4x128xi32, #tpu.memory_space<vmem>> -> memref<1x1x128xi32, #tpu.memory_space<vmem>>
        %dma_wait3A_144 = tpu.memref_squeeze %dma_wait3A_143 : memref<1x1x128xi32, #tpu.memory_space<vmem>> -> memref<128xi32, #tpu.memory_space<vmem>>
        %dma_wait3A_145 = arith.constant 0 : i32
        %dma_wait3A_146 = arith.constant 0 : i32
        %dma_wait3A_147 = tpu.memref_slice %arg15[%dma_wait3A_145, %dma_wait3A_146] : memref<10112x64xf32, #tpu.memory_space<vmem_shared>> -> memref<10112x64xf32, #tpu.memory_space<vmem_shared>>
        tpu.wait_indirect_dma semaphore(%run_scoped3A_128 : memref<!tpu.dma_semaphore, #tpu.memory_space<semaphore_mem>>) src(%dma_wait3A_141 : memref<128x64xf32, #tpu.memory_space<vmem>>) dst(%dma_wait3A_147 : memref<10112x64xf32, #tpu.memory_space<vmem_shared>>)
        tpu.yield
      }) : () -> ()
      %run_scoped3A_124 = arith.constant 2 : i32
      "tpu.region"() ({
        %run_scoped3A_128 = tpu.sem_alloc : memref<!tpu.dma_semaphore, #tpu.memory_space<semaphore_mem>>
        %dma_start3A = arith.constant 0 : i32
        %dma_start3A_129 = tpu.memref_slice %arg13[%rem3A_63, %run_scoped3A_124, %dma_start3A] : memref<2x4x128xi32, #tpu.memory_space<vmem>> -> memref<1x1x128xi32, #tpu.memory_space<vmem>>
        %dma_start3A_130 = tpu.memref_squeeze %dma_start3A_129 : memref<1x1x128xi32, #tpu.memory_space<vmem>> -> memref<128xi32, #tpu.memory_space<vmem>>
        %dma_start3A_131 = arith.constant 0 : i32
        %dma_start3A_132 = arith.constant 0 : i32
        %dma_start3A_133 = tpu.memref_slice %arg18[%dma_start3A_131, %dma_start3A_132] : memref<10112x16xf32, #tpu.memory_space<vmem_shared>> -> memref<10112x16xf32, #tpu.memory_space<vmem_shared>>
        tpu.enqueue_indirect_dma source(%arg17 : memref<128x16xf32, #tpu.memory_space<vmem>>) target(%dma_start3A_133 : memref<10112x16xf32, #tpu.memory_space<vmem_shared>>) offsets(%dma_start3A_130 : memref<128xi32, #tpu.memory_space<vmem>>) semaphore(%run_scoped3A_128 : memref<!tpu.dma_semaphore, #tpu.memory_space<semaphore_mem>>) {add = true}
        %dma_wait3A_134 = arith.constant 0 : i32
        %dma_wait3A_135 = tpu.memref_slice %arg13[%rem3A_63, %run_scoped3A_124, %dma_wait3A_134] : memref<2x4x128xi32, #tpu.memory_space<vmem>> -> memref<1x1x128xi32, #tpu.memory_space<vmem>>
        %dma_wait3A_136 = tpu.memref_squeeze %dma_wait3A_135 : memref<1x1x128xi32, #tpu.memory_space<vmem>> -> memref<128xi32, #tpu.memory_space<vmem>>
        %dma_wait3A_137 = arith.constant 0 : i32
        %dma_wait3A_138 = arith.constant 0 : i32
        %dma_wait3A_139 = tpu.memref_slice %arg18[%dma_wait3A_137, %dma_wait3A_138] : memref<10112x16xf32, #tpu.memory_space<vmem_shared>> -> memref<10112x16xf32, #tpu.memory_space<vmem_shared>>
        tpu.wait_indirect_dma semaphore(%run_scoped3A_128 : memref<!tpu.dma_semaphore, #tpu.memory_space<semaphore_mem>>) src(%arg17 : memref<128x16xf32, #tpu.memory_space<vmem>>) dst(%dma_wait3A_139 : memref<10112x16xf32, #tpu.memory_space<vmem_shared>>)
        tpu.yield
      }) : () -> ()
      %run_scoped3A_125 = arith.constant 3 : i32
      %run_scoped3A_126 = arith.constant 3 : i32
      "tpu.region"() ({
        %run_scoped3A_128 = tpu.sem_alloc : memref<!tpu.dma_semaphore, #tpu.memory_space<semaphore_mem>>
        %dma_start3A = arith.constant 0 : i32
        %dma_start3A_129 = arith.constant 0 : i32
        %dma_start3A_130 = tpu.memref_slice %arg14[%rem3A_63, %run_scoped3A_125, %dma_start3A, %dma_start3A_129] : memref<2x4x128x64xf32, #tpu.memory_space<vmem>> -> memref<1x1x128x64xf32, #tpu.memory_space<vmem>>
        %dma_start3A_131 = tpu.memref_squeeze %dma_start3A_130 : memref<1x1x128x64xf32, #tpu.memory_space<vmem>> -> memref<128x64xf32, #tpu.memory_space<vmem>>
        %dma_start3A_132 = arith.constant 0 : i32
        %dma_start3A_133 = tpu.memref_slice %arg13[%rem3A_63, %run_scoped3A_126, %dma_start3A_132] : memref<2x4x128xi32, #tpu.memory_space<vmem>> -> memref<1x1x128xi32, #tpu.memory_space<vmem>>
        %dma_start3A_134 = tpu.memref_squeeze %dma_start3A_133 : memref<1x1x128xi32, #tpu.memory_space<vmem>> -> memref<128xi32, #tpu.memory_space<vmem>>
        %dma_start3A_135 = arith.constant 0 : i32
        %dma_start3A_136 = arith.constant 0 : i32
        %dma_start3A_137 = tpu.memref_slice %arg15[%dma_start3A_135, %dma_start3A_136] : memref<10112x64xf32, #tpu.memory_space<vmem_shared>> -> memref<10112x64xf32, #tpu.memory_space<vmem_shared>>
        tpu.enqueue_indirect_dma source(%dma_start3A_131 : memref<128x64xf32, #tpu.memory_space<vmem>>) target(%dma_start3A_137 : memref<10112x64xf32, #tpu.memory_space<vmem_shared>>) offsets(%dma_start3A_134 : memref<128xi32, #tpu.memory_space<vmem>>) semaphore(%run_scoped3A_128 : memref<!tpu.dma_semaphore, #tpu.memory_space<semaphore_mem>>) {add = true}
        %dma_wait3A_138 = arith.constant 0 : i32
        %dma_wait3A_139 = arith.constant 0 : i32
        %dma_wait3A_140 = tpu.memref_slice %arg14[%rem3A_63, %run_scoped3A_125, %dma_wait3A_138, %dma_wait3A_139] : memref<2x4x128x64xf32, #tpu.memory_space<vmem>> -> memref<1x1x128x64xf32, #tpu.memory_space<vmem>>
        %dma_wait3A_141 = tpu.memref_squeeze %dma_wait3A_140 : memref<1x1x128x64xf32, #tpu.memory_space<vmem>> -> memref<128x64xf32, #tpu.memory_space<vmem>>
        %dma_wait3A_142 = arith.constant 0 : i32
        %dma_wait3A_143 = tpu.memref_slice %arg13[%rem3A_63, %run_scoped3A_126, %dma_wait3A_142] : memref<2x4x128xi32, #tpu.memory_space<vmem>> -> memref<1x1x128xi32, #tpu.memory_space<vmem>>
        %dma_wait3A_144 = tpu.memref_squeeze %dma_wait3A_143 : memref<1x1x128xi32, #tpu.memory_space<vmem>> -> memref<128xi32, #tpu.memory_space<vmem>>
        %dma_wait3A_145 = arith.constant 0 : i32
        %dma_wait3A_146 = arith.constant 0 : i32
        %dma_wait3A_147 = tpu.memref_slice %arg15[%dma_wait3A_145, %dma_wait3A_146] : memref<10112x64xf32, #tpu.memory_space<vmem_shared>> -> memref<10112x64xf32, #tpu.memory_space<vmem_shared>>
        tpu.wait_indirect_dma semaphore(%run_scoped3A_128 : memref<!tpu.dma_semaphore, #tpu.memory_space<semaphore_mem>>) src(%dma_wait3A_141 : memref<128x64xf32, #tpu.memory_space<vmem>>) dst(%dma_wait3A_147 : memref<10112x64xf32, #tpu.memory_space<vmem_shared>>)
        tpu.yield
      }) : () -> ()
      %run_scoped3A_127 = arith.constant 3 : i32
      "tpu.region"() ({
        %run_scoped3A_128 = tpu.sem_alloc : memref<!tpu.dma_semaphore, #tpu.memory_space<semaphore_mem>>
        %dma_start3A = arith.constant 0 : i32
        %dma_start3A_129 = tpu.memref_slice %arg13[%rem3A_63, %run_scoped3A_127, %dma_start3A] : memref<2x4x128xi32, #tpu.memory_space<vmem>> -> memref<1x1x128xi32, #tpu.memory_space<vmem>>
        %dma_start3A_130 = tpu.memref_squeeze %dma_start3A_129 : memref<1x1x128xi32, #tpu.memory_space<vmem>> -> memref<128xi32, #tpu.memory_space<vmem>>
        %dma_start3A_131 = arith.constant 0 : i32
        %dma_start3A_132 = arith.constant 0 : i32
        %dma_start3A_133 = tpu.memref_slice %arg18[%dma_start3A_131, %dma_start3A_132] : memref<10112x16xf32, #tpu.memory_space<vmem_shared>> -> memref<10112x16xf32, #tpu.memory_space<vmem_shared>>
        tpu.enqueue_indirect_dma source(%arg17 : memref<128x16xf32, #tpu.memory_space<vmem>>) target(%dma_start3A_133 : memref<10112x16xf32, #tpu.memory_space<vmem_shared>>) offsets(%dma_start3A_130 : memref<128xi32, #tpu.memory_space<vmem>>) semaphore(%run_scoped3A_128 : memref<!tpu.dma_semaphore, #tpu.memory_space<semaphore_mem>>) {add = true}
        %dma_wait3A_134 = arith.constant 0 : i32
        %dma_wait3A_135 = tpu.memref_slice %arg13[%rem3A_63, %run_scoped3A_127, %dma_wait3A_134] : memref<2x4x128xi32, #tpu.memory_space<vmem>> -> memref<1x1x128xi32, #tpu.memory_space<vmem>>
        %dma_wait3A_136 = tpu.memref_squeeze %dma_wait3A_135 : memref<1x1x128xi32, #tpu.memory_space<vmem>> -> memref<128xi32, #tpu.memory_space<vmem>>
        %dma_wait3A_137 = arith.constant 0 : i32
        %dma_wait3A_138 = arith.constant 0 : i32
        %dma_wait3A_139 = tpu.memref_slice %arg18[%dma_wait3A_137, %dma_wait3A_138] : memref<10112x16xf32, #tpu.memory_space<vmem_shared>> -> memref<10112x16xf32, #tpu.memory_space<vmem_shared>>
        tpu.wait_indirect_dma semaphore(%run_scoped3A_128 : memref<!tpu.dma_semaphore, #tpu.memory_space<semaphore_mem>>) src(%arg17 : memref<128x16xf32, #tpu.memory_space<vmem>>) dst(%dma_wait3A_139 : memref<10112x16xf32, #tpu.memory_space<vmem_shared>>)
        tpu.yield
      }) : () -> ()
    }
    %barrier3A_24 = arith.constant 0 : index
    tpu.barrier barrier_id(%barrier3A_24)
    %mul3A_25 = arith.constant 632 : i32
    %mul3A_26 = arith.muli %arg1, %mul3A_25 : i32
    %mul3A_27 = arith.constant 632 : i32
    %mul3A_28 = arith.muli %arg1, %mul3A_27 : i32
    %mul3A_29 = arith.constant 64 : i32
    %mul3A_30 = arith.muli %mul3A_29, %arg0 : i32
    "tpu.region"() ({
      %run_scoped3A = tpu.sem_alloc : memref<!tpu.dma_semaphore, #tpu.memory_space<semaphore_mem>>
      %dma_start3A = tpu.memref_slice %arg9[%mul3A_28, %mul3A_30] : memref<10112x128xf32, #tpu.memory_space<hbm>> -> memref<632x64xf32, #tpu.memory_space<hbm>>
      %dma_start3A_62 = arith.constant 0 : i32
      %dma_start3A_63 = tpu.memref_slice %arg15[%mul3A_26, %dma_start3A_62] : memref<10112x64xf32, #tpu.memory_space<vmem_shared>> -> memref<632x64xf32, #tpu.memory_space<vmem_shared>>
      tpu.enqueue_dma source(%dma_start3A_63 : memref<632x64xf32, #tpu.memory_space<vmem_shared>>) target(%dma_start3A : memref<632x64xf32, #tpu.memory_space<hbm>>) target_semaphore(%run_scoped3A : memref<!tpu.dma_semaphore, #tpu.memory_space<semaphore_mem>>)
      %dma_wait3A = tpu.memref_slice %arg9[%mul3A_28, %mul3A_30] : memref<10112x128xf32, #tpu.memory_space<hbm>> -> memref<632x64xf32, #tpu.memory_space<hbm>>
      %dma_wait3A_64 = arith.constant 0 : i32
      %dma_wait3A_65 = tpu.memref_slice %arg15[%mul3A_26, %dma_wait3A_64] : memref<10112x64xf32, #tpu.memory_space<vmem_shared>> -> memref<632x64xf32, #tpu.memory_space<vmem_shared>>
      tpu.wait_dma2 semaphore(%run_scoped3A : memref<!tpu.dma_semaphore, #tpu.memory_space<semaphore_mem>>) src(%dma_wait3A_65 : memref<632x64xf32, #tpu.memory_space<vmem_shared>>) dst(%dma_wait3A : memref<632x64xf32, #tpu.memory_space<hbm>>)
      tpu.yield
    }) : () -> ()
    %mul3A_31 = arith.constant 632 : i32
    %mul3A_32 = arith.muli %arg1, %mul3A_31 : i32
    %mul3A_33 = arith.constant 632 : i32
    %mul3A_34 = arith.muli %arg1, %mul3A_33 : i32
    %mul3A_35 = arith.constant 16 : i32
    %mul3A_36 = arith.muli %mul3A_35, %arg0 : i32
    "tpu.region"() ({
      %run_scoped3A = tpu.sem_alloc : memref<!tpu.dma_semaphore, #tpu.memory_space<semaphore_mem>>
      %dma_start3A = tpu.memref_slice %arg11[%mul3A_34, %mul3A_36] : memref<10112x128xf32, #tpu.memory_space<hbm>> -> memref<632x16xf32, #tpu.memory_space<hbm>>
      %dma_start3A_62 = arith.constant 0 : i32
      %dma_start3A_63 = tpu.memref_slice %arg18[%mul3A_32, %dma_start3A_62] : memref<10112x16xf32, #tpu.memory_space<vmem_shared>> -> memref<632x16xf32, #tpu.memory_space<vmem_shared>>
      tpu.enqueue_dma source(%dma_start3A_63 : memref<632x16xf32, #tpu.memory_space<vmem_shared>>) target(%dma_start3A : memref<632x16xf32, #tpu.memory_space<hbm>>) target_semaphore(%run_scoped3A : memref<!tpu.dma_semaphore, #tpu.memory_space<semaphore_mem>>)
      %dma_wait3A = tpu.memref_slice %arg11[%mul3A_34, %mul3A_36] : memref<10112x128xf32, #tpu.memory_space<hbm>> -> memref<632x16xf32, #tpu.memory_space<hbm>>
      %dma_wait3A_64 = arith.constant 0 : i32
      %dma_wait3A_65 = tpu.memref_slice %arg18[%mul3A_32, %dma_wait3A_64] : memref<10112x16xf32, #tpu.memory_space<vmem_shared>> -> memref<632x16xf32, #tpu.memory_space<vmem_shared>>
      tpu.wait_dma2 semaphore(%run_scoped3A : memref<!tpu.dma_semaphore, #tpu.memory_space<semaphore_mem>>) src(%dma_wait3A_65 : memref<632x16xf32, #tpu.memory_space<vmem_shared>>) dst(%dma_wait3A : memref<632x16xf32, #tpu.memory_space<hbm>>)
      tpu.yield
    }) : () -> ()
    %mul3A_37 = arith.constant 632 : i32
    %mul3A_38 = arith.muli %arg1, %mul3A_37 : i32
    "tpu.region"() ({
      %run_scoped3A = tpu.sem_alloc : memref<!tpu.dma_semaphore, #tpu.memory_space<semaphore_mem>>
      %dma_start3A = arith.constant 0 : i32
      %dma_start3A_62 = tpu.memref_slice %arg15[%mul3A_38, %dma_start3A] : memref<10112x64xf32, #tpu.memory_space<vmem_shared>> -> memref<632x64xf32, #tpu.memory_space<vmem_shared>>
      tpu.enqueue_dma source(%arg6 : memref<632x64xf32, #tpu.memory_space<hbm>>) target(%dma_start3A_62 : memref<632x64xf32, #tpu.memory_space<vmem_shared>>) target_semaphore(%run_scoped3A : memref<!tpu.dma_semaphore, #tpu.memory_space<semaphore_mem>>)
      %dma_wait3A = arith.constant 0 : i32
      %dma_wait3A_63 = tpu.memref_slice %arg15[%mul3A_38, %dma_wait3A] : memref<10112x64xf32, #tpu.memory_space<vmem_shared>> -> memref<632x64xf32, #tpu.memory_space<vmem_shared>>
      tpu.wait_dma2 semaphore(%run_scoped3A : memref<!tpu.dma_semaphore, #tpu.memory_space<semaphore_mem>>) src(%arg6 : memref<632x64xf32, #tpu.memory_space<hbm>>) dst(%dma_wait3A_63 : memref<632x64xf32, #tpu.memory_space<vmem_shared>>)
      tpu.yield
    }) : () -> ()
    %barrier3A_39 = arith.constant 0 : index
    tpu.barrier barrier_id(%barrier3A_39)
    %gt3A_40 = arith.constant 0 : i32
    %gt3A_41 = arith.cmpi sgt, %add3A_4, %gt3A_40 : i32
    %convert_element_type3A_42 = arith.extui %gt3A_41 : i1 to i32
    %cond3A_43 = arith.constant 0 : i32
    %cond3A_44 = arith.cmpi ne, %convert_element_type3A_42, %cond3A_43 : i32
    scf.if %cond3A_44 {
      %add3A_62 = arith.constant 0 : i32
      %add3A_63 = arith.addi %add3A_8, %add3A_62 : i32
      %mul3A_64 = arith.constant 4 : i32
      %mul3A_65 = arith.muli %add3A_63, %mul3A_64 : i32
      %run_scoped3A = arith.constant 0 : i32
      "tpu.region"() ({
        %run_scoped3A_122 = tpu.sem_alloc : memref<!tpu.dma_semaphore, #tpu.memory_space<semaphore_mem>>
        %dma_start3A_123 = arith.constant 0 : i32
        %dma_start3A_124 = arith.constant 0 : i32
        %dma_start3A_125 = tpu.memref_slice %arg12[%run_scoped3A, %dma_start3A_123, %dma_start3A_124] : memref<2x4x128xi32, #tpu.memory_space<vmem>> -> memref<1x4x128xi32, #tpu.memory_space<vmem>>
        %dma_start3A_126 = tpu.memref_squeeze %dma_start3A_125 : memref<1x4x128xi32, #tpu.memory_space<vmem>> -> memref<4x128xi32, #tpu.memory_space<vmem>>
        %dma_start3A_127 = arith.constant 0 : i32
        %dma_start3A_128 = tpu.memref_slice %arg4[%mul3A_65, %dma_start3A_127] : memref<2500x128xi32, #tpu.memory_space<hbm>> -> memref<4x128xi32, #tpu.memory_space<hbm>>
        %dma_start3A_129 = arith.constant 0 : i32
        %dma_start3A_130 = arith.constant 0 : i32
        %dma_start3A_131 = tpu.memref_slice %arg12[%run_scoped3A, %dma_start3A_129, %dma_start3A_130] : memref<2x4x128xi32, #tpu.memory_space<vmem>> -> memref<1x4x128xi32, #tpu.memory_space<vmem>>
        %dma_start3A_132 = tpu.memref_squeeze %dma_start3A_131 : memref<1x4x128xi32, #tpu.memory_space<vmem>> -> memref<4x128xi32, #tpu.memory_space<vmem>>
        %dma_start3A_133 = arith.constant 0 : i32
        %dma_start3A_134 = tpu.memref_slice %arg4[%mul3A_65, %dma_start3A_133] : memref<2500x128xi32, #tpu.memory_space<hbm>> -> memref<4x128xi32, #tpu.memory_space<hbm>>
        tpu.enqueue_dma source(%dma_start3A_134 : memref<4x128xi32, #tpu.memory_space<hbm>>) target(%dma_start3A_132 : memref<4x128xi32, #tpu.memory_space<vmem>>) target_semaphore(%run_scoped3A_122 : memref<!tpu.dma_semaphore, #tpu.memory_space<semaphore_mem>>)
        %dma_wait3A = arith.constant 0 : i32
        %dma_wait3A_135 = arith.constant 0 : i32
        %dma_wait3A_136 = tpu.memref_slice %arg12[%run_scoped3A, %dma_wait3A, %dma_wait3A_135] : memref<2x4x128xi32, #tpu.memory_space<vmem>> -> memref<1x4x128xi32, #tpu.memory_space<vmem>>
        %dma_wait3A_137 = tpu.memref_squeeze %dma_wait3A_136 : memref<1x4x128xi32, #tpu.memory_space<vmem>> -> memref<4x128xi32, #tpu.memory_space<vmem>>
        %dma_wait3A_138 = arith.constant 0 : i32
        %dma_wait3A_139 = tpu.memref_slice %arg4[%mul3A_65, %dma_wait3A_138] : memref<2500x128xi32, #tpu.memory_space<hbm>> -> memref<4x128xi32, #tpu.memory_space<hbm>>
        %dma_wait3A_140 = arith.constant 0 : i32
        %dma_wait3A_141 = arith.constant 0 : i32
        %dma_wait3A_142 = tpu.memref_slice %arg12[%run_scoped3A, %dma_wait3A_140, %dma_wait3A_141] : memref<2x4x128xi32, #tpu.memory_space<vmem>> -> memref<1x4x128xi32, #tpu.memory_space<vmem>>
        %dma_wait3A_143 = tpu.memref_squeeze %dma_wait3A_142 : memref<1x4x128xi32, #tpu.memory_space<vmem>> -> memref<4x128xi32, #tpu.memory_space<vmem>>
        %dma_wait3A_144 = arith.constant 0 : i32
        %dma_wait3A_145 = tpu.memref_slice %arg4[%mul3A_65, %dma_wait3A_144] : memref<2500x128xi32, #tpu.memory_space<hbm>> -> memref<4x128xi32, #tpu.memory_space<hbm>>
        tpu.wait_dma2 semaphore(%run_scoped3A_122 : memref<!tpu.dma_semaphore, #tpu.memory_space<semaphore_mem>>) src(%dma_wait3A_145 : memref<4x128xi32, #tpu.memory_space<hbm>>) dst(%dma_wait3A_143 : memref<4x128xi32, #tpu.memory_space<vmem>>)
        tpu.yield
      }) : () -> ()
      %run_scoped3A_66 = arith.constant 0 : i32
      "tpu.region"() ({
        %run_scoped3A_122 = tpu.sem_alloc : memref<!tpu.dma_semaphore, #tpu.memory_space<semaphore_mem>>
        %dma_start3A_123 = arith.constant 0 : i32
        %dma_start3A_124 = arith.constant 0 : i32
        %dma_start3A_125 = tpu.memref_slice %arg13[%run_scoped3A_66, %dma_start3A_123, %dma_start3A_124] : memref<2x4x128xi32, #tpu.memory_space<vmem>> -> memref<1x4x128xi32, #tpu.memory_space<vmem>>
        %dma_start3A_126 = tpu.memref_squeeze %dma_start3A_125 : memref<1x4x128xi32, #tpu.memory_space<vmem>> -> memref<4x128xi32, #tpu.memory_space<vmem>>
        %dma_start3A_127 = arith.constant 0 : i32
        %dma_start3A_128 = tpu.memref_slice %arg5[%mul3A_65, %dma_start3A_127] : memref<2500x128xi32, #tpu.memory_space<hbm>> -> memref<4x128xi32, #tpu.memory_space<hbm>>
        %dma_start3A_129 = arith.constant 0 : i32
        %dma_start3A_130 = arith.constant 0 : i32
        %dma_start3A_131 = tpu.memref_slice %arg13[%run_scoped3A_66, %dma_start3A_129, %dma_start3A_130] : memref<2x4x128xi32, #tpu.memory_space<vmem>> -> memref<1x4x128xi32, #tpu.memory_space<vmem>>
        %dma_start3A_132 = tpu.memref_squeeze %dma_start3A_131 : memref<1x4x128xi32, #tpu.memory_space<vmem>> -> memref<4x128xi32, #tpu.memory_space<vmem>>
        %dma_start3A_133 = arith.constant 0 : i32
        %dma_start3A_134 = tpu.memref_slice %arg5[%mul3A_65, %dma_start3A_133] : memref<2500x128xi32, #tpu.memory_space<hbm>> -> memref<4x128xi32, #tpu.memory_space<hbm>>
        tpu.enqueue_dma source(%dma_start3A_134 : memref<4x128xi32, #tpu.memory_space<hbm>>) target(%dma_start3A_132 : memref<4x128xi32, #tpu.memory_space<vmem>>) target_semaphore(%run_scoped3A_122 : memref<!tpu.dma_semaphore, #tpu.memory_space<semaphore_mem>>)
        %dma_wait3A = arith.constant 0 : i32
        %dma_wait3A_135 = arith.constant 0 : i32
        %dma_wait3A_136 = tpu.memref_slice %arg13[%run_scoped3A_66, %dma_wait3A, %dma_wait3A_135] : memref<2x4x128xi32, #tpu.memory_space<vmem>> -> memref<1x4x128xi32, #tpu.memory_space<vmem>>
        %dma_wait3A_137 = tpu.memref_squeeze %dma_wait3A_136 : memref<1x4x128xi32, #tpu.memory_space<vmem>> -> memref<4x128xi32, #tpu.memory_space<vmem>>
        %dma_wait3A_138 = arith.constant 0 : i32
        %dma_wait3A_139 = tpu.memref_slice %arg5[%mul3A_65, %dma_wait3A_138] : memref<2500x128xi32, #tpu.memory_space<hbm>> -> memref<4x128xi32, #tpu.memory_space<hbm>>
        %dma_wait3A_140 = arith.constant 0 : i32
        %dma_wait3A_141 = arith.constant 0 : i32
        %dma_wait3A_142 = tpu.memref_slice %arg13[%run_scoped3A_66, %dma_wait3A_140, %dma_wait3A_141] : memref<2x4x128xi32, #tpu.memory_space<vmem>> -> memref<1x4x128xi32, #tpu.memory_space<vmem>>
        %dma_wait3A_143 = tpu.memref_squeeze %dma_wait3A_142 : memref<1x4x128xi32, #tpu.memory_space<vmem>> -> memref<4x128xi32, #tpu.memory_space<vmem>>
        %dma_wait3A_144 = arith.constant 0 : i32
        %dma_wait3A_145 = tpu.memref_slice %arg5[%mul3A_65, %dma_wait3A_144] : memref<2500x128xi32, #tpu.memory_space<hbm>> -> memref<4x128xi32, #tpu.memory_space<hbm>>
        tpu.wait_dma2 semaphore(%run_scoped3A_122 : memref<!tpu.dma_semaphore, #tpu.memory_space<semaphore_mem>>) src(%dma_wait3A_145 : memref<4x128xi32, #tpu.memory_space<hbm>>) dst(%dma_wait3A_143 : memref<4x128xi32, #tpu.memory_space<vmem>>)
        tpu.yield
      }) : () -> ()
      %dma_start3A = arith.constant 0 : i32
      %dma_start3A_67 = arith.constant 0 : i32
      %dma_start3A_68 = arith.constant 0 : i32
      %dma_start3A_69 = arith.constant 0 : i32
      %dma_start3A_70 = arith.constant 0 : i32
      %dma_start3A_71 = arith.constant 0 : i32
      %dma_start3A_72 = tpu.memref_slice %arg14[%dma_start3A_68, %dma_start3A_69, %dma_start3A_70, %dma_start3A_71] : memref<2x4x128x64xf32, #tpu.memory_space<vmem>> -> memref<1x1x128x64xf32, #tpu.memory_space<vmem>>
      %dma_start3A_73 = tpu.memref_squeeze %dma_start3A_72 : memref<1x1x128x64xf32, #tpu.memory_space<vmem>> -> memref<128x64xf32, #tpu.memory_space<vmem>>
      %dma_start3A_74 = arith.constant 0 : i32
      %dma_start3A_75 = tpu.memref_slice %arg12[%dma_start3A, %dma_start3A_67, %dma_start3A_74] : memref<2x4x128xi32, #tpu.memory_space<vmem>> -> memref<1x1x128xi32, #tpu.memory_space<vmem>>
      %dma_start3A_76 = tpu.memref_squeeze %dma_start3A_75 : memref<1x1x128xi32, #tpu.memory_space<vmem>> -> memref<128xi32, #tpu.memory_space<vmem>>
      %dma_start3A_77 = arith.constant 0 : i32
      %dma_start3A_78 = arith.constant 0 : i32
      %dma_start3A_79 = tpu.memref_slice %arg2[%dma_start3A_77, %dma_start3A_78] : memref<20000x64xf32, #tpu.memory_space<hbm>> -> memref<20000x64xf32, #tpu.memory_space<hbm>>
      tpu.enqueue_indirect_dma source(%dma_start3A_79 : memref<20000x64xf32, #tpu.memory_space<hbm>>) target(%dma_start3A_73 : memref<128x64xf32, #tpu.memory_space<vmem>>) offsets(%dma_start3A_76 : memref<128xi32, #tpu.memory_space<vmem>>) semaphore(%arg16 : memref<!tpu.dma_semaphore, #tpu.memory_space<semaphore_mem>>)
      %dma_start3A_80 = arith.constant 0 : i32
      %dma_start3A_81 = arith.constant 1 : i32
      %dma_start3A_82 = arith.constant 0 : i32
      %dma_start3A_83 = arith.constant 1 : i32
      %dma_start3A_84 = arith.constant 0 : i32
      %dma_start3A_85 = arith.constant 0 : i32
      %dma_start3A_86 = tpu.memref_slice %arg14[%dma_start3A_82, %dma_start3A_83, %dma_start3A_84, %dma_start3A_85] : memref<2x4x128x64xf32, #tpu.memory_space<vmem>> -> memref<1x1x128x64xf32, #tpu.memory_space<vmem>>
      %dma_start3A_87 = tpu.memref_squeeze %dma_start3A_86 : memref<1x1x128x64xf32, #tpu.memory_space<vmem>> -> memref<128x64xf32, #tpu.memory_space<vmem>>
      %dma_start3A_88 = arith.constant 0 : i32
      %dma_start3A_89 = tpu.memref_slice %arg12[%dma_start3A_80, %dma_start3A_81, %dma_start3A_88] : memref<2x4x128xi32, #tpu.memory_space<vmem>> -> memref<1x1x128xi32, #tpu.memory_space<vmem>>
      %dma_start3A_90 = tpu.memref_squeeze %dma_start3A_89 : memref<1x1x128xi32, #tpu.memory_space<vmem>> -> memref<128xi32, #tpu.memory_space<vmem>>
      %dma_start3A_91 = arith.constant 0 : i32
      %dma_start3A_92 = arith.constant 0 : i32
      %dma_start3A_93 = tpu.memref_slice %arg2[%dma_start3A_91, %dma_start3A_92] : memref<20000x64xf32, #tpu.memory_space<hbm>> -> memref<20000x64xf32, #tpu.memory_space<hbm>>
      tpu.enqueue_indirect_dma source(%dma_start3A_93 : memref<20000x64xf32, #tpu.memory_space<hbm>>) target(%dma_start3A_87 : memref<128x64xf32, #tpu.memory_space<vmem>>) offsets(%dma_start3A_90 : memref<128xi32, #tpu.memory_space<vmem>>) semaphore(%arg16 : memref<!tpu.dma_semaphore, #tpu.memory_space<semaphore_mem>>)
      %dma_start3A_94 = arith.constant 0 : i32
      %dma_start3A_95 = arith.constant 2 : i32
      %dma_start3A_96 = arith.constant 0 : i32
      %dma_start3A_97 = arith.constant 2 : i32
      %dma_start3A_98 = arith.constant 0 : i32
      %dma_start3A_99 = arith.constant 0 : i32
      %dma_start3A_100 = tpu.memref_slice %arg14[%dma_start3A_96, %dma_start3A_97, %dma_start3A_98, %dma_start3A_99] : memref<2x4x128x64xf32, #tpu.memory_space<vmem>> -> memref<1x1x128x64xf32, #tpu.memory_space<vmem>>
      %dma_start3A_101 = tpu.memref_squeeze %dma_start3A_100 : memref<1x1x128x64xf32, #tpu.memory_space<vmem>> -> memref<128x64xf32, #tpu.memory_space<vmem>>
      %dma_start3A_102 = arith.constant 0 : i32
      %dma_start3A_103 = tpu.memref_slice %arg12[%dma_start3A_94, %dma_start3A_95, %dma_start3A_102] : memref<2x4x128xi32, #tpu.memory_space<vmem>> -> memref<1x1x128xi32, #tpu.memory_space<vmem>>
      %dma_start3A_104 = tpu.memref_squeeze %dma_start3A_103 : memref<1x1x128xi32, #tpu.memory_space<vmem>> -> memref<128xi32, #tpu.memory_space<vmem>>
      %dma_start3A_105 = arith.constant 0 : i32
      %dma_start3A_106 = arith.constant 0 : i32
      %dma_start3A_107 = tpu.memref_slice %arg2[%dma_start3A_105, %dma_start3A_106] : memref<20000x64xf32, #tpu.memory_space<hbm>> -> memref<20000x64xf32, #tpu.memory_space<hbm>>
      tpu.enqueue_indirect_dma source(%dma_start3A_107 : memref<20000x64xf32, #tpu.memory_space<hbm>>) target(%dma_start3A_101 : memref<128x64xf32, #tpu.memory_space<vmem>>) offsets(%dma_start3A_104 : memref<128xi32, #tpu.memory_space<vmem>>) semaphore(%arg16 : memref<!tpu.dma_semaphore, #tpu.memory_space<semaphore_mem>>)
      %dma_start3A_108 = arith.constant 0 : i32
      %dma_start3A_109 = arith.constant 3 : i32
      %dma_start3A_110 = arith.constant 0 : i32
      %dma_start3A_111 = arith.constant 3 : i32
      %dma_start3A_112 = arith.constant 0 : i32
      %dma_start3A_113 = arith.constant 0 : i32
      %dma_start3A_114 = tpu.memref_slice %arg14[%dma_start3A_110, %dma_start3A_111, %dma_start3A_112, %dma_start3A_113] : memref<2x4x128x64xf32, #tpu.memory_space<vmem>> -> memref<1x1x128x64xf32, #tpu.memory_space<vmem>>
      %dma_start3A_115 = tpu.memref_squeeze %dma_start3A_114 : memref<1x1x128x64xf32, #tpu.memory_space<vmem>> -> memref<128x64xf32, #tpu.memory_space<vmem>>
      %dma_start3A_116 = arith.constant 0 : i32
      %dma_start3A_117 = tpu.memref_slice %arg12[%dma_start3A_108, %dma_start3A_109, %dma_start3A_116] : memref<2x4x128xi32, #tpu.memory_space<vmem>> -> memref<1x1x128xi32, #tpu.memory_space<vmem>>
      %dma_start3A_118 = tpu.memref_squeeze %dma_start3A_117 : memref<1x1x128xi32, #tpu.memory_space<vmem>> -> memref<128xi32, #tpu.memory_space<vmem>>
      %dma_start3A_119 = arith.constant 0 : i32
      %dma_start3A_120 = arith.constant 0 : i32
      %dma_start3A_121 = tpu.memref_slice %arg2[%dma_start3A_119, %dma_start3A_120] : memref<20000x64xf32, #tpu.memory_space<hbm>> -> memref<20000x64xf32, #tpu.memory_space<hbm>>
      tpu.enqueue_indirect_dma source(%dma_start3A_121 : memref<20000x64xf32, #tpu.memory_space<hbm>>) target(%dma_start3A_115 : memref<128x64xf32, #tpu.memory_space<vmem>>) offsets(%dma_start3A_118 : memref<128xi32, #tpu.memory_space<vmem>>) semaphore(%arg16 : memref<!tpu.dma_semaphore, #tpu.memory_space<semaphore_mem>>)
    } else {
    }
    %while3A_45 = arith.constant 0 : i32
    %while3A_46 = arith.constant 0 : i32
    %while3A_47 = arith.subi %add3A_4, %while3A_46 : i32
    %while3A_48 = arith.addi %while3A_46, %while3A_47 : i32
    %while3A_49 = arith.constant 1 : i32
    %while3A_50 = arith.divsi %while3A_47, %while3A_49 : i32
    %while3A_51 = arith.muli %while3A_50, %while3A_49 : i32
    %while3A_52 = arith.addi %while3A_46, %while3A_51 : i32
    %while3A_53 = arith.constant 1 : i32
    scf.for %while3A_62 = %while3A_46 to %while3A_52 step %while3A_53  : i32 {
      %rem3A = arith.constant 2 : i32
      %rem3A_63 = arith.remsi %while3A_62, %rem3A : i32
      %add3A_64 = arith.constant 1 : i32
      %add3A_65 = arith.addi %while3A_62, %add3A_64 : i32
      %lt3A_66 = arith.cmpi slt, %add3A_65, %add3A_4 : i32
      %convert_element_type3A_67 = arith.extui %lt3A_66 : i1 to i32
      %cond3A_68 = arith.constant 0 : i32
      %cond3A_69 = arith.cmpi ne, %convert_element_type3A_67, %cond3A_68 : i32
      scf.if %cond3A_69 {
        %sub3A = arith.constant 1 : i32
        %sub3A_124 = arith.subi %sub3A, %rem3A_63 : i32
        %add3A_125 = arith.constant 1 : i32
        %add3A_126 = arith.addi %while3A_62, %add3A_125 : i32
        %add3A_127 = arith.addi %add3A_8, %add3A_126 : i32
        %mul3A_128 = arith.constant 4 : i32
        %mul3A_129 = arith.muli %add3A_127, %mul3A_128 : i32
        "tpu.region"() ({
          %run_scoped3A_177 = tpu.sem_alloc : memref<!tpu.dma_semaphore, #tpu.memory_space<semaphore_mem>>
          %dma_start3A_178 = arith.constant 0 : i32
          %dma_start3A_179 = arith.constant 0 : i32
          %dma_start3A_180 = tpu.memref_slice %arg12[%sub3A_124, %dma_start3A_178, %dma_start3A_179] : memref<2x4x128xi32, #tpu.memory_space<vmem>> -> memref<1x4x128xi32, #tpu.memory_space<vmem>>
          %dma_start3A_181 = tpu.memref_squeeze %dma_start3A_180 : memref<1x4x128xi32, #tpu.memory_space<vmem>> -> memref<4x128xi32, #tpu.memory_space<vmem>>
          %dma_start3A_182 = arith.constant 0 : i32
          %dma_start3A_183 = tpu.memref_slice %arg4[%mul3A_129, %dma_start3A_182] : memref<2500x128xi32, #tpu.memory_space<hbm>> -> memref<4x128xi32, #tpu.memory_space<hbm>>
          %dma_start3A_184 = arith.constant 0 : i32
          %dma_start3A_185 = arith.constant 0 : i32
          %dma_start3A_186 = tpu.memref_slice %arg12[%sub3A_124, %dma_start3A_184, %dma_start3A_185] : memref<2x4x128xi32, #tpu.memory_space<vmem>> -> memref<1x4x128xi32, #tpu.memory_space<vmem>>
          %dma_start3A_187 = tpu.memref_squeeze %dma_start3A_186 : memref<1x4x128xi32, #tpu.memory_space<vmem>> -> memref<4x128xi32, #tpu.memory_space<vmem>>
          %dma_start3A_188 = arith.constant 0 : i32
          %dma_start3A_189 = tpu.memref_slice %arg4[%mul3A_129, %dma_start3A_188] : memref<2500x128xi32, #tpu.memory_space<hbm>> -> memref<4x128xi32, #tpu.memory_space<hbm>>
          tpu.enqueue_dma source(%dma_start3A_189 : memref<4x128xi32, #tpu.memory_space<hbm>>) target(%dma_start3A_187 : memref<4x128xi32, #tpu.memory_space<vmem>>) target_semaphore(%run_scoped3A_177 : memref<!tpu.dma_semaphore, #tpu.memory_space<semaphore_mem>>)
          %dma_wait3A_190 = arith.constant 0 : i32
          %dma_wait3A_191 = arith.constant 0 : i32
          %dma_wait3A_192 = tpu.memref_slice %arg12[%sub3A_124, %dma_wait3A_190, %dma_wait3A_191] : memref<2x4x128xi32, #tpu.memory_space<vmem>> -> memref<1x4x128xi32, #tpu.memory_space<vmem>>
          %dma_wait3A_193 = tpu.memref_squeeze %dma_wait3A_192 : memref<1x4x128xi32, #tpu.memory_space<vmem>> -> memref<4x128xi32, #tpu.memory_space<vmem>>
          %dma_wait3A_194 = arith.constant 0 : i32
          %dma_wait3A_195 = tpu.memref_slice %arg4[%mul3A_129, %dma_wait3A_194] : memref<2500x128xi32, #tpu.memory_space<hbm>> -> memref<4x128xi32, #tpu.memory_space<hbm>>
          %dma_wait3A_196 = arith.constant 0 : i32
          %dma_wait3A_197 = arith.constant 0 : i32
          %dma_wait3A_198 = tpu.memref_slice %arg12[%sub3A_124, %dma_wait3A_196, %dma_wait3A_197] : memref<2x4x128xi32, #tpu.memory_space<vmem>> -> memref<1x4x128xi32, #tpu.memory_space<vmem>>
          %dma_wait3A_199 = tpu.memref_squeeze %dma_wait3A_198 : memref<1x4x128xi32, #tpu.memory_space<vmem>> -> memref<4x128xi32, #tpu.memory_space<vmem>>
          %dma_wait3A_200 = arith.constant 0 : i32
          %dma_wait3A_201 = tpu.memref_slice %arg4[%mul3A_129, %dma_wait3A_200] : memref<2500x128xi32, #tpu.memory_space<hbm>> -> memref<4x128xi32, #tpu.memory_space<hbm>>
          tpu.wait_dma2 semaphore(%run_scoped3A_177 : memref<!tpu.dma_semaphore, #tpu.memory_space<semaphore_mem>>) src(%dma_wait3A_201 : memref<4x128xi32, #tpu.memory_space<hbm>>) dst(%dma_wait3A_199 : memref<4x128xi32, #tpu.memory_space<vmem>>)
          tpu.yield
        }) : () -> ()
        "tpu.region"() ({
          %run_scoped3A_177 = tpu.sem_alloc : memref<!tpu.dma_semaphore, #tpu.memory_space<semaphore_mem>>
          %dma_start3A_178 = arith.constant 0 : i32
          %dma_start3A_179 = arith.constant 0 : i32
          %dma_start3A_180 = tpu.memref_slice %arg13[%sub3A_124, %dma_start3A_178, %dma_start3A_179] : memref<2x4x128xi32, #tpu.memory_space<vmem>> -> memref<1x4x128xi32, #tpu.memory_space<vmem>>
          %dma_start3A_181 = tpu.memref_squeeze %dma_start3A_180 : memref<1x4x128xi32, #tpu.memory_space<vmem>> -> memref<4x128xi32, #tpu.memory_space<vmem>>
          %dma_start3A_182 = arith.constant 0 : i32
          %dma_start3A_183 = tpu.memref_slice %arg5[%mul3A_129, %dma_start3A_182] : memref<2500x128xi32, #tpu.memory_space<hbm>> -> memref<4x128xi32, #tpu.memory_space<hbm>>
          %dma_start3A_184 = arith.constant 0 : i32
          %dma_start3A_185 = arith.constant 0 : i32
          %dma_start3A_186 = tpu.memref_slice %arg13[%sub3A_124, %dma_start3A_184, %dma_start3A_185] : memref<2x4x128xi32, #tpu.memory_space<vmem>> -> memref<1x4x128xi32, #tpu.memory_space<vmem>>
          %dma_start3A_187 = tpu.memref_squeeze %dma_start3A_186 : memref<1x4x128xi32, #tpu.memory_space<vmem>> -> memref<4x128xi32, #tpu.memory_space<vmem>>
          %dma_start3A_188 = arith.constant 0 : i32
          %dma_start3A_189 = tpu.memref_slice %arg5[%mul3A_129, %dma_start3A_188] : memref<2500x128xi32, #tpu.memory_space<hbm>> -> memref<4x128xi32, #tpu.memory_space<hbm>>
          tpu.enqueue_dma source(%dma_start3A_189 : memref<4x128xi32, #tpu.memory_space<hbm>>) target(%dma_start3A_187 : memref<4x128xi32, #tpu.memory_space<vmem>>) target_semaphore(%run_scoped3A_177 : memref<!tpu.dma_semaphore, #tpu.memory_space<semaphore_mem>>)
          %dma_wait3A_190 = arith.constant 0 : i32
          %dma_wait3A_191 = arith.constant 0 : i32
          %dma_wait3A_192 = tpu.memref_slice %arg13[%sub3A_124, %dma_wait3A_190, %dma_wait3A_191] : memref<2x4x128xi32, #tpu.memory_space<vmem>> -> memref<1x4x128xi32, #tpu.memory_space<vmem>>
          %dma_wait3A_193 = tpu.memref_squeeze %dma_wait3A_192 : memref<1x4x128xi32, #tpu.memory_space<vmem>> -> memref<4x128xi32, #tpu.memory_space<vmem>>
          %dma_wait3A_194 = arith.constant 0 : i32
          %dma_wait3A_195 = tpu.memref_slice %arg5[%mul3A_129, %dma_wait3A_194] : memref<2500x128xi32, #tpu.memory_space<hbm>> -> memref<4x128xi32, #tpu.memory_space<hbm>>
          %dma_wait3A_196 = arith.constant 0 : i32
          %dma_wait3A_197 = arith.constant 0 : i32
          %dma_wait3A_198 = tpu.memref_slice %arg13[%sub3A_124, %dma_wait3A_196, %dma_wait3A_197] : memref<2x4x128xi32, #tpu.memory_space<vmem>> -> memref<1x4x128xi32, #tpu.memory_space<vmem>>
          %dma_wait3A_199 = tpu.memref_squeeze %dma_wait3A_198 : memref<1x4x128xi32, #tpu.memory_space<vmem>> -> memref<4x128xi32, #tpu.memory_space<vmem>>
          %dma_wait3A_200 = arith.constant 0 : i32
          %dma_wait3A_201 = tpu.memref_slice %arg5[%mul3A_129, %dma_wait3A_200] : memref<2500x128xi32, #tpu.memory_space<hbm>> -> memref<4x128xi32, #tpu.memory_space<hbm>>
          tpu.wait_dma2 semaphore(%run_scoped3A_177 : memref<!tpu.dma_semaphore, #tpu.memory_space<semaphore_mem>>) src(%dma_wait3A_201 : memref<4x128xi32, #tpu.memory_space<hbm>>) dst(%dma_wait3A_199 : memref<4x128xi32, #tpu.memory_space<vmem>>)
          tpu.yield
        }) : () -> ()
        %dma_start3A = arith.constant 0 : i32
        %dma_start3A_130 = arith.constant 0 : i32
        %dma_start3A_131 = arith.constant 0 : i32
        %dma_start3A_132 = arith.constant 0 : i32
        %dma_start3A_133 = tpu.memref_slice %arg14[%sub3A_124, %dma_start3A_130, %dma_start3A_131, %dma_start3A_132] : memref<2x4x128x64xf32, #tpu.memory_space<vmem>> -> memref<1x1x128x64xf32, #tpu.memory_space<vmem>>
        %dma_start3A_134 = tpu.memref_squeeze %dma_start3A_133 : memref<1x1x128x64xf32, #tpu.memory_space<vmem>> -> memref<128x64xf32, #tpu.memory_space<vmem>>
        %dma_start3A_135 = arith.constant 0 : i32
        %dma_start3A_136 = tpu.memref_slice %arg12[%sub3A_124, %dma_start3A, %dma_start3A_135] : memref<2x4x128xi32, #tpu.memory_space<vmem>> -> memref<1x1x128xi32, #tpu.memory_space<vmem>>
        %dma_start3A_137 = tpu.memref_squeeze %dma_start3A_136 : memref<1x1x128xi32, #tpu.memory_space<vmem>> -> memref<128xi32, #tpu.memory_space<vmem>>
        %dma_start3A_138 = arith.constant 0 : i32
        %dma_start3A_139 = arith.constant 0 : i32
        %dma_start3A_140 = tpu.memref_slice %arg2[%dma_start3A_138, %dma_start3A_139] : memref<20000x64xf32, #tpu.memory_space<hbm>> -> memref<20000x64xf32, #tpu.memory_space<hbm>>
        tpu.enqueue_indirect_dma source(%dma_start3A_140 : memref<20000x64xf32, #tpu.memory_space<hbm>>) target(%dma_start3A_134 : memref<128x64xf32, #tpu.memory_space<vmem>>) offsets(%dma_start3A_137 : memref<128xi32, #tpu.memory_space<vmem>>) semaphore(%arg16 : memref<!tpu.dma_semaphore, #tpu.memory_space<semaphore_mem>>)
        %dma_start3A_141 = arith.constant 1 : i32
        %dma_start3A_142 = arith.constant 1 : i32
        %dma_start3A_143 = arith.constant 0 : i32
        %dma_start3A_144 = arith.constant 0 : i32
        %dma_start3A_145 = tpu.memref_slice %arg14[%sub3A_124, %dma_start3A_142, %dma_start3A_143, %dma_start3A_144] : memref<2x4x128x64xf32, #tpu.memory_space<vmem>> -> memref<1x1x128x64xf32, #tpu.memory_space<vmem>>
        %dma_start3A_146 = tpu.memref_squeeze %dma_start3A_145 : memref<1x1x128x64xf32, #tpu.memory_space<vmem>> -> memref<128x64xf32, #tpu.memory_space<vmem>>
        %dma_start3A_147 = arith.constant 0 : i32
        %dma_start3A_148 = tpu.memref_slice %arg12[%sub3A_124, %dma_start3A_141, %dma_start3A_147] : memref<2x4x128xi32, #tpu.memory_space<vmem>> -> memref<1x1x128xi32, #tpu.memory_space<vmem>>
        %dma_start3A_149 = tpu.memref_squeeze %dma_start3A_148 : memref<1x1x128xi32, #tpu.memory_space<vmem>> -> memref<128xi32, #tpu.memory_space<vmem>>
        %dma_start3A_150 = arith.constant 0 : i32
        %dma_start3A_151 = arith.constant 0 : i32
        %dma_start3A_152 = tpu.memref_slice %arg2[%dma_start3A_150, %dma_start3A_151] : memref<20000x64xf32, #tpu.memory_space<hbm>> -> memref<20000x64xf32, #tpu.memory_space<hbm>>
        tpu.enqueue_indirect_dma source(%dma_start3A_152 : memref<20000x64xf32, #tpu.memory_space<hbm>>) target(%dma_start3A_146 : memref<128x64xf32, #tpu.memory_space<vmem>>) offsets(%dma_start3A_149 : memref<128xi32, #tpu.memory_space<vmem>>) semaphore(%arg16 : memref<!tpu.dma_semaphore, #tpu.memory_space<semaphore_mem>>)
        %dma_start3A_153 = arith.constant 2 : i32
        %dma_start3A_154 = arith.constant 2 : i32
        %dma_start3A_155 = arith.constant 0 : i32
        %dma_start3A_156 = arith.constant 0 : i32
        %dma_start3A_157 = tpu.memref_slice %arg14[%sub3A_124, %dma_start3A_154, %dma_start3A_155, %dma_start3A_156] : memref<2x4x128x64xf32, #tpu.memory_space<vmem>> -> memref<1x1x128x64xf32, #tpu.memory_space<vmem>>
        %dma_start3A_158 = tpu.memref_squeeze %dma_start3A_157 : memref<1x1x128x64xf32, #tpu.memory_space<vmem>> -> memref<128x64xf32, #tpu.memory_space<vmem>>
        %dma_start3A_159 = arith.constant 0 : i32
        %dma_start3A_160 = tpu.memref_slice %arg12[%sub3A_124, %dma_start3A_153, %dma_start3A_159] : memref<2x4x128xi32, #tpu.memory_space<vmem>> -> memref<1x1x128xi32, #tpu.memory_space<vmem>>
        %dma_start3A_161 = tpu.memref_squeeze %dma_start3A_160 : memref<1x1x128xi32, #tpu.memory_space<vmem>> -> memref<128xi32, #tpu.memory_space<vmem>>
        %dma_start3A_162 = arith.constant 0 : i32
        %dma_start3A_163 = arith.constant 0 : i32
        %dma_start3A_164 = tpu.memref_slice %arg2[%dma_start3A_162, %dma_start3A_163] : memref<20000x64xf32, #tpu.memory_space<hbm>> -> memref<20000x64xf32, #tpu.memory_space<hbm>>
        tpu.enqueue_indirect_dma source(%dma_start3A_164 : memref<20000x64xf32, #tpu.memory_space<hbm>>) target(%dma_start3A_158 : memref<128x64xf32, #tpu.memory_space<vmem>>) offsets(%dma_start3A_161 : memref<128xi32, #tpu.memory_space<vmem>>) semaphore(%arg16 : memref<!tpu.dma_semaphore, #tpu.memory_space<semaphore_mem>>)
        %dma_start3A_165 = arith.constant 3 : i32
        %dma_start3A_166 = arith.constant 3 : i32
        %dma_start3A_167 = arith.constant 0 : i32
        %dma_start3A_168 = arith.constant 0 : i32
        %dma_start3A_169 = tpu.memref_slice %arg14[%sub3A_124, %dma_start3A_166, %dma_start3A_167, %dma_start3A_168] : memref<2x4x128x64xf32, #tpu.memory_space<vmem>> -> memref<1x1x128x64xf32, #tpu.memory_space<vmem>>
        %dma_start3A_170 = tpu.memref_squeeze %dma_start3A_169 : memref<1x1x128x64xf32, #tpu.memory_space<vmem>> -> memref<128x64xf32, #tpu.memory_space<vmem>>
        %dma_start3A_171 = arith.constant 0 : i32
        %dma_start3A_172 = tpu.memref_slice %arg12[%sub3A_124, %dma_start3A_165, %dma_start3A_171] : memref<2x4x128xi32, #tpu.memory_space<vmem>> -> memref<1x1x128xi32, #tpu.memory_space<vmem>>
        %dma_start3A_173 = tpu.memref_squeeze %dma_start3A_172 : memref<1x1x128xi32, #tpu.memory_space<vmem>> -> memref<128xi32, #tpu.memory_space<vmem>>
        %dma_start3A_174 = arith.constant 0 : i32
        %dma_start3A_175 = arith.constant 0 : i32
        %dma_start3A_176 = tpu.memref_slice %arg2[%dma_start3A_174, %dma_start3A_175] : memref<20000x64xf32, #tpu.memory_space<hbm>> -> memref<20000x64xf32, #tpu.memory_space<hbm>>
        tpu.enqueue_indirect_dma source(%dma_start3A_176 : memref<20000x64xf32, #tpu.memory_space<hbm>>) target(%dma_start3A_170 : memref<128x64xf32, #tpu.memory_space<vmem>>) offsets(%dma_start3A_173 : memref<128xi32, #tpu.memory_space<vmem>>) semaphore(%arg16 : memref<!tpu.dma_semaphore, #tpu.memory_space<semaphore_mem>>)
      } else {
      }
      %dma_wait3A = arith.constant 0 : i32
      %dma_wait3A_70 = arith.constant 0 : i32
      %dma_wait3A_71 = arith.constant 0 : i32
      %dma_wait3A_72 = arith.constant 0 : i32
      %dma_wait3A_73 = tpu.memref_slice %arg14[%rem3A_63, %dma_wait3A_70, %dma_wait3A_71, %dma_wait3A_72] : memref<2x4x128x64xf32, #tpu.memory_space<vmem>> -> memref<1x1x128x64xf32, #tpu.memory_space<vmem>>
      %dma_wait3A_74 = tpu.memref_squeeze %dma_wait3A_73 : memref<1x1x128x64xf32, #tpu.memory_space<vmem>> -> memref<128x64xf32, #tpu.memory_space<vmem>>
      %dma_wait3A_75 = arith.constant 0 : i32
      %dma_wait3A_76 = tpu.memref_slice %arg12[%rem3A_63, %dma_wait3A, %dma_wait3A_75] : memref<2x4x128xi32, #tpu.memory_space<vmem>> -> memref<1x1x128xi32, #tpu.memory_space<vmem>>
      %dma_wait3A_77 = tpu.memref_squeeze %dma_wait3A_76 : memref<1x1x128xi32, #tpu.memory_space<vmem>> -> memref<128xi32, #tpu.memory_space<vmem>>
      %dma_wait3A_78 = arith.constant 0 : i32
      %dma_wait3A_79 = arith.constant 0 : i32
      %dma_wait3A_80 = tpu.memref_slice %arg2[%dma_wait3A_78, %dma_wait3A_79] : memref<20000x64xf32, #tpu.memory_space<hbm>> -> memref<20000x64xf32, #tpu.memory_space<hbm>>
      tpu.wait_indirect_dma semaphore(%arg16 : memref<!tpu.dma_semaphore, #tpu.memory_space<semaphore_mem>>) src(%dma_wait3A_80 : memref<20000x64xf32, #tpu.memory_space<hbm>>) dst(%dma_wait3A_74 : memref<128x64xf32, #tpu.memory_space<vmem>>)
      %dma_wait3A_81 = arith.constant 1 : i32
      %dma_wait3A_82 = arith.constant 1 : i32
      %dma_wait3A_83 = arith.constant 0 : i32
      %dma_wait3A_84 = arith.constant 0 : i32
      %dma_wait3A_85 = tpu.memref_slice %arg14[%rem3A_63, %dma_wait3A_82, %dma_wait3A_83, %dma_wait3A_84] : memref<2x4x128x64xf32, #tpu.memory_space<vmem>> -> memref<1x1x128x64xf32, #tpu.memory_space<vmem>>
      %dma_wait3A_86 = tpu.memref_squeeze %dma_wait3A_85 : memref<1x1x128x64xf32, #tpu.memory_space<vmem>> -> memref<128x64xf32, #tpu.memory_space<vmem>>
      %dma_wait3A_87 = arith.constant 0 : i32
      %dma_wait3A_88 = tpu.memref_slice %arg12[%rem3A_63, %dma_wait3A_81, %dma_wait3A_87] : memref<2x4x128xi32, #tpu.memory_space<vmem>> -> memref<1x1x128xi32, #tpu.memory_space<vmem>>
      %dma_wait3A_89 = tpu.memref_squeeze %dma_wait3A_88 : memref<1x1x128xi32, #tpu.memory_space<vmem>> -> memref<128xi32, #tpu.memory_space<vmem>>
      %dma_wait3A_90 = arith.constant 0 : i32
      %dma_wait3A_91 = arith.constant 0 : i32
      %dma_wait3A_92 = tpu.memref_slice %arg2[%dma_wait3A_90, %dma_wait3A_91] : memref<20000x64xf32, #tpu.memory_space<hbm>> -> memref<20000x64xf32, #tpu.memory_space<hbm>>
      tpu.wait_indirect_dma semaphore(%arg16 : memref<!tpu.dma_semaphore, #tpu.memory_space<semaphore_mem>>) src(%dma_wait3A_92 : memref<20000x64xf32, #tpu.memory_space<hbm>>) dst(%dma_wait3A_86 : memref<128x64xf32, #tpu.memory_space<vmem>>)
      %dma_wait3A_93 = arith.constant 2 : i32
      %dma_wait3A_94 = arith.constant 2 : i32
      %dma_wait3A_95 = arith.constant 0 : i32
      %dma_wait3A_96 = arith.constant 0 : i32
      %dma_wait3A_97 = tpu.memref_slice %arg14[%rem3A_63, %dma_wait3A_94, %dma_wait3A_95, %dma_wait3A_96] : memref<2x4x128x64xf32, #tpu.memory_space<vmem>> -> memref<1x1x128x64xf32, #tpu.memory_space<vmem>>
      %dma_wait3A_98 = tpu.memref_squeeze %dma_wait3A_97 : memref<1x1x128x64xf32, #tpu.memory_space<vmem>> -> memref<128x64xf32, #tpu.memory_space<vmem>>
      %dma_wait3A_99 = arith.constant 0 : i32
      %dma_wait3A_100 = tpu.memref_slice %arg12[%rem3A_63, %dma_wait3A_93, %dma_wait3A_99] : memref<2x4x128xi32, #tpu.memory_space<vmem>> -> memref<1x1x128xi32, #tpu.memory_space<vmem>>
      %dma_wait3A_101 = tpu.memref_squeeze %dma_wait3A_100 : memref<1x1x128xi32, #tpu.memory_space<vmem>> -> memref<128xi32, #tpu.memory_space<vmem>>
      %dma_wait3A_102 = arith.constant 0 : i32
      %dma_wait3A_103 = arith.constant 0 : i32
      %dma_wait3A_104 = tpu.memref_slice %arg2[%dma_wait3A_102, %dma_wait3A_103] : memref<20000x64xf32, #tpu.memory_space<hbm>> -> memref<20000x64xf32, #tpu.memory_space<hbm>>
      tpu.wait_indirect_dma semaphore(%arg16 : memref<!tpu.dma_semaphore, #tpu.memory_space<semaphore_mem>>) src(%dma_wait3A_104 : memref<20000x64xf32, #tpu.memory_space<hbm>>) dst(%dma_wait3A_98 : memref<128x64xf32, #tpu.memory_space<vmem>>)
      %dma_wait3A_105 = arith.constant 3 : i32
      %dma_wait3A_106 = arith.constant 3 : i32
      %dma_wait3A_107 = arith.constant 0 : i32
      %dma_wait3A_108 = arith.constant 0 : i32
      %dma_wait3A_109 = tpu.memref_slice %arg14[%rem3A_63, %dma_wait3A_106, %dma_wait3A_107, %dma_wait3A_108] : memref<2x4x128x64xf32, #tpu.memory_space<vmem>> -> memref<1x1x128x64xf32, #tpu.memory_space<vmem>>
      %dma_wait3A_110 = tpu.memref_squeeze %dma_wait3A_109 : memref<1x1x128x64xf32, #tpu.memory_space<vmem>> -> memref<128x64xf32, #tpu.memory_space<vmem>>
      %dma_wait3A_111 = arith.constant 0 : i32
      %dma_wait3A_112 = tpu.memref_slice %arg12[%rem3A_63, %dma_wait3A_105, %dma_wait3A_111] : memref<2x4x128xi32, #tpu.memory_space<vmem>> -> memref<1x1x128xi32, #tpu.memory_space<vmem>>
      %dma_wait3A_113 = tpu.memref_squeeze %dma_wait3A_112 : memref<1x1x128xi32, #tpu.memory_space<vmem>> -> memref<128xi32, #tpu.memory_space<vmem>>
      %dma_wait3A_114 = arith.constant 0 : i32
      %dma_wait3A_115 = arith.constant 0 : i32
      %dma_wait3A_116 = tpu.memref_slice %arg2[%dma_wait3A_114, %dma_wait3A_115] : memref<20000x64xf32, #tpu.memory_space<hbm>> -> memref<20000x64xf32, #tpu.memory_space<hbm>>
      tpu.wait_indirect_dma semaphore(%arg16 : memref<!tpu.dma_semaphore, #tpu.memory_space<semaphore_mem>>) src(%dma_wait3A_116 : memref<20000x64xf32, #tpu.memory_space<hbm>>) dst(%dma_wait3A_110 : memref<128x64xf32, #tpu.memory_space<vmem>>)
      %run_scoped3A = arith.constant 0 : i32
      %run_scoped3A_117 = arith.constant 0 : i32
      "tpu.region"() ({
        %run_scoped3A_124 = tpu.sem_alloc : memref<!tpu.dma_semaphore, #tpu.memory_space<semaphore_mem>>
        %dma_start3A = arith.constant 0 : i32
        %dma_start3A_125 = arith.constant 0 : i32
        %dma_start3A_126 = tpu.memref_slice %arg14[%rem3A_63, %run_scoped3A, %dma_start3A, %dma_start3A_125] : memref<2x4x128x64xf32, #tpu.memory_space<vmem>> -> memref<1x1x128x64xf32, #tpu.memory_space<vmem>>
        %dma_start3A_127 = tpu.memref_squeeze %dma_start3A_126 : memref<1x1x128x64xf32, #tpu.memory_space<vmem>> -> memref<128x64xf32, #tpu.memory_space<vmem>>
        %dma_start3A_128 = arith.constant 0 : i32
        %dma_start3A_129 = tpu.memref_slice %arg13[%rem3A_63, %run_scoped3A_117, %dma_start3A_128] : memref<2x4x128xi32, #tpu.memory_space<vmem>> -> memref<1x1x128xi32, #tpu.memory_space<vmem>>
        %dma_start3A_130 = tpu.memref_squeeze %dma_start3A_129 : memref<1x1x128xi32, #tpu.memory_space<vmem>> -> memref<128xi32, #tpu.memory_space<vmem>>
        %dma_start3A_131 = arith.constant 0 : i32
        %dma_start3A_132 = arith.constant 0 : i32
        %dma_start3A_133 = tpu.memref_slice %arg15[%dma_start3A_131, %dma_start3A_132] : memref<10112x64xf32, #tpu.memory_space<vmem_shared>> -> memref<10112x64xf32, #tpu.memory_space<vmem_shared>>
        tpu.enqueue_indirect_dma source(%dma_start3A_127 : memref<128x64xf32, #tpu.memory_space<vmem>>) target(%dma_start3A_133 : memref<10112x64xf32, #tpu.memory_space<vmem_shared>>) offsets(%dma_start3A_130 : memref<128xi32, #tpu.memory_space<vmem>>) semaphore(%run_scoped3A_124 : memref<!tpu.dma_semaphore, #tpu.memory_space<semaphore_mem>>) {add = true}
        %dma_wait3A_134 = arith.constant 0 : i32
        %dma_wait3A_135 = arith.constant 0 : i32
        %dma_wait3A_136 = tpu.memref_slice %arg14[%rem3A_63, %run_scoped3A, %dma_wait3A_134, %dma_wait3A_135] : memref<2x4x128x64xf32, #tpu.memory_space<vmem>> -> memref<1x1x128x64xf32, #tpu.memory_space<vmem>>
        %dma_wait3A_137 = tpu.memref_squeeze %dma_wait3A_136 : memref<1x1x128x64xf32, #tpu.memory_space<vmem>> -> memref<128x64xf32, #tpu.memory_space<vmem>>
        %dma_wait3A_138 = arith.constant 0 : i32
        %dma_wait3A_139 = tpu.memref_slice %arg13[%rem3A_63, %run_scoped3A_117, %dma_wait3A_138] : memref<2x4x128xi32, #tpu.memory_space<vmem>> -> memref<1x1x128xi32, #tpu.memory_space<vmem>>
        %dma_wait3A_140 = tpu.memref_squeeze %dma_wait3A_139 : memref<1x1x128xi32, #tpu.memory_space<vmem>> -> memref<128xi32, #tpu.memory_space<vmem>>
        %dma_wait3A_141 = arith.constant 0 : i32
        %dma_wait3A_142 = arith.constant 0 : i32
        %dma_wait3A_143 = tpu.memref_slice %arg15[%dma_wait3A_141, %dma_wait3A_142] : memref<10112x64xf32, #tpu.memory_space<vmem_shared>> -> memref<10112x64xf32, #tpu.memory_space<vmem_shared>>
        tpu.wait_indirect_dma semaphore(%run_scoped3A_124 : memref<!tpu.dma_semaphore, #tpu.memory_space<semaphore_mem>>) src(%dma_wait3A_137 : memref<128x64xf32, #tpu.memory_space<vmem>>) dst(%dma_wait3A_143 : memref<10112x64xf32, #tpu.memory_space<vmem_shared>>)
        tpu.yield
      }) : () -> ()
      %run_scoped3A_118 = arith.constant 1 : i32
      %run_scoped3A_119 = arith.constant 1 : i32
      "tpu.region"() ({
        %run_scoped3A_124 = tpu.sem_alloc : memref<!tpu.dma_semaphore, #tpu.memory_space<semaphore_mem>>
        %dma_start3A = arith.constant 0 : i32
        %dma_start3A_125 = arith.constant 0 : i32
        %dma_start3A_126 = tpu.memref_slice %arg14[%rem3A_63, %run_scoped3A_118, %dma_start3A, %dma_start3A_125] : memref<2x4x128x64xf32, #tpu.memory_space<vmem>> -> memref<1x1x128x64xf32, #tpu.memory_space<vmem>>
        %dma_start3A_127 = tpu.memref_squeeze %dma_start3A_126 : memref<1x1x128x64xf32, #tpu.memory_space<vmem>> -> memref<128x64xf32, #tpu.memory_space<vmem>>
        %dma_start3A_128 = arith.constant 0 : i32
        %dma_start3A_129 = tpu.memref_slice %arg13[%rem3A_63, %run_scoped3A_119, %dma_start3A_128] : memref<2x4x128xi32, #tpu.memory_space<vmem>> -> memref<1x1x128xi32, #tpu.memory_space<vmem>>
        %dma_start3A_130 = tpu.memref_squeeze %dma_start3A_129 : memref<1x1x128xi32, #tpu.memory_space<vmem>> -> memref<128xi32, #tpu.memory_space<vmem>>
        %dma_start3A_131 = arith.constant 0 : i32
        %dma_start3A_132 = arith.constant 0 : i32
        %dma_start3A_133 = tpu.memref_slice %arg15[%dma_start3A_131, %dma_start3A_132] : memref<10112x64xf32, #tpu.memory_space<vmem_shared>> -> memref<10112x64xf32, #tpu.memory_space<vmem_shared>>
        tpu.enqueue_indirect_dma source(%dma_start3A_127 : memref<128x64xf32, #tpu.memory_space<vmem>>) target(%dma_start3A_133 : memref<10112x64xf32, #tpu.memory_space<vmem_shared>>) offsets(%dma_start3A_130 : memref<128xi32, #tpu.memory_space<vmem>>) semaphore(%run_scoped3A_124 : memref<!tpu.dma_semaphore, #tpu.memory_space<semaphore_mem>>) {add = true}
        %dma_wait3A_134 = arith.constant 0 : i32
        %dma_wait3A_135 = arith.constant 0 : i32
        %dma_wait3A_136 = tpu.memref_slice %arg14[%rem3A_63, %run_scoped3A_118, %dma_wait3A_134, %dma_wait3A_135] : memref<2x4x128x64xf32, #tpu.memory_space<vmem>> -> memref<1x1x128x64xf32, #tpu.memory_space<vmem>>
        %dma_wait3A_137 = tpu.memref_squeeze %dma_wait3A_136 : memref<1x1x128x64xf32, #tpu.memory_space<vmem>> -> memref<128x64xf32, #tpu.memory_space<vmem>>
        %dma_wait3A_138 = arith.constant 0 : i32
        %dma_wait3A_139 = tpu.memref_slice %arg13[%rem3A_63, %run_scoped3A_119, %dma_wait3A_138] : memref<2x4x128xi32, #tpu.memory_space<vmem>> -> memref<1x1x128xi32, #tpu.memory_space<vmem>>
        %dma_wait3A_140 = tpu.memref_squeeze %dma_wait3A_139 : memref<1x1x128xi32, #tpu.memory_space<vmem>> -> memref<128xi32, #tpu.memory_space<vmem>>
        %dma_wait3A_141 = arith.constant 0 : i32
        %dma_wait3A_142 = arith.constant 0 : i32
        %dma_wait3A_143 = tpu.memref_slice %arg15[%dma_wait3A_141, %dma_wait3A_142] : memref<10112x64xf32, #tpu.memory_space<vmem_shared>> -> memref<10112x64xf32, #tpu.memory_space<vmem_shared>>
        tpu.wait_indirect_dma semaphore(%run_scoped3A_124 : memref<!tpu.dma_semaphore, #tpu.memory_space<semaphore_mem>>) src(%dma_wait3A_137 : memref<128x64xf32, #tpu.memory_space<vmem>>) dst(%dma_wait3A_143 : memref<10112x64xf32, #tpu.memory_space<vmem_shared>>)
        tpu.yield
      }) : () -> ()
      %run_scoped3A_120 = arith.constant 2 : i32
      %run_scoped3A_121 = arith.constant 2 : i32
      "tpu.region"() ({
        %run_scoped3A_124 = tpu.sem_alloc : memref<!tpu.dma_semaphore, #tpu.memory_space<semaphore_mem>>
        %dma_start3A = arith.constant 0 : i32
        %dma_start3A_125 = arith.constant 0 : i32
        %dma_start3A_126 = tpu.memref_slice %arg14[%rem3A_63, %run_scoped3A_120, %dma_start3A, %dma_start3A_125] : memref<2x4x128x64xf32, #tpu.memory_space<vmem>> -> memref<1x1x128x64xf32, #tpu.memory_space<vmem>>
        %dma_start3A_127 = tpu.memref_squeeze %dma_start3A_126 : memref<1x1x128x64xf32, #tpu.memory_space<vmem>> -> memref<128x64xf32, #tpu.memory_space<vmem>>
        %dma_start3A_128 = arith.constant 0 : i32
        %dma_start3A_129 = tpu.memref_slice %arg13[%rem3A_63, %run_scoped3A_121, %dma_start3A_128] : memref<2x4x128xi32, #tpu.memory_space<vmem>> -> memref<1x1x128xi32, #tpu.memory_space<vmem>>
        %dma_start3A_130 = tpu.memref_squeeze %dma_start3A_129 : memref<1x1x128xi32, #tpu.memory_space<vmem>> -> memref<128xi32, #tpu.memory_space<vmem>>
        %dma_start3A_131 = arith.constant 0 : i32
        %dma_start3A_132 = arith.constant 0 : i32
        %dma_start3A_133 = tpu.memref_slice %arg15[%dma_start3A_131, %dma_start3A_132] : memref<10112x64xf32, #tpu.memory_space<vmem_shared>> -> memref<10112x64xf32, #tpu.memory_space<vmem_shared>>
        tpu.enqueue_indirect_dma source(%dma_start3A_127 : memref<128x64xf32, #tpu.memory_space<vmem>>) target(%dma_start3A_133 : memref<10112x64xf32, #tpu.memory_space<vmem_shared>>) offsets(%dma_start3A_130 : memref<128xi32, #tpu.memory_space<vmem>>) semaphore(%run_scoped3A_124 : memref<!tpu.dma_semaphore, #tpu.memory_space<semaphore_mem>>) {add = true}
        %dma_wait3A_134 = arith.constant 0 : i32
        %dma_wait3A_135 = arith.constant 0 : i32
        %dma_wait3A_136 = tpu.memref_slice %arg14[%rem3A_63, %run_scoped3A_120, %dma_wait3A_134, %dma_wait3A_135] : memref<2x4x128x64xf32, #tpu.memory_space<vmem>> -> memref<1x1x128x64xf32, #tpu.memory_space<vmem>>
        %dma_wait3A_137 = tpu.memref_squeeze %dma_wait3A_136 : memref<1x1x128x64xf32, #tpu.memory_space<vmem>> -> memref<128x64xf32, #tpu.memory_space<vmem>>
        %dma_wait3A_138 = arith.constant 0 : i32
        %dma_wait3A_139 = tpu.memref_slice %arg13[%rem3A_63, %run_scoped3A_121, %dma_wait3A_138] : memref<2x4x128xi32, #tpu.memory_space<vmem>> -> memref<1x1x128xi32, #tpu.memory_space<vmem>>
        %dma_wait3A_140 = tpu.memref_squeeze %dma_wait3A_139 : memref<1x1x128xi32, #tpu.memory_space<vmem>> -> memref<128xi32, #tpu.memory_space<vmem>>
        %dma_wait3A_141 = arith.constant 0 : i32
        %dma_wait3A_142 = arith.constant 0 : i32
        %dma_wait3A_143 = tpu.memref_slice %arg15[%dma_wait3A_141, %dma_wait3A_142] : memref<10112x64xf32, #tpu.memory_space<vmem_shared>> -> memref<10112x64xf32, #tpu.memory_space<vmem_shared>>
        tpu.wait_indirect_dma semaphore(%run_scoped3A_124 : memref<!tpu.dma_semaphore, #tpu.memory_space<semaphore_mem>>) src(%dma_wait3A_137 : memref<128x64xf32, #tpu.memory_space<vmem>>) dst(%dma_wait3A_143 : memref<10112x64xf32, #tpu.memory_space<vmem_shared>>)
        tpu.yield
      }) : () -> ()
      %run_scoped3A_122 = arith.constant 3 : i32
      %run_scoped3A_123 = arith.constant 3 : i32
      "tpu.region"() ({
        %run_scoped3A_124 = tpu.sem_alloc : memref<!tpu.dma_semaphore, #tpu.memory_space<semaphore_mem>>
        %dma_start3A = arith.constant 0 : i32
        %dma_start3A_125 = arith.constant 0 : i32
        %dma_start3A_126 = tpu.memref_slice %arg14[%rem3A_63, %run_scoped3A_122, %dma_start3A, %dma_start3A_125] : memref<2x4x128x64xf32, #tpu.memory_space<vmem>> -> memref<1x1x128x64xf32, #tpu.memory_space<vmem>>
        %dma_start3A_127 = tpu.memref_squeeze %dma_start3A_126 : memref<1x1x128x64xf32, #tpu.memory_space<vmem>> -> memref<128x64xf32, #tpu.memory_space<vmem>>
        %dma_start3A_128 = arith.constant 0 : i32
        %dma_start3A_129 = tpu.memref_slice %arg13[%rem3A_63, %run_scoped3A_123, %dma_start3A_128] : memref<2x4x128xi32, #tpu.memory_space<vmem>> -> memref<1x1x128xi32, #tpu.memory_space<vmem>>
        %dma_start3A_130 = tpu.memref_squeeze %dma_start3A_129 : memref<1x1x128xi32, #tpu.memory_space<vmem>> -> memref<128xi32, #tpu.memory_space<vmem>>
        %dma_start3A_131 = arith.constant 0 : i32
        %dma_start3A_132 = arith.constant 0 : i32
        %dma_start3A_133 = tpu.memref_slice %arg15[%dma_start3A_131, %dma_start3A_132] : memref<10112x64xf32, #tpu.memory_space<vmem_shared>> -> memref<10112x64xf32, #tpu.memory_space<vmem_shared>>
        tpu.enqueue_indirect_dma source(%dma_start3A_127 : memref<128x64xf32, #tpu.memory_space<vmem>>) target(%dma_start3A_133 : memref<10112x64xf32, #tpu.memory_space<vmem_shared>>) offsets(%dma_start3A_130 : memref<128xi32, #tpu.memory_space<vmem>>) semaphore(%run_scoped3A_124 : memref<!tpu.dma_semaphore, #tpu.memory_space<semaphore_mem>>) {add = true}
        %dma_wait3A_134 = arith.constant 0 : i32
        %dma_wait3A_135 = arith.constant 0 : i32
        %dma_wait3A_136 = tpu.memref_slice %arg14[%rem3A_63, %run_scoped3A_122, %dma_wait3A_134, %dma_wait3A_135] : memref<2x4x128x64xf32, #tpu.memory_space<vmem>> -> memref<1x1x128x64xf32, #tpu.memory_space<vmem>>
        %dma_wait3A_137 = tpu.memref_squeeze %dma_wait3A_136 : memref<1x1x128x64xf32, #tpu.memory_space<vmem>> -> memref<128x64xf32, #tpu.memory_space<vmem>>
        %dma_wait3A_138 = arith.constant 0 : i32
        %dma_wait3A_139 = tpu.memref_slice %arg13[%rem3A_63, %run_scoped3A_123, %dma_wait3A_138] : memref<2x4x128xi32, #tpu.memory_space<vmem>> -> memref<1x1x128xi32, #tpu.memory_space<vmem>>
        %dma_wait3A_140 = tpu.memref_squeeze %dma_wait3A_139 : memref<1x1x128xi32, #tpu.memory_space<vmem>> -> memref<128xi32, #tpu.memory_space<vmem>>
        %dma_wait3A_141 = arith.constant 0 : i32
        %dma_wait3A_142 = arith.constant 0 : i32
        %dma_wait3A_143 = tpu.memref_slice %arg15[%dma_wait3A_141, %dma_wait3A_142] : memref<10112x64xf32, #tpu.memory_space<vmem_shared>> -> memref<10112x64xf32, #tpu.memory_space<vmem_shared>>
        tpu.wait_indirect_dma semaphore(%run_scoped3A_124 : memref<!tpu.dma_semaphore, #tpu.memory_space<semaphore_mem>>) src(%dma_wait3A_137 : memref<128x64xf32, #tpu.memory_space<vmem>>) dst(%dma_wait3A_143 : memref<10112x64xf32, #tpu.memory_space<vmem_shared>>)
        tpu.yield
      }) : () -> ()
    }
    %while3A_54 = arith.constant 1 : i32
    scf.for %while3A_62 = %while3A_52 to %while3A_48 step %while3A_54  : i32 {
      %rem3A = arith.constant 2 : i32
      %rem3A_63 = arith.remsi %while3A_62, %rem3A : i32
      %add3A_64 = arith.constant 1 : i32
      %add3A_65 = arith.addi %while3A_62, %add3A_64 : i32
      %lt3A_66 = arith.cmpi slt, %add3A_65, %add3A_4 : i32
      %convert_element_type3A_67 = arith.extui %lt3A_66 : i1 to i32
      %cond3A_68 = arith.constant 0 : i32
      %cond3A_69 = arith.cmpi ne, %convert_element_type3A_67, %cond3A_68 : i32
      scf.if %cond3A_69 {
        %sub3A = arith.constant 1 : i32
        %sub3A_124 = arith.subi %sub3A, %rem3A_63 : i32
        %add3A_125 = arith.constant 1 : i32
        %add3A_126 = arith.addi %while3A_62, %add3A_125 : i32
        %add3A_127 = arith.addi %add3A_8, %add3A_126 : i32
        %mul3A_128 = arith.constant 4 : i32
        %mul3A_129 = arith.muli %add3A_127, %mul3A_128 : i32
        "tpu.region"() ({
          %run_scoped3A_177 = tpu.sem_alloc : memref<!tpu.dma_semaphore, #tpu.memory_space<semaphore_mem>>
          %dma_start3A_178 = arith.constant 0 : i32
          %dma_start3A_179 = arith.constant 0 : i32
          %dma_start3A_180 = tpu.memref_slice %arg12[%sub3A_124, %dma_start3A_178, %dma_start3A_179] : memref<2x4x128xi32, #tpu.memory_space<vmem>> -> memref<1x4x128xi32, #tpu.memory_space<vmem>>
          %dma_start3A_181 = tpu.memref_squeeze %dma_start3A_180 : memref<1x4x128xi32, #tpu.memory_space<vmem>> -> memref<4x128xi32, #tpu.memory_space<vmem>>
          %dma_start3A_182 = arith.constant 0 : i32
          %dma_start3A_183 = tpu.memref_slice %arg4[%mul3A_129, %dma_start3A_182] : memref<2500x128xi32, #tpu.memory_space<hbm>> -> memref<4x128xi32, #tpu.memory_space<hbm>>
          %dma_start3A_184 = arith.constant 0 : i32
          %dma_start3A_185 = arith.constant 0 : i32
          %dma_start3A_186 = tpu.memref_slice %arg12[%sub3A_124, %dma_start3A_184, %dma_start3A_185] : memref<2x4x128xi32, #tpu.memory_space<vmem>> -> memref<1x4x128xi32, #tpu.memory_space<vmem>>
          %dma_start3A_187 = tpu.memref_squeeze %dma_start3A_186 : memref<1x4x128xi32, #tpu.memory_space<vmem>> -> memref<4x128xi32, #tpu.memory_space<vmem>>
          %dma_start3A_188 = arith.constant 0 : i32
          %dma_start3A_189 = tpu.memref_slice %arg4[%mul3A_129, %dma_start3A_188] : memref<2500x128xi32, #tpu.memory_space<hbm>> -> memref<4x128xi32, #tpu.memory_space<hbm>>
          tpu.enqueue_dma source(%dma_start3A_189 : memref<4x128xi32, #tpu.memory_space<hbm>>) target(%dma_start3A_187 : memref<4x128xi32, #tpu.memory_space<vmem>>) target_semaphore(%run_scoped3A_177 : memref<!tpu.dma_semaphore, #tpu.memory_space<semaphore_mem>>)
          %dma_wait3A_190 = arith.constant 0 : i32
          %dma_wait3A_191 = arith.constant 0 : i32
          %dma_wait3A_192 = tpu.memref_slice %arg12[%sub3A_124, %dma_wait3A_190, %dma_wait3A_191] : memref<2x4x128xi32, #tpu.memory_space<vmem>> -> memref<1x4x128xi32, #tpu.memory_space<vmem>>
          %dma_wait3A_193 = tpu.memref_squeeze %dma_wait3A_192 : memref<1x4x128xi32, #tpu.memory_space<vmem>> -> memref<4x128xi32, #tpu.memory_space<vmem>>
          %dma_wait3A_194 = arith.constant 0 : i32
          %dma_wait3A_195 = tpu.memref_slice %arg4[%mul3A_129, %dma_wait3A_194] : memref<2500x128xi32, #tpu.memory_space<hbm>> -> memref<4x128xi32, #tpu.memory_space<hbm>>
          %dma_wait3A_196 = arith.constant 0 : i32
          %dma_wait3A_197 = arith.constant 0 : i32
          %dma_wait3A_198 = tpu.memref_slice %arg12[%sub3A_124, %dma_wait3A_196, %dma_wait3A_197] : memref<2x4x128xi32, #tpu.memory_space<vmem>> -> memref<1x4x128xi32, #tpu.memory_space<vmem>>
          %dma_wait3A_199 = tpu.memref_squeeze %dma_wait3A_198 : memref<1x4x128xi32, #tpu.memory_space<vmem>> -> memref<4x128xi32, #tpu.memory_space<vmem>>
          %dma_wait3A_200 = arith.constant 0 : i32
          %dma_wait3A_201 = tpu.memref_slice %arg4[%mul3A_129, %dma_wait3A_200] : memref<2500x128xi32, #tpu.memory_space<hbm>> -> memref<4x128xi32, #tpu.memory_space<hbm>>
          tpu.wait_dma2 semaphore(%run_scoped3A_177 : memref<!tpu.dma_semaphore, #tpu.memory_space<semaphore_mem>>) src(%dma_wait3A_201 : memref<4x128xi32, #tpu.memory_space<hbm>>) dst(%dma_wait3A_199 : memref<4x128xi32, #tpu.memory_space<vmem>>)
          tpu.yield
        }) : () -> ()
        "tpu.region"() ({
          %run_scoped3A_177 = tpu.sem_alloc : memref<!tpu.dma_semaphore, #tpu.memory_space<semaphore_mem>>
          %dma_start3A_178 = arith.constant 0 : i32
          %dma_start3A_179 = arith.constant 0 : i32
          %dma_start3A_180 = tpu.memref_slice %arg13[%sub3A_124, %dma_start3A_178, %dma_start3A_179] : memref<2x4x128xi32, #tpu.memory_space<vmem>> -> memref<1x4x128xi32, #tpu.memory_space<vmem>>
          %dma_start3A_181 = tpu.memref_squeeze %dma_start3A_180 : memref<1x4x128xi32, #tpu.memory_space<vmem>> -> memref<4x128xi32, #tpu.memory_space<vmem>>
          %dma_start3A_182 = arith.constant 0 : i32
          %dma_start3A_183 = tpu.memref_slice %arg5[%mul3A_129, %dma_start3A_182] : memref<2500x128xi32, #tpu.memory_space<hbm>> -> memref<4x128xi32, #tpu.memory_space<hbm>>
          %dma_start3A_184 = arith.constant 0 : i32
          %dma_start3A_185 = arith.constant 0 : i32
          %dma_start3A_186 = tpu.memref_slice %arg13[%sub3A_124, %dma_start3A_184, %dma_start3A_185] : memref<2x4x128xi32, #tpu.memory_space<vmem>> -> memref<1x4x128xi32, #tpu.memory_space<vmem>>
          %dma_start3A_187 = tpu.memref_squeeze %dma_start3A_186 : memref<1x4x128xi32, #tpu.memory_space<vmem>> -> memref<4x128xi32, #tpu.memory_space<vmem>>
          %dma_start3A_188 = arith.constant 0 : i32
          %dma_start3A_189 = tpu.memref_slice %arg5[%mul3A_129, %dma_start3A_188] : memref<2500x128xi32, #tpu.memory_space<hbm>> -> memref<4x128xi32, #tpu.memory_space<hbm>>
          tpu.enqueue_dma source(%dma_start3A_189 : memref<4x128xi32, #tpu.memory_space<hbm>>) target(%dma_start3A_187 : memref<4x128xi32, #tpu.memory_space<vmem>>) target_semaphore(%run_scoped3A_177 : memref<!tpu.dma_semaphore, #tpu.memory_space<semaphore_mem>>)
          %dma_wait3A_190 = arith.constant 0 : i32
          %dma_wait3A_191 = arith.constant 0 : i32
          %dma_wait3A_192 = tpu.memref_slice %arg13[%sub3A_124, %dma_wait3A_190, %dma_wait3A_191] : memref<2x4x128xi32, #tpu.memory_space<vmem>> -> memref<1x4x128xi32, #tpu.memory_space<vmem>>
          %dma_wait3A_193 = tpu.memref_squeeze %dma_wait3A_192 : memref<1x4x128xi32, #tpu.memory_space<vmem>> -> memref<4x128xi32, #tpu.memory_space<vmem>>
          %dma_wait3A_194 = arith.constant 0 : i32
          %dma_wait3A_195 = tpu.memref_slice %arg5[%mul3A_129, %dma_wait3A_194] : memref<2500x128xi32, #tpu.memory_space<hbm>> -> memref<4x128xi32, #tpu.memory_space<hbm>>
          %dma_wait3A_196 = arith.constant 0 : i32
          %dma_wait3A_197 = arith.constant 0 : i32
          %dma_wait3A_198 = tpu.memref_slice %arg13[%sub3A_124, %dma_wait3A_196, %dma_wait3A_197] : memref<2x4x128xi32, #tpu.memory_space<vmem>> -> memref<1x4x128xi32, #tpu.memory_space<vmem>>
          %dma_wait3A_199 = tpu.memref_squeeze %dma_wait3A_198 : memref<1x4x128xi32, #tpu.memory_space<vmem>> -> memref<4x128xi32, #tpu.memory_space<vmem>>
          %dma_wait3A_200 = arith.constant 0 : i32
          %dma_wait3A_201 = tpu.memref_slice %arg5[%mul3A_129, %dma_wait3A_200] : memref<2500x128xi32, #tpu.memory_space<hbm>> -> memref<4x128xi32, #tpu.memory_space<hbm>>
          tpu.wait_dma2 semaphore(%run_scoped3A_177 : memref<!tpu.dma_semaphore, #tpu.memory_space<semaphore_mem>>) src(%dma_wait3A_201 : memref<4x128xi32, #tpu.memory_space<hbm>>) dst(%dma_wait3A_199 : memref<4x128xi32, #tpu.memory_space<vmem>>)
          tpu.yield
        }) : () -> ()
        %dma_start3A = arith.constant 0 : i32
        %dma_start3A_130 = arith.constant 0 : i32
        %dma_start3A_131 = arith.constant 0 : i32
        %dma_start3A_132 = arith.constant 0 : i32
        %dma_start3A_133 = tpu.memref_slice %arg14[%sub3A_124, %dma_start3A_130, %dma_start3A_131, %dma_start3A_132] : memref<2x4x128x64xf32, #tpu.memory_space<vmem>> -> memref<1x1x128x64xf32, #tpu.memory_space<vmem>>
        %dma_start3A_134 = tpu.memref_squeeze %dma_start3A_133 : memref<1x1x128x64xf32, #tpu.memory_space<vmem>> -> memref<128x64xf32, #tpu.memory_space<vmem>>
        %dma_start3A_135 = arith.constant 0 : i32
        %dma_start3A_136 = tpu.memref_slice %arg12[%sub3A_124, %dma_start3A, %dma_start3A_135] : memref<2x4x128xi32, #tpu.memory_space<vmem>> -> memref<1x1x128xi32, #tpu.memory_space<vmem>>
        %dma_start3A_137 = tpu.memref_squeeze %dma_start3A_136 : memref<1x1x128xi32, #tpu.memory_space<vmem>> -> memref<128xi32, #tpu.memory_space<vmem>>
        %dma_start3A_138 = arith.constant 0 : i32
        %dma_start3A_139 = arith.constant 0 : i32
        %dma_start3A_140 = tpu.memref_slice %arg2[%dma_start3A_138, %dma_start3A_139] : memref<20000x64xf32, #tpu.memory_space<hbm>> -> memref<20000x64xf32, #tpu.memory_space<hbm>>
        tpu.enqueue_indirect_dma source(%dma_start3A_140 : memref<20000x64xf32, #tpu.memory_space<hbm>>) target(%dma_start3A_134 : memref<128x64xf32, #tpu.memory_space<vmem>>) offsets(%dma_start3A_137 : memref<128xi32, #tpu.memory_space<vmem>>) semaphore(%arg16 : memref<!tpu.dma_semaphore, #tpu.memory_space<semaphore_mem>>)
        %dma_start3A_141 = arith.constant 1 : i32
        %dma_start3A_142 = arith.constant 1 : i32
        %dma_start3A_143 = arith.constant 0 : i32
        %dma_start3A_144 = arith.constant 0 : i32
        %dma_start3A_145 = tpu.memref_slice %arg14[%sub3A_124, %dma_start3A_142, %dma_start3A_143, %dma_start3A_144] : memref<2x4x128x64xf32, #tpu.memory_space<vmem>> -> memref<1x1x128x64xf32, #tpu.memory_space<vmem>>
        %dma_start3A_146 = tpu.memref_squeeze %dma_start3A_145 : memref<1x1x128x64xf32, #tpu.memory_space<vmem>> -> memref<128x64xf32, #tpu.memory_space<vmem>>
        %dma_start3A_147 = arith.constant 0 : i32
        %dma_start3A_148 = tpu.memref_slice %arg12[%sub3A_124, %dma_start3A_141, %dma_start3A_147] : memref<2x4x128xi32, #tpu.memory_space<vmem>> -> memref<1x1x128xi32, #tpu.memory_space<vmem>>
        %dma_start3A_149 = tpu.memref_squeeze %dma_start3A_148 : memref<1x1x128xi32, #tpu.memory_space<vmem>> -> memref<128xi32, #tpu.memory_space<vmem>>
        %dma_start3A_150 = arith.constant 0 : i32
        %dma_start3A_151 = arith.constant 0 : i32
        %dma_start3A_152 = tpu.memref_slice %arg2[%dma_start3A_150, %dma_start3A_151] : memref<20000x64xf32, #tpu.memory_space<hbm>> -> memref<20000x64xf32, #tpu.memory_space<hbm>>
        tpu.enqueue_indirect_dma source(%dma_start3A_152 : memref<20000x64xf32, #tpu.memory_space<hbm>>) target(%dma_start3A_146 : memref<128x64xf32, #tpu.memory_space<vmem>>) offsets(%dma_start3A_149 : memref<128xi32, #tpu.memory_space<vmem>>) semaphore(%arg16 : memref<!tpu.dma_semaphore, #tpu.memory_space<semaphore_mem>>)
        %dma_start3A_153 = arith.constant 2 : i32
        %dma_start3A_154 = arith.constant 2 : i32
        %dma_start3A_155 = arith.constant 0 : i32
        %dma_start3A_156 = arith.constant 0 : i32
        %dma_start3A_157 = tpu.memref_slice %arg14[%sub3A_124, %dma_start3A_154, %dma_start3A_155, %dma_start3A_156] : memref<2x4x128x64xf32, #tpu.memory_space<vmem>> -> memref<1x1x128x64xf32, #tpu.memory_space<vmem>>
        %dma_start3A_158 = tpu.memref_squeeze %dma_start3A_157 : memref<1x1x128x64xf32, #tpu.memory_space<vmem>> -> memref<128x64xf32, #tpu.memory_space<vmem>>
        %dma_start3A_159 = arith.constant 0 : i32
        %dma_start3A_160 = tpu.memref_slice %arg12[%sub3A_124, %dma_start3A_153, %dma_start3A_159] : memref<2x4x128xi32, #tpu.memory_space<vmem>> -> memref<1x1x128xi32, #tpu.memory_space<vmem>>
        %dma_start3A_161 = tpu.memref_squeeze %dma_start3A_160 : memref<1x1x128xi32, #tpu.memory_space<vmem>> -> memref<128xi32, #tpu.memory_space<vmem>>
        %dma_start3A_162 = arith.constant 0 : i32
        %dma_start3A_163 = arith.constant 0 : i32
        %dma_start3A_164 = tpu.memref_slice %arg2[%dma_start3A_162, %dma_start3A_163] : memref<20000x64xf32, #tpu.memory_space<hbm>> -> memref<20000x64xf32, #tpu.memory_space<hbm>>
        tpu.enqueue_indirect_dma source(%dma_start3A_164 : memref<20000x64xf32, #tpu.memory_space<hbm>>) target(%dma_start3A_158 : memref<128x64xf32, #tpu.memory_space<vmem>>) offsets(%dma_start3A_161 : memref<128xi32, #tpu.memory_space<vmem>>) semaphore(%arg16 : memref<!tpu.dma_semaphore, #tpu.memory_space<semaphore_mem>>)
        %dma_start3A_165 = arith.constant 3 : i32
        %dma_start3A_166 = arith.constant 3 : i32
        %dma_start3A_167 = arith.constant 0 : i32
        %dma_start3A_168 = arith.constant 0 : i32
        %dma_start3A_169 = tpu.memref_slice %arg14[%sub3A_124, %dma_start3A_166, %dma_start3A_167, %dma_start3A_168] : memref<2x4x128x64xf32, #tpu.memory_space<vmem>> -> memref<1x1x128x64xf32, #tpu.memory_space<vmem>>
        %dma_start3A_170 = tpu.memref_squeeze %dma_start3A_169 : memref<1x1x128x64xf32, #tpu.memory_space<vmem>> -> memref<128x64xf32, #tpu.memory_space<vmem>>
        %dma_start3A_171 = arith.constant 0 : i32
        %dma_start3A_172 = tpu.memref_slice %arg12[%sub3A_124, %dma_start3A_165, %dma_start3A_171] : memref<2x4x128xi32, #tpu.memory_space<vmem>> -> memref<1x1x128xi32, #tpu.memory_space<vmem>>
        %dma_start3A_173 = tpu.memref_squeeze %dma_start3A_172 : memref<1x1x128xi32, #tpu.memory_space<vmem>> -> memref<128xi32, #tpu.memory_space<vmem>>
        %dma_start3A_174 = arith.constant 0 : i32
        %dma_start3A_175 = arith.constant 0 : i32
        %dma_start3A_176 = tpu.memref_slice %arg2[%dma_start3A_174, %dma_start3A_175] : memref<20000x64xf32, #tpu.memory_space<hbm>> -> memref<20000x64xf32, #tpu.memory_space<hbm>>
        tpu.enqueue_indirect_dma source(%dma_start3A_176 : memref<20000x64xf32, #tpu.memory_space<hbm>>) target(%dma_start3A_170 : memref<128x64xf32, #tpu.memory_space<vmem>>) offsets(%dma_start3A_173 : memref<128xi32, #tpu.memory_space<vmem>>) semaphore(%arg16 : memref<!tpu.dma_semaphore, #tpu.memory_space<semaphore_mem>>)
      } else {
      }
      %dma_wait3A = arith.constant 0 : i32
      %dma_wait3A_70 = arith.constant 0 : i32
      %dma_wait3A_71 = arith.constant 0 : i32
      %dma_wait3A_72 = arith.constant 0 : i32
      %dma_wait3A_73 = tpu.memref_slice %arg14[%rem3A_63, %dma_wait3A_70, %dma_wait3A_71, %dma_wait3A_72] : memref<2x4x128x64xf32, #tpu.memory_space<vmem>> -> memref<1x1x128x64xf32, #tpu.memory_space<vmem>>
      %dma_wait3A_74 = tpu.memref_squeeze %dma_wait3A_73 : memref<1x1x128x64xf32, #tpu.memory_space<vmem>> -> memref<128x64xf32, #tpu.memory_space<vmem>>
      %dma_wait3A_75 = arith.constant 0 : i32
      %dma_wait3A_76 = tpu.memref_slice %arg12[%rem3A_63, %dma_wait3A, %dma_wait3A_75] : memref<2x4x128xi32, #tpu.memory_space<vmem>> -> memref<1x1x128xi32, #tpu.memory_space<vmem>>
      %dma_wait3A_77 = tpu.memref_squeeze %dma_wait3A_76 : memref<1x1x128xi32, #tpu.memory_space<vmem>> -> memref<128xi32, #tpu.memory_space<vmem>>
      %dma_wait3A_78 = arith.constant 0 : i32
      %dma_wait3A_79 = arith.constant 0 : i32
      %dma_wait3A_80 = tpu.memref_slice %arg2[%dma_wait3A_78, %dma_wait3A_79] : memref<20000x64xf32, #tpu.memory_space<hbm>> -> memref<20000x64xf32, #tpu.memory_space<hbm>>
      tpu.wait_indirect_dma semaphore(%arg16 : memref<!tpu.dma_semaphore, #tpu.memory_space<semaphore_mem>>) src(%dma_wait3A_80 : memref<20000x64xf32, #tpu.memory_space<hbm>>) dst(%dma_wait3A_74 : memref<128x64xf32, #tpu.memory_space<vmem>>)
      %dma_wait3A_81 = arith.constant 1 : i32
      %dma_wait3A_82 = arith.constant 1 : i32
      %dma_wait3A_83 = arith.constant 0 : i32
      %dma_wait3A_84 = arith.constant 0 : i32
      %dma_wait3A_85 = tpu.memref_slice %arg14[%rem3A_63, %dma_wait3A_82, %dma_wait3A_83, %dma_wait3A_84] : memref<2x4x128x64xf32, #tpu.memory_space<vmem>> -> memref<1x1x128x64xf32, #tpu.memory_space<vmem>>
      %dma_wait3A_86 = tpu.memref_squeeze %dma_wait3A_85 : memref<1x1x128x64xf32, #tpu.memory_space<vmem>> -> memref<128x64xf32, #tpu.memory_space<vmem>>
      %dma_wait3A_87 = arith.constant 0 : i32
      %dma_wait3A_88 = tpu.memref_slice %arg12[%rem3A_63, %dma_wait3A_81, %dma_wait3A_87] : memref<2x4x128xi32, #tpu.memory_space<vmem>> -> memref<1x1x128xi32, #tpu.memory_space<vmem>>
      %dma_wait3A_89 = tpu.memref_squeeze %dma_wait3A_88 : memref<1x1x128xi32, #tpu.memory_space<vmem>> -> memref<128xi32, #tpu.memory_space<vmem>>
      %dma_wait3A_90 = arith.constant 0 : i32
      %dma_wait3A_91 = arith.constant 0 : i32
      %dma_wait3A_92 = tpu.memref_slice %arg2[%dma_wait3A_90, %dma_wait3A_91] : memref<20000x64xf32, #tpu.memory_space<hbm>> -> memref<20000x64xf32, #tpu.memory_space<hbm>>
      tpu.wait_indirect_dma semaphore(%arg16 : memref<!tpu.dma_semaphore, #tpu.memory_space<semaphore_mem>>) src(%dma_wait3A_92 : memref<20000x64xf32, #tpu.memory_space<hbm>>) dst(%dma_wait3A_86 : memref<128x64xf32, #tpu.memory_space<vmem>>)
      %dma_wait3A_93 = arith.constant 2 : i32
      %dma_wait3A_94 = arith.constant 2 : i32
      %dma_wait3A_95 = arith.constant 0 : i32
      %dma_wait3A_96 = arith.constant 0 : i32
      %dma_wait3A_97 = tpu.memref_slice %arg14[%rem3A_63, %dma_wait3A_94, %dma_wait3A_95, %dma_wait3A_96] : memref<2x4x128x64xf32, #tpu.memory_space<vmem>> -> memref<1x1x128x64xf32, #tpu.memory_space<vmem>>
      %dma_wait3A_98 = tpu.memref_squeeze %dma_wait3A_97 : memref<1x1x128x64xf32, #tpu.memory_space<vmem>> -> memref<128x64xf32, #tpu.memory_space<vmem>>
      %dma_wait3A_99 = arith.constant 0 : i32
      %dma_wait3A_100 = tpu.memref_slice %arg12[%rem3A_63, %dma_wait3A_93, %dma_wait3A_99] : memref<2x4x128xi32, #tpu.memory_space<vmem>> -> memref<1x1x128xi32, #tpu.memory_space<vmem>>
      %dma_wait3A_101 = tpu.memref_squeeze %dma_wait3A_100 : memref<1x1x128xi32, #tpu.memory_space<vmem>> -> memref<128xi32, #tpu.memory_space<vmem>>
      %dma_wait3A_102 = arith.constant 0 : i32
      %dma_wait3A_103 = arith.constant 0 : i32
      %dma_wait3A_104 = tpu.memref_slice %arg2[%dma_wait3A_102, %dma_wait3A_103] : memref<20000x64xf32, #tpu.memory_space<hbm>> -> memref<20000x64xf32, #tpu.memory_space<hbm>>
      tpu.wait_indirect_dma semaphore(%arg16 : memref<!tpu.dma_semaphore, #tpu.memory_space<semaphore_mem>>) src(%dma_wait3A_104 : memref<20000x64xf32, #tpu.memory_space<hbm>>) dst(%dma_wait3A_98 : memref<128x64xf32, #tpu.memory_space<vmem>>)
      %dma_wait3A_105 = arith.constant 3 : i32
      %dma_wait3A_106 = arith.constant 3 : i32
      %dma_wait3A_107 = arith.constant 0 : i32
      %dma_wait3A_108 = arith.constant 0 : i32
      %dma_wait3A_109 = tpu.memref_slice %arg14[%rem3A_63, %dma_wait3A_106, %dma_wait3A_107, %dma_wait3A_108] : memref<2x4x128x64xf32, #tpu.memory_space<vmem>> -> memref<1x1x128x64xf32, #tpu.memory_space<vmem>>
      %dma_wait3A_110 = tpu.memref_squeeze %dma_wait3A_109 : memref<1x1x128x64xf32, #tpu.memory_space<vmem>> -> memref<128x64xf32, #tpu.memory_space<vmem>>
      %dma_wait3A_111 = arith.constant 0 : i32
      %dma_wait3A_112 = tpu.memref_slice %arg12[%rem3A_63, %dma_wait3A_105, %dma_wait3A_111] : memref<2x4x128xi32, #tpu.memory_space<vmem>> -> memref<1x1x128xi32, #tpu.memory_space<vmem>>
      %dma_wait3A_113 = tpu.memref_squeeze %dma_wait3A_112 : memref<1x1x128xi32, #tpu.memory_space<vmem>> -> memref<128xi32, #tpu.memory_space<vmem>>
      %dma_wait3A_114 = arith.constant 0 : i32
      %dma_wait3A_115 = arith.constant 0 : i32
      %dma_wait3A_116 = tpu.memref_slice %arg2[%dma_wait3A_114, %dma_wait3A_115] : memref<20000x64xf32, #tpu.memory_space<hbm>> -> memref<20000x64xf32, #tpu.memory_space<hbm>>
      tpu.wait_indirect_dma semaphore(%arg16 : memref<!tpu.dma_semaphore, #tpu.memory_space<semaphore_mem>>) src(%dma_wait3A_116 : memref<20000x64xf32, #tpu.memory_space<hbm>>) dst(%dma_wait3A_110 : memref<128x64xf32, #tpu.memory_space<vmem>>)
      %run_scoped3A = arith.constant 0 : i32
      %run_scoped3A_117 = arith.constant 0 : i32
      "tpu.region"() ({
        %run_scoped3A_124 = tpu.sem_alloc : memref<!tpu.dma_semaphore, #tpu.memory_space<semaphore_mem>>
        %dma_start3A = arith.constant 0 : i32
        %dma_start3A_125 = arith.constant 0 : i32
        %dma_start3A_126 = tpu.memref_slice %arg14[%rem3A_63, %run_scoped3A, %dma_start3A, %dma_start3A_125] : memref<2x4x128x64xf32, #tpu.memory_space<vmem>> -> memref<1x1x128x64xf32, #tpu.memory_space<vmem>>
        %dma_start3A_127 = tpu.memref_squeeze %dma_start3A_126 : memref<1x1x128x64xf32, #tpu.memory_space<vmem>> -> memref<128x64xf32, #tpu.memory_space<vmem>>
        %dma_start3A_128 = arith.constant 0 : i32
        %dma_start3A_129 = tpu.memref_slice %arg13[%rem3A_63, %run_scoped3A_117, %dma_start3A_128] : memref<2x4x128xi32, #tpu.memory_space<vmem>> -> memref<1x1x128xi32, #tpu.memory_space<vmem>>
        %dma_start3A_130 = tpu.memref_squeeze %dma_start3A_129 : memref<1x1x128xi32, #tpu.memory_space<vmem>> -> memref<128xi32, #tpu.memory_space<vmem>>
        %dma_start3A_131 = arith.constant 0 : i32
        %dma_start3A_132 = arith.constant 0 : i32
        %dma_start3A_133 = tpu.memref_slice %arg15[%dma_start3A_131, %dma_start3A_132] : memref<10112x64xf32, #tpu.memory_space<vmem_shared>> -> memref<10112x64xf32, #tpu.memory_space<vmem_shared>>
        tpu.enqueue_indirect_dma source(%dma_start3A_127 : memref<128x64xf32, #tpu.memory_space<vmem>>) target(%dma_start3A_133 : memref<10112x64xf32, #tpu.memory_space<vmem_shared>>) offsets(%dma_start3A_130 : memref<128xi32, #tpu.memory_space<vmem>>) semaphore(%run_scoped3A_124 : memref<!tpu.dma_semaphore, #tpu.memory_space<semaphore_mem>>) {add = true}
        %dma_wait3A_134 = arith.constant 0 : i32
        %dma_wait3A_135 = arith.constant 0 : i32
        %dma_wait3A_136 = tpu.memref_slice %arg14[%rem3A_63, %run_scoped3A, %dma_wait3A_134, %dma_wait3A_135] : memref<2x4x128x64xf32, #tpu.memory_space<vmem>> -> memref<1x1x128x64xf32, #tpu.memory_space<vmem>>
        %dma_wait3A_137 = tpu.memref_squeeze %dma_wait3A_136 : memref<1x1x128x64xf32, #tpu.memory_space<vmem>> -> memref<128x64xf32, #tpu.memory_space<vmem>>
        %dma_wait3A_138 = arith.constant 0 : i32
        %dma_wait3A_139 = tpu.memref_slice %arg13[%rem3A_63, %run_scoped3A_117, %dma_wait3A_138] : memref<2x4x128xi32, #tpu.memory_space<vmem>> -> memref<1x1x128xi32, #tpu.memory_space<vmem>>
        %dma_wait3A_140 = tpu.memref_squeeze %dma_wait3A_139 : memref<1x1x128xi32, #tpu.memory_space<vmem>> -> memref<128xi32, #tpu.memory_space<vmem>>
        %dma_wait3A_141 = arith.constant 0 : i32
        %dma_wait3A_142 = arith.constant 0 : i32
        %dma_wait3A_143 = tpu.memref_slice %arg15[%dma_wait3A_141, %dma_wait3A_142] : memref<10112x64xf32, #tpu.memory_space<vmem_shared>> -> memref<10112x64xf32, #tpu.memory_space<vmem_shared>>
        tpu.wait_indirect_dma semaphore(%run_scoped3A_124 : memref<!tpu.dma_semaphore, #tpu.memory_space<semaphore_mem>>) src(%dma_wait3A_137 : memref<128x64xf32, #tpu.memory_space<vmem>>) dst(%dma_wait3A_143 : memref<10112x64xf32, #tpu.memory_space<vmem_shared>>)
        tpu.yield
      }) : () -> ()
      %run_scoped3A_118 = arith.constant 1 : i32
      %run_scoped3A_119 = arith.constant 1 : i32
      "tpu.region"() ({
        %run_scoped3A_124 = tpu.sem_alloc : memref<!tpu.dma_semaphore, #tpu.memory_space<semaphore_mem>>
        %dma_start3A = arith.constant 0 : i32
        %dma_start3A_125 = arith.constant 0 : i32
        %dma_start3A_126 = tpu.memref_slice %arg14[%rem3A_63, %run_scoped3A_118, %dma_start3A, %dma_start3A_125] : memref<2x4x128x64xf32, #tpu.memory_space<vmem>> -> memref<1x1x128x64xf32, #tpu.memory_space<vmem>>
        %dma_start3A_127 = tpu.memref_squeeze %dma_start3A_126 : memref<1x1x128x64xf32, #tpu.memory_space<vmem>> -> memref<128x64xf32, #tpu.memory_space<vmem>>
        %dma_start3A_128 = arith.constant 0 : i32
        %dma_start3A_129 = tpu.memref_slice %arg13[%rem3A_63, %run_scoped3A_119, %dma_start3A_128] : memref<2x4x128xi32, #tpu.memory_space<vmem>> -> memref<1x1x128xi32, #tpu.memory_space<vmem>>
        %dma_start3A_130 = tpu.memref_squeeze %dma_start3A_129 : memref<1x1x128xi32, #tpu.memory_space<vmem>> -> memref<128xi32, #tpu.memory_space<vmem>>
        %dma_start3A_131 = arith.constant 0 : i32
        %dma_start3A_132 = arith.constant 0 : i32
        %dma_start3A_133 = tpu.memref_slice %arg15[%dma_start3A_131, %dma_start3A_132] : memref<10112x64xf32, #tpu.memory_space<vmem_shared>> -> memref<10112x64xf32, #tpu.memory_space<vmem_shared>>
        tpu.enqueue_indirect_dma source(%dma_start3A_127 : memref<128x64xf32, #tpu.memory_space<vmem>>) target(%dma_start3A_133 : memref<10112x64xf32, #tpu.memory_space<vmem_shared>>) offsets(%dma_start3A_130 : memref<128xi32, #tpu.memory_space<vmem>>) semaphore(%run_scoped3A_124 : memref<!tpu.dma_semaphore, #tpu.memory_space<semaphore_mem>>) {add = true}
        %dma_wait3A_134 = arith.constant 0 : i32
        %dma_wait3A_135 = arith.constant 0 : i32
        %dma_wait3A_136 = tpu.memref_slice %arg14[%rem3A_63, %run_scoped3A_118, %dma_wait3A_134, %dma_wait3A_135] : memref<2x4x128x64xf32, #tpu.memory_space<vmem>> -> memref<1x1x128x64xf32, #tpu.memory_space<vmem>>
        %dma_wait3A_137 = tpu.memref_squeeze %dma_wait3A_136 : memref<1x1x128x64xf32, #tpu.memory_space<vmem>> -> memref<128x64xf32, #tpu.memory_space<vmem>>
        %dma_wait3A_138 = arith.constant 0 : i32
        %dma_wait3A_139 = tpu.memref_slice %arg13[%rem3A_63, %run_scoped3A_119, %dma_wait3A_138] : memref<2x4x128xi32, #tpu.memory_space<vmem>> -> memref<1x1x128xi32, #tpu.memory_space<vmem>>
        %dma_wait3A_140 = tpu.memref_squeeze %dma_wait3A_139 : memref<1x1x128xi32, #tpu.memory_space<vmem>> -> memref<128xi32, #tpu.memory_space<vmem>>
        %dma_wait3A_141 = arith.constant 0 : i32
        %dma_wait3A_142 = arith.constant 0 : i32
        %dma_wait3A_143 = tpu.memref_slice %arg15[%dma_wait3A_141, %dma_wait3A_142] : memref<10112x64xf32, #tpu.memory_space<vmem_shared>> -> memref<10112x64xf32, #tpu.memory_space<vmem_shared>>
        tpu.wait_indirect_dma semaphore(%run_scoped3A_124 : memref<!tpu.dma_semaphore, #tpu.memory_space<semaphore_mem>>) src(%dma_wait3A_137 : memref<128x64xf32, #tpu.memory_space<vmem>>) dst(%dma_wait3A_143 : memref<10112x64xf32, #tpu.memory_space<vmem_shared>>)
        tpu.yield
      }) : () -> ()
      %run_scoped3A_120 = arith.constant 2 : i32
      %run_scoped3A_121 = arith.constant 2 : i32
      "tpu.region"() ({
        %run_scoped3A_124 = tpu.sem_alloc : memref<!tpu.dma_semaphore, #tpu.memory_space<semaphore_mem>>
        %dma_start3A = arith.constant 0 : i32
        %dma_start3A_125 = arith.constant 0 : i32
        %dma_start3A_126 = tpu.memref_slice %arg14[%rem3A_63, %run_scoped3A_120, %dma_start3A, %dma_start3A_125] : memref<2x4x128x64xf32, #tpu.memory_space<vmem>> -> memref<1x1x128x64xf32, #tpu.memory_space<vmem>>
        %dma_start3A_127 = tpu.memref_squeeze %dma_start3A_126 : memref<1x1x128x64xf32, #tpu.memory_space<vmem>> -> memref<128x64xf32, #tpu.memory_space<vmem>>
        %dma_start3A_128 = arith.constant 0 : i32
        %dma_start3A_129 = tpu.memref_slice %arg13[%rem3A_63, %run_scoped3A_121, %dma_start3A_128] : memref<2x4x128xi32, #tpu.memory_space<vmem>> -> memref<1x1x128xi32, #tpu.memory_space<vmem>>
        %dma_start3A_130 = tpu.memref_squeeze %dma_start3A_129 : memref<1x1x128xi32, #tpu.memory_space<vmem>> -> memref<128xi32, #tpu.memory_space<vmem>>
        %dma_start3A_131 = arith.constant 0 : i32
        %dma_start3A_132 = arith.constant 0 : i32
        %dma_start3A_133 = tpu.memref_slice %arg15[%dma_start3A_131, %dma_start3A_132] : memref<10112x64xf32, #tpu.memory_space<vmem_shared>> -> memref<10112x64xf32, #tpu.memory_space<vmem_shared>>
        tpu.enqueue_indirect_dma source(%dma_start3A_127 : memref<128x64xf32, #tpu.memory_space<vmem>>) target(%dma_start3A_133 : memref<10112x64xf32, #tpu.memory_space<vmem_shared>>) offsets(%dma_start3A_130 : memref<128xi32, #tpu.memory_space<vmem>>) semaphore(%run_scoped3A_124 : memref<!tpu.dma_semaphore, #tpu.memory_space<semaphore_mem>>) {add = true}
        %dma_wait3A_134 = arith.constant 0 : i32
        %dma_wait3A_135 = arith.constant 0 : i32
        %dma_wait3A_136 = tpu.memref_slice %arg14[%rem3A_63, %run_scoped3A_120, %dma_wait3A_134, %dma_wait3A_135] : memref<2x4x128x64xf32, #tpu.memory_space<vmem>> -> memref<1x1x128x64xf32, #tpu.memory_space<vmem>>
        %dma_wait3A_137 = tpu.memref_squeeze %dma_wait3A_136 : memref<1x1x128x64xf32, #tpu.memory_space<vmem>> -> memref<128x64xf32, #tpu.memory_space<vmem>>
        %dma_wait3A_138 = arith.constant 0 : i32
        %dma_wait3A_139 = tpu.memref_slice %arg13[%rem3A_63, %run_scoped3A_121, %dma_wait3A_138] : memref<2x4x128xi32, #tpu.memory_space<vmem>> -> memref<1x1x128xi32, #tpu.memory_space<vmem>>
        %dma_wait3A_140 = tpu.memref_squeeze %dma_wait3A_139 : memref<1x1x128xi32, #tpu.memory_space<vmem>> -> memref<128xi32, #tpu.memory_space<vmem>>
        %dma_wait3A_141 = arith.constant 0 : i32
        %dma_wait3A_142 = arith.constant 0 : i32
        %dma_wait3A_143 = tpu.memref_slice %arg15[%dma_wait3A_141, %dma_wait3A_142] : memref<10112x64xf32, #tpu.memory_space<vmem_shared>> -> memref<10112x64xf32, #tpu.memory_space<vmem_shared>>
        tpu.wait_indirect_dma semaphore(%run_scoped3A_124 : memref<!tpu.dma_semaphore, #tpu.memory_space<semaphore_mem>>) src(%dma_wait3A_137 : memref<128x64xf32, #tpu.memory_space<vmem>>) dst(%dma_wait3A_143 : memref<10112x64xf32, #tpu.memory_space<vmem_shared>>)
        tpu.yield
      }) : () -> ()
      %run_scoped3A_122 = arith.constant 3 : i32
      %run_scoped3A_123 = arith.constant 3 : i32
      "tpu.region"() ({
        %run_scoped3A_124 = tpu.sem_alloc : memref<!tpu.dma_semaphore, #tpu.memory_space<semaphore_mem>>
        %dma_start3A = arith.constant 0 : i32
        %dma_start3A_125 = arith.constant 0 : i32
        %dma_start3A_126 = tpu.memref_slice %arg14[%rem3A_63, %run_scoped3A_122, %dma_start3A, %dma_start3A_125] : memref<2x4x128x64xf32, #tpu.memory_space<vmem>> -> memref<1x1x128x64xf32, #tpu.memory_space<vmem>>
        %dma_start3A_127 = tpu.memref_squeeze %dma_start3A_126 : memref<1x1x128x64xf32, #tpu.memory_space<vmem>> -> memref<128x64xf32, #tpu.memory_space<vmem>>
        %dma_start3A_128 = arith.constant 0 : i32
        %dma_start3A_129 = tpu.memref_slice %arg13[%rem3A_63, %run_scoped3A_123, %dma_start3A_128] : memref<2x4x128xi32, #tpu.memory_space<vmem>> -> memref<1x1x128xi32, #tpu.memory_space<vmem>>
        %dma_start3A_130 = tpu.memref_squeeze %dma_start3A_129 : memref<1x1x128xi32, #tpu.memory_space<vmem>> -> memref<128xi32, #tpu.memory_space<vmem>>
        %dma_start3A_131 = arith.constant 0 : i32
        %dma_start3A_132 = arith.constant 0 : i32
        %dma_start3A_133 = tpu.memref_slice %arg15[%dma_start3A_131, %dma_start3A_132] : memref<10112x64xf32, #tpu.memory_space<vmem_shared>> -> memref<10112x64xf32, #tpu.memory_space<vmem_shared>>
        tpu.enqueue_indirect_dma source(%dma_start3A_127 : memref<128x64xf32, #tpu.memory_space<vmem>>) target(%dma_start3A_133 : memref<10112x64xf32, #tpu.memory_space<vmem_shared>>) offsets(%dma_start3A_130 : memref<128xi32, #tpu.memory_space<vmem>>) semaphore(%run_scoped3A_124 : memref<!tpu.dma_semaphore, #tpu.memory_space<semaphore_mem>>) {add = true}
        %dma_wait3A_134 = arith.constant 0 : i32
        %dma_wait3A_135 = arith.constant 0 : i32
        %dma_wait3A_136 = tpu.memref_slice %arg14[%rem3A_63, %run_scoped3A_122, %dma_wait3A_134, %dma_wait3A_135] : memref<2x4x128x64xf32, #tpu.memory_space<vmem>> -> memref<1x1x128x64xf32, #tpu.memory_space<vmem>>
        %dma_wait3A_137 = tpu.memref_squeeze %dma_wait3A_136 : memref<1x1x128x64xf32, #tpu.memory_space<vmem>> -> memref<128x64xf32, #tpu.memory_space<vmem>>
        %dma_wait3A_138 = arith.constant 0 : i32
        %dma_wait3A_139 = tpu.memref_slice %arg13[%rem3A_63, %run_scoped3A_123, %dma_wait3A_138] : memref<2x4x128xi32, #tpu.memory_space<vmem>> -> memref<1x1x128xi32, #tpu.memory_space<vmem>>
        %dma_wait3A_140 = tpu.memref_squeeze %dma_wait3A_139 : memref<1x1x128xi32, #tpu.memory_space<vmem>> -> memref<128xi32, #tpu.memory_space<vmem>>
        %dma_wait3A_141 = arith.constant 0 : i32
        %dma_wait3A_142 = arith.constant 0 : i32
        %dma_wait3A_143 = tpu.memref_slice %arg15[%dma_wait3A_141, %dma_wait3A_142] : memref<10112x64xf32, #tpu.memory_space<vmem_shared>> -> memref<10112x64xf32, #tpu.memory_space<vmem_shared>>
        tpu.wait_indirect_dma semaphore(%run_scoped3A_124 : memref<!tpu.dma_semaphore, #tpu.memory_space<semaphore_mem>>) src(%dma_wait3A_137 : memref<128x64xf32, #tpu.memory_space<vmem>>) dst(%dma_wait3A_143 : memref<10112x64xf32, #tpu.memory_space<vmem_shared>>)
        tpu.yield
      }) : () -> ()
    }
    %barrier3A_55 = arith.constant 0 : index
    tpu.barrier barrier_id(%barrier3A_55)
    %mul3A_56 = arith.constant 632 : i32
    %mul3A_57 = arith.muli %arg1, %mul3A_56 : i32
    %mul3A_58 = arith.constant 632 : i32
    %mul3A_59 = arith.muli %arg1, %mul3A_58 : i32
    %mul3A_60 = arith.constant 64 : i32
    %mul3A_61 = arith.muli %mul3A_60, %arg0 : i32
    "tpu.region"() ({
      %run_scoped3A = tpu.sem_alloc : memref<!tpu.dma_semaphore, #tpu.memory_space<semaphore_mem>>
      %dma_start3A = tpu.memref_slice %arg10[%mul3A_59, %mul3A_61] : memref<10112x128xf32, #tpu.memory_space<hbm>> -> memref<632x64xf32, #tpu.memory_space<hbm>>
      %dma_start3A_62 = arith.constant 0 : i32
      %dma_start3A_63 = tpu.memref_slice %arg15[%mul3A_57, %dma_start3A_62] : memref<10112x64xf32, #tpu.memory_space<vmem_shared>> -> memref<632x64xf32, #tpu.memory_space<vmem_shared>>
      tpu.enqueue_dma source(%dma_start3A_63 : memref<632x64xf32, #tpu.memory_space<vmem_shared>>) target(%dma_start3A : memref<632x64xf32, #tpu.memory_space<hbm>>) target_semaphore(%run_scoped3A : memref<!tpu.dma_semaphore, #tpu.memory_space<semaphore_mem>>)
      %dma_wait3A = tpu.memref_slice %arg10[%mul3A_59, %mul3A_61] : memref<10112x128xf32, #tpu.memory_space<hbm>> -> memref<632x64xf32, #tpu.memory_space<hbm>>
      %dma_wait3A_64 = arith.constant 0 : i32
      %dma_wait3A_65 = tpu.memref_slice %arg15[%mul3A_57, %dma_wait3A_64] : memref<10112x64xf32, #tpu.memory_space<vmem_shared>> -> memref<632x64xf32, #tpu.memory_space<vmem_shared>>
      tpu.wait_dma2 semaphore(%run_scoped3A : memref<!tpu.dma_semaphore, #tpu.memory_space<semaphore_mem>>) src(%dma_wait3A_65 : memref<632x64xf32, #tpu.memory_space<vmem_shared>>) dst(%dma_wait3A : memref<632x64xf32, #tpu.memory_space<hbm>>)
      tpu.yield
    }) : () -> ()
    return
  }
}

</mosaic_0001>

<sc_bundles>
// kernel: _sc_scatter.3.cloned.1.call-start
scs
__scs_entry_jumppad:
0x0: {  	(pc) =	sbr.rel $0x88, $3  }
0x1: {  	(tag) =	ssettag $0x0;
	lr =	simm.s32 $0x1  }
0x2: {  	[smem:$0x3F9A] =	sst lr;
	_ =	strace $0xD0000000  }
0x3: {  	_ = 	snop  }
0x4: {  	_ = 	snop  }
0x5: {  	_ = 	snop  }
0x6: {  	_ = 	snop  }
0x7: {  	_ = 	snop  }
__scs_overlays_trampoline_lowered:
0x8: {  	[smem:$0x3FA9] =	sst s0  }
0x9: {  	[smem:$0x3FAA] =	sst s1  }
0xa: {  	[smem:$0x3FAB] =	sst s2  }
0xb: {  	[smem:$0x3FAC] =	sst s3  }
0xc: {  	[smem:$0x3FAD] =	sst s4  }
0xd: {  	[smem:$0x3FAE] =	sst s5  }
0xe: {  	[smem:$0x3FAF] =	sst s6  }
0xf: {  	[smem:$0x3FB0] =	sst s7  }
0x10: {  	[smem:$0x3FB1] =	sst s8  }
0x11: {  	[smem:$0x3FB2] =	sst s9;
	s0 =	simm.s32 @!p0 $0x0  }
0x12: {  	s1 =	sld [smem:$0x3F98];
	s0 =	simm.s32 @p0 $0x1  }
0x13: {  	[smem:$0x3FB3] =	sst s0;
	s0 =	simm.s32 @!p1 $0x0  }
0x14: {  	s2 =	sld [smem:$0x3F97];
	s0 =	simm.s32 @p1 $0x1  }
0x15: {  	[smem:$0x3FB4] =	sst s0;
	s0 =	simm.s32 @!p2 $0x0  }
0x16: {  	s3 =	sld [smem:$0x3FDB];
	s0 =	simm.s32 @p2 $0x1  }
0x17: {  	s4 =	simm.s32 $0x1BF5;
	[smem:$0x3FB6] =	sst s0  }
0x18: {  	s0 =	sld [smem:$0x3F99];
	_ =	swait.ge [sflag:s4], $0x0  }
0x19: {  	s7 =	sld [smem:$0x3F9A]  }
0x1a: {  	s8 =	sadd.s32 $0xFFFFE003, lr  }
0x1b: {  	s9 =	sadd.s32 $0xFFFFFEF7, lr;
	s5 =	simm.s32 $0xFFFFFFFF;
	p2 =	slt.u32 s8, $0xFFFFF086  }
0x1c: {  	p1 =	slt.u32 s9, $0xF7A;
	s5 =	simm.s32 @!p2 $0x0  }
0x1d: {  	s5 =	simm.s32 @p1 $0x1;
	p0 =	seq.s32 s7, s2  }
0x1e: {  	s7 =	smul.u32 @!p0 $0xF7A, s2;
	p2 =	seq.s32 @!p0 s5, $0x0  }
0x1f: {  	s9 =	smul.u32 $0xF7A, s1;
	s8 =	simm.s32 @!p0 $0x1BF5;
	p2 =	por !p2, p0  }
0x20: {  	[sflag:s8] =	ssyncset.s32 @!p0 $0xFFFFF086;
	s6 =	sadd.s32 @!p0 s3, s7;
	s7 =	simm.s32 @!p0 $0x108  }
0x21: {  	s3 =	sadd.s32 s3, s9;
	s6 =	sadd.s32 @!p0 $0x88, s6;
	s7 =	simm.s32 @p2 $0x1082  }
0x22: {  	[simem:s7], [sflag:s8] =	dma.local @!p0 [hbm:s6], $0xF7A  }
0x23: {  	s9 =	sor.u32 $0xD0000000, s2;
	s6 =	simm.s32 $0x108;
	_ =	swait.ge @!p0 [sflag:s8], $0x0  }
0x24: {  	s3 =	sadd.s32 $0x88, s3;
	s6 =	simm.s32 @!p1 $0x1082;
	[sflag:s4] =	ssyncset.s32 $0xFFFFF086  }
0x25: {  	[simem:s6], [sflag:s4] =	dma.local [hbm:s3], $0xF7A  }
0x26: {  	[smem:$0x3F9A] =	sst s1;
	(tag) =	ssettag s2;
	_ =	strace s9  }
0x27: {  	s1 =	sld [smem:$0x3FAA]  }
0x28: {  	s2 =	sld [smem:$0x3FAB]  }
0x29: {  	s4 =	sld [smem:$0x3FAD]  }
0x2a: {  	p0 =	seq.s32 s5, $0x0;
	s5 =	sld [smem:$0x3FAE]  }
0x2b: {  	s6 =	sld [smem:$0x3FAF]  }
0x2c: {  	s7 =	sld [smem:$0x3FB0]  }
0x2d: {  	s3 =	simm.s32 $0x108;
	s8 =	sld [smem:$0x3FB1]  }
0x2e: {  	s3 =	simm.s32 @!p0 $0x1082;
	s9 =	sld [smem:$0x3FB2]  }
0x2f: {  	lr =	sadd.s32 s0, s3;
	s0 =	sld [smem:$0x3FA9]  }
0x30: {  	s3 =	sld [smem:$0x3FAC]  }
0x31: {  	[smem:$0x3FB5] =	sst s10  }
0x32: {  	s10 =	sld [smem:$0x3FB3];
	_ =	sdelay $0x3  }
0x33: {  	p0 =	seq.s32 s10, $0x1;
	s10 =	sld [smem:$0x3FB5];
	_ =	sdelay $0x3  }
0x34: {  	[smem:$0x3FB5] =	sst s10  }
0x35: {  	s10 =	sld [smem:$0x3FB4];
	_ =	sdelay $0x3  }
0x36: {  	p1 =	seq.s32 s10, $0x1;
	s10 =	sld [smem:$0x3FB5];
	_ =	sdelay $0x3  }
0x37: {  	[smem:$0x3FB5] =	sst s10  }
0x38: {  	s10 =	sld [smem:$0x3FB6]  }
0x39: {  	_ = 	snop;
	(pc) =	sbr.ind lr, $3  }
0x3a: {  	_ = 	snop  }
0x3b: {  	_ = 	snop  }
0x3c: {  	p2 =	seq.s32 s10, $0x1;
	s10 =	sld [smem:$0x3FB5]  }
0x3d: {  	_ =	shalt  }
0x3e: {  	_ =	shalt  }
0x3f: {  	_ =	shalt  }
0x40: {  	_ =	shalt  }
0x41: {  	_ =	shalt  }
0x42: {  	_ =	shalt  }
0x43: {  	_ =	shalt  }
0x44: {  	_ =	shalt  }
0x45: {  	_ =	shalt  }
0x46: {  	_ =	shalt  }
0x47: {  	_ =	shalt  }
0x48: {  	_ =	shalt  }
0x49: {  	_ =	shalt  }
0x4a: {  	_ =	shalt  }
0x4b: {  	_ =	shalt  }
0x4c: {  	_ =	shalt  }
0x4d: {  	_ =	shalt  }
0x4e: {  	_ =	shalt  }
0x4f: {  	_ =	shalt  }
0x50: {  	_ =	shalt  }
0x51: {  	_ =	shalt  }
0x52: {  	_ =	shalt  }
0x53: {  	_ =	shalt  }
0x54: {  	_ =	shalt  }
0x55: {  	_ =	shalt  }
0x56: {  	_ =	shalt  }
0x57: {  	_ =	shalt  }
0x58: {  	_ =	shalt  }
0x59: {  	_ =	shalt  }
0x5a: {  	_ =	shalt  }
0x5b: {  	_ =	shalt  }
0x5c: {  	_ =	shalt  }
0x5d: {  	_ =	shalt  }
0x5e: {  	_ =	shalt  }
0x5f: {  	_ =	shalt  }
0x60: {  	_ =	shalt  }
0x61: {  	_ =	shalt  }
0x62: {  	_ =	shalt  }
0x63: {  	_ =	shalt  }
0x64: {  	_ =	shalt  }
0x65: {  	_ =	shalt  }
0x66: {  	_ =	shalt  }
0x67: {  	_ =	shalt  }
0x68: {  	_ =	shalt  }
0x69: {  	_ =	shalt  }
0x6a: {  	_ =	shalt  }
0x6b: {  	_ =	shalt  }
0x6c: {  	_ =	shalt  }
0x6d: {  	_ =	shalt  }
0x6e: {  	_ =	shalt  }
0x6f: {  	_ =	shalt  }
0x70: {  	_ =	shalt  }
0x71: {  	_ =	shalt  }
0x72: {  	_ =	shalt  }
0x73: {  	_ =	shalt  }
0x74: {  	_ =	shalt  }
0x75: {  	_ =	shalt  }
0x76: {  	_ =	shalt  }
0x77: {  	_ =	shalt  }
0x78: {  	_ =	shalt  }
0x79: {  	_ =	shalt  }
0x7a: {  	_ =	shalt  }
0x7b: {  	_ =	shalt  }
0x7c: {  	_ =	shalt  }
0x7d: {  	_ =	shalt  }
0x7e: {  	_ =	shalt  }
0x7f: {  	_ =	shalt  }
0x80: {  	_ =	shalt  }
0x81: {  	_ =	shalt  }
0x82: {  	_ =	shalt  }
0x83: {  	_ =	shalt  }
0x84: {  	_ =	shalt  }
0x85: {  	_ =	shalt  }
0x86: {  	_ =	shalt  }
0x87: {  	_ =	shalt  }
.Lfunc_end0:
.L_simem_size_0:
called_computation_lowered:
.L_overlay_start_0:
0x88: {  	s2 =	sld [smem:$0x3FD9]  }
0x89: {  	s3 =	sld [smem:$0x3FFE];
	_ =	sdelay $0x1  }
0x8a: {  	s1 =	srdreg.scid  }
0x8b: {  	s0 =	sand.u32 $0x1, s1  }
0x8c: {  	s14 =	sshll.u32 s0, $0xA;
	s2 =	sadd.s32 s3, s2  }
0x8d: {  	s2 =	sadd.s32 s2, s14  }
0x8e: {  	[smem:$0x3FC1] =	sst s2  }
0x8f: {  	_ = 	snop  }
0x90: {  	s2 =	sld [smem:$0x3FD0]  }
0x91: {  	s15 =	sld [smem:$0x3FC8]  }
0x92: {  	s4 =	sld [smem:$0x3FC7]  }
0x93: {  	s6 =	simm.s32 $0xA;
	s7 =	simm.s32 $0x10;
	s5 =	sld [smem:$0x3FC6]  }
0x94: {  	[smem:s7], [sflag:s6] =	dma.local [hbm:s2], $0x1  }
0x95: {  	_ =	swait.eq [sflag:s6], $0x1  }
0x96: {  	s16 =	sld [smem:$0x10];
	[sflag:s6] =	ssyncset.done $0x0  }
0x97: {  	s17 =	sld [smem:$0x11];
	[sflag:s6] =	ssyncadd.s32 $0xFFFFFFFF  }
0x98: {  	s18 =	sld [smem:$0x12];
	(tm) =	ssettm $0x1  }
0x99: {  	s8 =	sld [smem:$0x3FFB];
	_ =	sdelay $0x3  }
0x9a: {  	_ =	strace s8  }
0x9b: {  	s8 =	sld [smem:$0x3FFC];
	_ =	sdelay $0x3  }
0x9c: {  	_ =	strace s8  }
0x9d: {  	s8 =	sld [smem:$0x3FFD];
	_ =	sdelay $0x3  }
0x9e: {  	_ =	strace s8  }
0x9f: {  	_ =	strace $0x8FFFFFFF  }
0xa0: {  	s19 =	sld [smem:$0x3FDB];
	_ =	sdelay $0x1  }
0xa1: {  	s9 =	simm.s32 $_scs_section_size  }
0xa2: {  	s10 =	simm.s32 $_size__tile_overlayer_lowered;
	s11 =	simm.s32 $_tile_overlayer_lowered  }
0xa3: {  	s22 =	simm.s32 $0x1BFF;
	s21 =	sshll.u32 s11, $0x1;
	s8 =	sadd.s32 s9, s19  }
0xa4: {  	s12 =	simm.s32 $0x0;
	s20 =	sshll.u32 s10, $0x1;
	s10 =	sadd.s32 s21, s8  }
0xa5: {  	[timem:s12], [sflag:s22] =	dma.local [hbm:s10], s20  }
0xa6: {  	_ =	swait.ge [sflag:s22], s20  }
0xa7: {  	s9 =	ssub.s32 $0x0, s20;
	[sflag:s22] =	ssyncset.done $0x0  }
0xa8: {  	[sflag:s22] =	ssyncadd.s32 s9;
	_ =	sdelay $0x1  }
0xa9: {  	s23 =	simm.s32 $0x1B8B  }
0xaa: {  	_ =	swait.ge [sflag:s23], $0x1  }
0xab: {  	[sflag:s23] =	ssyncset.done $0x0  }
0xac: {  	s25 =	simm.s32 $0x1B8E;
	s24 =	sld [smem:$0x3FFE];
	[sflag:s23] =	ssyncadd.s32 $0xFFFFFFFF  }
0xad: {  	s26 =	simm.s32 $execute0_lowered;
	[smem:$0x3FD2] =	sst s25  }
0xae: {  	s10 =	sshll.u32 s26, $0x1;
	_ =	strace $0x80000046;
	[dreg:$0x1] =	wrdreg $0xFFFFFFFF  }
0xaf: {  	s28 =	simm.s32 $_size_execute0_lowered;
	s8 =	sadd.s32 s8, s10;
	[dreg:$0x0] =	wrdreg $0x0  }
0xb0: {  	s10 =	sshll.u32 s28, $0x1;
	[dreg:$0x2] =	wrdreg s8  }
0xb1: {  	[dreg:$0x3] =	wrdreg s10  }
0xb2: {  	[dreg:$0x4] =	wrdreg $0xC0  }
0xb3: {  	_ =	task [dreg:s12], $0x5FFFF  }
0xb4: {  	[dreg:$0x1] =	wrdreg $0xFFFFFFFF  }
0xb5: {  	[dreg:$0x0] =	wrdreg $0x60  }
0xb6: {  	[dreg:$0x2] =	wrdreg s24  }
0xb7: {  	[dreg:$0x3] =	wrdreg s15  }
0xb8: {  	[dreg:$0x4] =	wrdreg s4  }
0xb9: {  	[dreg:$0x5] =	wrdreg s5  }
0xba: {  	[dreg:$0x6] =	wrdreg s16  }
0xbb: {  	[dreg:$0x7] =	wrdreg s17  }
0xbc: {  	[dreg:$0x8] =	wrdreg s18  }
0xbd: {  	[dreg:$0x9] =	wrdreg $0x108000  }
0xbe: {  	[dreg:$0xa] =	wrdreg $0x1AE000  }
0xbf: {  	[dreg:$0xb] =	wrdreg $0x9  }
0xc0: {  	_ =	task.clear_ibuf [dreg:s12], $0xCFFFF;
	_ =	strace $0x90000046  }
0xc1: {  	s29 =	simm.s32 $0x9;
	_ =	strace $0x80000048  }
0xc2: {  	_ =	swait.ge [sflag:s29], $0x1  }
0xc3: {  	[sflag:s29] =	ssyncadd.s32 $0xFFFFFFFF  }
0xc4: {  	_ =	strace $0x90000048  }
0xc5: {  	_ =	sfence  }
0xc6: {  	s30 =	sld [smem:$0x0];
	_ =	sdelay $0x2  }
0xc7: {  	s31 =	sshll.u32 s1, $0xD;
	s1 =	sshrl.u32 s1, $0x2  }
0xc8: {  	s3 =	sand.u32 $0x4000, s31;
	s1 =	sadd.s32 s1, s30  }
0xc9: {  	s0 =	sor.u32 s3, s0;
	s1 =	sshll.u32 s1, $0x11  }
0xca: {  	s0 =	sor.u32 s1, s0  }
0xcb: {  	s0 =	sadd.s32 $0x8F2B, s0  }
0xcc: {  	[sflag:s0] =	ssyncadd.remote.s32 $0x1  }
0xcd: {  	_ =	sfence.sel $0xFFFF  }
0xce: {  	[dreg:$0x0] =	wrdreg $0xFFFFFFFF;
	(pc) =	sbr.abs _section_cstart, $3  }
0xcf: {  	[dreg:$0x1] =	wrdreg $0xFFFFFFFF  }
0xd0: {  	_ =	task.clear_ibuf [dreg:s12], $0x2FFFF;
	_ =	strace $0x9FFFFFFF  }
0xd1: {  	(tm) =	ssettm $0x7FFFFFFF  }
tec
execute0_lowered:
.L_overlay_start_1:
0x0: {  	(tag) =	ssettag $0x1  }
0x1: {  	s0 =	rddreg [dreg:$0x0]  }
0x2: {  	s4 =	rddreg [dreg:$0x1]  }
0x3: {  	s7 =	rddreg [dreg:$0x2]  }
0x4: {  	s8 =	rddreg [dreg:$0x3]  }
0x5: {  	s10 =	rddreg [dreg:$0x4]  }
0x6: {  	s11 =	rddreg [dreg:$0x5]  }
0x7: {  	s12 =	rddreg [dreg:$0x6]  }
0x8: {  	s1 =	rddreg [dreg:$0x7]  }
0x9: {  	s2 =	rddreg [dreg:$0x8];
	s3 =	simm.s32 $0x0  }
0xa: {  	s9 =	srdreg.scid;
	s6 =	stileid.u32;
	s29 =	simm.s32 $0x2800  }
0xb: {  	s30 =	simm.s32 $0x100;
	s31 =	simm.s32 $0x4800;
	s17 =	smul.u32 $0x27800, s6  }
0xc: {  	[smem:$0x7FF] =	sst s3;
	s5 =	sadd.s32 $0x2400, s0;
	s18 =	smul.u32 $0x9E00, s6  }
0xd: {  	s22 =	sadd.s32 $0xA00, s0;
	s13 =	sand.u32 $0x1, s9;
	s19 =	smul.u32 $0x13C00, s6  }
0xe: {  	s15 =	sadd.s32 $0x1E00, s0;
	s0 =	sadd.s32 $0x800, s0;
	s25 =	smul.u32 $0x13, s6  }
0xf: {  	_ =	strace $0x80000047;
	s9 =	ssub.s32 $0x2, s13;
	[dreg:$0xa] =	wrdreg s15  }
0x10: {  	s14 =	sshll.u32 s13, $0x4;
	[dreg:$0xb] =	wrdreg s0;
	s24 =	smul.u32 $0x130, s13  }
0x11: {  	s13 =	sshll.u32 s13, $0x6;
	s20 =	sshrl.u32 s9, $0x1;
	s16 =	sor.u32 s6, s14  }
0x12: {  	s17 =	sshrl.u32 s17, $0x2;
	s23 =	sshrl.u32 s18, $0x2;
	s14 =	sor.u32 s14, s19  }
0x13: {  	s0 =	ssub.s32 s9, s20;
	s21 =	smul.u32 $0x13, s16;
	p0 =	slt.u32 s16, $0x11  }
0x14: {  	s9 =	simm.s32 $0x14;
	s16 =	smin.u32 s16, $0x11;
	s17 =	sadd.s32 s17, s1  }
0x15: {  	s20 =	sor.u32 s13, s19;
	s14 =	sshrl.u32 s14, $0x3;
	s9 =	simm.s32 @!p0 $0x13  }
0x16: {  	[dreg:$0xc] =	wrdreg s17;
	s17 =	sadd.s32 s23, s2;
	s28 =	sshrl.u32 s20, $0x3  }
0x17: {  	s19 =	sadd.s32 s12, s14;
	s0 =	smax.u32 s0, $0x1;
	[dreg:$0xd] =	wrdreg s17  }
0x18: {  	s14 =	simm.s32 $0x400;
	s15 =	sadd.s32 s16, s21;
	[dreg:$0x10] =	wrdreg s19  }
0x19: {  	s17 =	sadd.s32 s25, s24;
	s24 =	sadd.s32 s11, s28;
	[dreg:$0x13] =	wrdreg s0  }
0x1a: {  	s21 =	sadd.s32 $0xFFFFFFFF, s9;
	s11 =	simm.s32 $0x0;
	s15 =	sshll.u32 s15, $0x6  }
0x1b: {  	s16 =	sadd.s32 s16, s17;
	s17 =	sadd.s32 s10, s28;
	[dreg:$0x12] =	wrdreg s24  }
0x1c: {  	s24 =	simm.s32 $0x2;
	s26 =	sadd.s32 s4, s15;
	[dreg:$0xf] =	wrdreg s17  }
0x1d: {  	s13 =	sadd.s32 s8, s15;
	s23 =	sadd.s32 s7, s15;
	[dreg:$0xe] =	wrdreg s26  }
0x1e: {  	s20 =	sshll.u32 s16, $0x6;
	s17 =	simm.s32 $0x800;
	[dreg:$0x11] =	wrdreg s23  }
0x1f: {  	s4 =	sadd.s32 s20, s4;
	s26 =	sadd.s32 s20, s8;
	s28 =	sadd.s32 s20, s7  }
0x20: {  	s23 =	simm.s32 $0x1A600;
	[dreg:$0x15] =	wrdreg s13;
	s25 =	sadd.s32 $0x40, s4  }
0x21: {  	s7 =	simm.s32 $0x1;
	s0 =	sadd.s32 $0x40, s28;
	[dreg:$0x14] =	wrdreg s25  }
0x22: {  	s25 =	sadd.s32 $0x40, s26;
	[dreg:$0x16] =	wrdreg s0;
	s26 =	simm.s32 $0x80  }
.LBB2_1:
0x23: {  	s0 =	rddreg [dreg:$0xb]  }
0x24: {  	[tilespmem:s23], [sflag:$0x2] =	stream.linear.gather [hbm4b:s0+s3], $0x800, $0x38;
	[tilespmem:$0x1D580] =	vst v63  }
0x25: {  	s15 =	stileid.u32;
	_ =	swait.ge [sflag:s24], $0x800  }
0x26: {  	s0 =	sshll.u32 s15, $0x6;
	s16 =	rddreg [dreg:$0xc]  }
0x27: {  	s12 =	sor.u32 $0x1C02, s0;
	[sflag:s24] =	ssyncset.done $0x0;
	s0 =	sshrl.u32 s16, $0x3  }
0x28: {  	[sflag:s24] =	ssyncadd.s32 $0xFFFFF800;
	[dreg:$0x17] =	wrdreg s0  }
0x29: {  	[spmem:s0], [sflag:s12] =	dma.local [hbm:s22], $0x13C0  }
0x2a: {  	_ =	swait.ge [sflag:s24], $0x13C0  }
0x2b: {  	[sflag:s24] =	ssyncset.done $0x0;
	s18 =	rddreg [dreg:$0xd]  }
0x2c: {  	s19 =	rddreg [dreg:$0xa];
	[sflag:s24] =	ssyncadd.s32 $0xFFFFEC40;
	s15 =	sshrl.u32 s18, $0x3  }
0x2d: {  	[spmem:s15], [sflag:s12] =	dma.local [hbm:s19], $0x4F0  }
0x2e: {  	_ =	swait.ge [sflag:s24], $0x4F0  }
0x2f: {  	[sflag:s24] =	ssyncset.done $0x0  }
0x30: {  	[sflag:s24] =	ssyncadd.s32 $0xFFFFFB10  }
0x31: {  	[bflag:$0x0] =	sbarrier.arrive $0xFFFF  }
0x32: {  	s20 =	rddreg [dreg:$0xe]  }
0x33: {  	[tilespmem:s3], [sflag:$0x2] =	stream.linear.gather [hbm4b:s20+s3], $0x200, $0x38;
	[tilespmem:$0x1D580] =	vst v63  }
0x34: {  	_ =	swait.ge [sflag:s24], $0x200  }
0x35: {  	[sflag:s24] =	ssyncset.done $0x0  }
0x36: {  	[sflag:s24] =	ssyncadd.s32 $0xFFFFFE00  }
0x37: {  	[tilespmem:s14], [sflag:$0x2] =	stream.linear.gather [hbm4b:s13+s3], $0x200, $0x38;
	[tilespmem:$0x1D580] =	vst v63  }
0x38: {  	_ =	swait.ge [sflag:s24], $0x200  }
0x39: {  	[sflag:s24] =	ssyncset.done $0x0  }
0x3a: {  	s28 =	simm.s32 $0x180;
	[sflag:s24] =	ssyncadd.s32 $0xFFFFFE00  }
0x3b: {  	[tilespmem:s17], [sflag:$0x1] =	stream.indirect.gather [hbm4b:s5+s26], $0x40, s3, s26, $0xb8;
	[tilespmem:$0x1D580] =	vst v63  }
0x3c: {  	s4 =	simm.s32 $0x6800;
	p0 =	sle.u32 s9, $0x1;
	p2 =	sne.s32 s9, $0x1  }
0x3d: {  	[tilespmem:s29], [sflag:$0x1] =	stream.indirect.gather [hbm4b:s5+s26], $0x40, s26, s26, $0xb8;
	[tilespmem:$0x1D580] =	vst v63  }
.Ltmp0:
0x3e: {  	p1 =	por p0, p0;
	s18 =	simm.s32 @!p0 $0x0;
	(pc) =	sbr.rel @!p2 .LBB2_2-.Ltmp0, $4  }
0x3f: {  	[tilespmem:s31], [sflag:$0x1] =	stream.indirect.gather [hbm4b:s5+s26], $0x40, s30, s26, $0xb8;
	[tilespmem:$0x1D580] =	vst v63  }
0x40: {  	p0 =	por $0x0, $0x0;
	s20 =	simm.s32 $0x1;
	s30 =	sand.u32 $0x1, s3  }
0x41: {  	s31 =	simm.s32 @!p1 $0x2;
	s0 =	sxor.u32 @!p1 $0x1, s30;
	s16 =	sshll.u32 s30, $0xF  }
0x42: {  	[tilespmem:s4], [sflag:$0x1] =	stream.indirect.gather [hbm4b:s5+s26], $0x40, s28, s26, $0xb8;
	[tilespmem:$0x1D580] =	vst v63  }
0x43: {  	s19 =	sshll.u32 @!p1 s0, $0x9;
	s4 =	rddreg [dreg:$0x14]  }
0x44: {  	[tilespmem:s19], [sflag:$0x2] =	stream.linear.gather @!p1 [hbm4b:s4+s18], $0x200, $0x38;
	[tilespmem:$0x1D580] =	vst v63  }
0x45: {  	_ =	swait.ge @!p1 [sflag:s31], $0x200  }
0x46: {  	[sflag:s31] =	ssyncset.done @!p1 $0x0  }
0x47: {  	s28 =	sor.u32 @!p1 $0x400, s19;
	[sflag:s31] =	ssyncadd.s32 @!p1 $0xFFFFFE00  }
0x48: {  	[tilespmem:s28], [sflag:$0x2] =	stream.linear.gather @!p1 [hbm4b:s25+s18], $0x200, $0x38;
	[tilespmem:$0x1D580] =	vst v63  }
0x49: {  	_ =	swait.ge @!p1 [sflag:s31], $0x200  }
0x4a: {  	s0 =	sshll.u32 @!p1 s0, $0xF;
	[sflag:s31] =	ssyncset.done @!p1 $0x0  }
0x4b: {  	s18 =	simm.s32 @!p1 $0x80;
	s28 =	sor.u32 @!p1 $0x800, s0;
	[sflag:s31] =	ssyncadd.s32 @!p1 $0xFFFFFE00  }
0x4c: {  	[tilespmem:s28], [sflag:$0x1] =	stream.indirect.gather @!p1 [hbm4b:s5+s18], $0x40, s19, s18, $0xb8;
	[tilespmem:$0x1D580] =	vst v63  }
0x4d: {  	s29 =	sor.u32 @!p1 $0x2800, s0;
	s28 =	sor.u32 @!p1 $0x80, s19  }
0x4e: {  	[tilespmem:s29], [sflag:$0x1] =	stream.indirect.gather @!p1 [hbm4b:s5+s18], $0x40, s28, s18, $0xb8;
	[tilespmem:$0x1D580] =	vst v63  }
0x4f: {  	s28 =	sor.u32 @!p1 $0x100, s19;
	s29 =	sor.u32 @!p1 $0x4800, s0  }
0x50: {  	[tilespmem:s29], [sflag:$0x1] =	stream.indirect.gather @!p1 [hbm4b:s5+s18], $0x40, s28, s18, $0xb8;
	[tilespmem:$0x1D580] =	vst v63  }
0x51: {  	s19 =	sor.u32 @!p1 $0x180, s19;
	s0 =	sor.u32 @!p1 $0x6800, s0  }
0x52: {  	[tilespmem:s0], [sflag:$0x1] =	stream.indirect.gather @!p1 [hbm4b:s5+s18], $0x40, s19, s18, $0xb8;
	[tilespmem:$0x1D580] =	vst v63  }
0x53: {  	_ =	swait.ge [sflag:s7], $0x2000  }
0x54: {  	[sflag:s7] =	ssyncset.done $0x0  }
0x55: {  	[sflag:s7] =	ssyncadd.s32 $0xFFFFE000  }
0x56: {  	_ =	swait.ge [sflag:s7], $0x2000  }
0x57: {  	[sflag:s7] =	ssyncset.done $0x0  }
0x58: {  	[sflag:s7] =	ssyncadd.s32 $0xFFFFE000  }
0x59: {  	_ =	swait.ge [sflag:s7], $0x2000  }
0x5a: {  	[sflag:s7] =	ssyncset.done $0x0  }
0x5b: {  	[sflag:s7] =	ssyncadd.s32 $0xFFFFE000  }
0x5c: {  	_ =	swait.ge [sflag:s7], $0x2000  }
0x5d: {  	s6 =	sshll.u32 s30, $0x9;
	[sflag:s7] =	ssyncset.done $0x0  }
0x5e: {  	s8 =	sor.u32 $0x800, s16;
	s10 =	sor.u32 $0x400, s6;
	[sflag:s7] =	ssyncadd.s32 $0xFFFFE000  }
0x5f: {  	[spmem:s1] =	stream.indirect.scatter.add.f32 [tilespmem:s8], [sflag:$0x2], $0x40, s10, s26, $0xb8;
	[tilespmem:$0x1D580] =	vst v63  }
0x60: {  	_ =	swait.ge [sflag:s24], $0x2000  }
0x61: {  	[sflag:s24] =	ssyncset.done $0x0  }
0x62: {  	[sflag:s24] =	ssyncadd.s32 $0xFFFFE000  }
0x63: {  	[spmem:s2] =	stream.indirect.scatter.add.f32 [tilespmem:s23], [sflag:$0x2], $0x10, s10, s26, $0xb8;
	[tilespmem:$0x1D580] =	vst v63  }
0x64: {  	_ =	swait.ge [sflag:s24], $0x800  }
0x65: {  	[sflag:s24] =	ssyncset.done $0x0  }
0x66: {  	s13 =	sor.u32 $0x2800, s16;
	s14 =	sor.u32 $0x480, s6;
	[sflag:s24] =	ssyncadd.s32 $0xFFFFF800  }
0x67: {  	[spmem:s1] =	stream.indirect.scatter.add.f32 [tilespmem:s13], [sflag:$0x2], $0x40, s14, s26, $0xb8;
	[tilespmem:$0x1D580] =	vst v63  }
0x68: {  	_ =	swait.ge [sflag:s24], $0x2000  }
0x69: {  	[sflag:s24] =	ssyncset.done $0x0  }
0x6a: {  	[sflag:s24] =	ssyncadd.s32 $0xFFFFE000  }
0x6b: {  	[spmem:s2] =	stream.indirect.scatter.add.f32 [tilespmem:s23], [sflag:$0x2], $0x10, s14, s26, $0xb8;
	[tilespmem:$0x1D580] =	vst v63  }
0x6c: {  	_ =	swait.ge [sflag:s24], $0x800  }
0x6d: {  	s17 =	smov.u32 s22;
	[sflag:s24] =	ssyncset.done $0x0  }
0x6e: {  	s22 =	sor.u32 $0x500, s6;
	s19 =	sor.u32 $0x4800, s16;
	[sflag:s24] =	ssyncadd.s32 $0xFFFFF800  }
0x6f: {  	[spmem:s1] =	stream.indirect.scatter.add.f32 [tilespmem:s19], [sflag:$0x2], $0x40, s22, s26, $0xb8;
	[tilespmem:$0x1D580] =	vst v63  }
0x70: {  	_ =	swait.ge [sflag:s24], $0x2000  }
0x71: {  	[sflag:s24] =	ssyncset.done $0x0  }
0x72: {  	p3 =	sne.s32 s9, $0x2;
	s30 =	sand.u32 $0x1, s20;
	[sflag:s24] =	ssyncadd.s32 $0xFFFFE000  }
0x73: {  	[spmem:s2] =	stream.indirect.scatter.add.f32 [tilespmem:s23], [sflag:$0x2], $0x10, s22, s26, $0xb8;
	[tilespmem:$0x1D580] =	vst v63  }
0x74: {  	s20 =	sadd.s32 $0x40, s25;
	p2 =	por $0x1, $0x1;
	_ =	swait.ge [sflag:s24], $0x800  }
0x75: {  	s29 =	sor.u32 $0x6800, s16;
	s28 =	simm.s32 $0x2;
	[sflag:s24] =	ssyncset.done $0x0  }
0x76: {  	p1 =	sle.u32 s9, $0x2;
	s0 =	sor.u32 $0x580, s6;
	[sflag:s24] =	ssyncadd.s32 $0xFFFFF800  }
0x77: {  	[spmem:s1] =	stream.indirect.scatter.add.f32 [tilespmem:s29], [sflag:$0x2], $0x40, s0, s26, $0xb8;
	[tilespmem:$0x1D580] =	vst v63  }
.Ltmp1:
0x78: {  	s16 =	sshll.u32 s30, $0xF;
	_ =	swait.ge [sflag:s24], $0x2000;
	(pc) =	sbr.rel @!p3 .LBB2_4-.Ltmp1, $4  }
0x79: {  	s18 =	simm.s32 @!p1 $0x0;
	p1 =	por p1, p1;
	[sflag:s24] =	ssyncset.done $0x0  }
0x7a: {  	s31 =	simm.s32 @!p1 $0x2;
	s14 =	smov.u32 s25;
	[sflag:s24] =	ssyncadd.s32 $0xFFFFE000  }
0x7b: {  	[spmem:s2] =	stream.indirect.scatter.add.f32 [tilespmem:s23], [sflag:$0x2], $0x10, s0, s26, $0xb8;
	[tilespmem:$0x1D580] =	vst v63  }
0x7c: {  	s19 =	sadd.s32 $0x40, s4;
	s0 =	sxor.u32 @!p1 $0x1, s30;
	_ =	swait.ge [sflag:s24], $0x800  }
.LBB2_5:
0x7d: {  	s4 =	sshll.u32 @!p1 s0, $0x9  }
0x7e: {  	[sflag:s24] =	ssyncset.done $0x0;
	s29 =	smov.u32 s28;
	s28 =	sadd.s32 $0x1, s28  }
0x7f: {  	p4 =	sge.u32 s28, s9;
	s10 =	sor.u32 @!p1 $0x400, s4;
	[sflag:s24] =	ssyncadd.s32 $0xFFFFF800  }
0x80: {  	[tilespmem:s4], [sflag:$0x2] =	stream.linear.gather @!p1 [hbm4b:s19+s18], $0x200, $0x38;
	[tilespmem:$0x1D580] =	vst v63  }
0x81: {  	s30 =	sshll.u32 s30, $0x9;
	s8 =	simm.s32 @!p4 $0x0;
	_ =	swait.ge @!p1 [sflag:s31], $0x200  }
0x82: {  	s6 =	sor.u32 @!p1 $0x80, s4;
	s13 =	sor.u32 @!p1 $0x100, s4;
	[sflag:s31] =	ssyncset.done @!p1 $0x0  }
0x83: {  	p3 =	sne.s32 s9, s28;
	s25 =	sor.u32 @!p1 $0x180, s4;
	[sflag:s31] =	ssyncadd.s32 @!p1 $0xFFFFFE00  }
0x84: {  	[tilespmem:s10], [sflag:$0x2] =	stream.linear.gather @!p1 [hbm4b:s20+s18], $0x200, $0x38;
	[tilespmem:$0x1D580] =	vst v63  }
0x85: {  	s0 =	sshll.u32 @!p1 s0, $0xF;
	s10 =	simm.s32 @!p1 $0x80;
	_ =	swait.ge @!p1 [sflag:s31], $0x200  }
0x86: {  	s22 =	sor.u32 @!p1 $0x2800, s0;
	s18 =	sor.u32 @!p1 $0x800, s0;
	[sflag:s31] =	ssyncset.done @!p1 $0x0  }
0x87: {  	[sflag:s31] =	ssyncadd.s32 @!p1 $0xFFFFFE00;
	s31 =	sor.u32 @!p1 $0x4800, s0;
	s0 =	sor.u32 @!p1 $0x6800, s0  }
0x88: {  	[tilespmem:s18], [sflag:$0x1] =	stream.indirect.gather @!p1 [hbm4b:s5+s10], $0x40, s4, s10, $0xb8;
	[tilespmem:$0x1D580] =	vst v63  }
0x89: {  	s18 =	smov.u32 s8  }
0x8a: {  	[tilespmem:s22], [sflag:$0x1] =	stream.indirect.gather @!p1 [hbm4b:s5+s10], $0x40, s6, s10, $0xb8;
	[tilespmem:$0x1D580] =	vst v63  }
0x8b: {  	_ = 	snop  }
0x8c: {  	[tilespmem:s31], [sflag:$0x1] =	stream.indirect.gather @!p1 [hbm4b:s5+s10], $0x40, s13, s10, $0xb8;
	[tilespmem:$0x1D580] =	vst v63  }
0x8d: {  	_ = 	snop  }
0x8e: {  	[tilespmem:s0], [sflag:$0x1] =	stream.indirect.gather @!p1 [hbm4b:s5+s10], $0x40, s25, s10, $0xb8;
	[tilespmem:$0x1D580] =	vst v63  }
0x8f: {  	p1 =	por p4, p4;
	_ =	swait.ge [sflag:s7], $0x2000  }
0x90: {  	[sflag:s7] =	ssyncset.done $0x0  }
0x91: {  	[sflag:s7] =	ssyncadd.s32 $0xFFFFE000  }
0x92: {  	_ =	swait.ge [sflag:s7], $0x2000  }
0x93: {  	[sflag:s7] =	ssyncset.done $0x0  }
0x94: {  	[sflag:s7] =	ssyncadd.s32 $0xFFFFE000  }
0x95: {  	_ =	swait.ge [sflag:s7], $0x2000  }
0x96: {  	[sflag:s7] =	ssyncset.done $0x0  }
0x97: {  	[sflag:s7] =	ssyncadd.s32 $0xFFFFE000  }
0x98: {  	_ =	swait.ge [sflag:s7], $0x2000  }
0x99: {  	s4 =	sor.u32 $0x400, s30;
	s0 =	sor.u32 $0x800, s16;
	[sflag:s7] =	ssyncset.done $0x0  }
0x9a: {  	[sflag:s7] =	ssyncadd.s32 $0xFFFFE000  }
0x9b: {  	[spmem:s1] =	stream.indirect.scatter.add.f32 [tilespmem:s0], [sflag:$0x2], $0x40, s4, s26, $0xb8;
	[tilespmem:$0x1D580] =	vst v63  }
0x9c: {  	_ =	swait.ge [sflag:s24], $0x2000  }
0x9d: {  	[sflag:s24] =	ssyncset.done $0x0  }
0x9e: {  	[sflag:s24] =	ssyncadd.s32 $0xFFFFE000  }
0x9f: {  	[spmem:s2] =	stream.indirect.scatter.add.f32 [tilespmem:s23], [sflag:$0x2], $0x10, s4, s26, $0xb8;
	[tilespmem:$0x1D580] =	vst v63  }
0xa0: {  	_ =	swait.ge [sflag:s24], $0x800  }
0xa1: {  	s0 =	sor.u32 $0x2800, s16;
	s4 =	sor.u32 $0x480, s30;
	[sflag:s24] =	ssyncset.done $0x0  }
0xa2: {  	[sflag:s24] =	ssyncadd.s32 $0xFFFFF800  }
0xa3: {  	[spmem:s1] =	stream.indirect.scatter.add.f32 [tilespmem:s0], [sflag:$0x2], $0x40, s4, s26, $0xb8;
	[tilespmem:$0x1D580] =	vst v63  }
0xa4: {  	_ =	swait.ge [sflag:s24], $0x2000  }
0xa5: {  	[sflag:s24] =	ssyncset.done $0x0  }
0xa6: {  	[sflag:s24] =	ssyncadd.s32 $0xFFFFE000  }
0xa7: {  	[spmem:s2] =	stream.indirect.scatter.add.f32 [tilespmem:s23], [sflag:$0x2], $0x10, s4, s26, $0xb8;
	[tilespmem:$0x1D580] =	vst v63  }
0xa8: {  	_ =	swait.ge [sflag:s24], $0x800  }
0xa9: {  	s0 =	sor.u32 $0x4800, s16;
	s4 =	sor.u32 $0x500, s30;
	[sflag:s24] =	ssyncset.done $0x0  }
0xaa: {  	[sflag:s24] =	ssyncadd.s32 $0xFFFFF800  }
0xab: {  	[spmem:s1] =	stream.indirect.scatter.add.f32 [tilespmem:s0], [sflag:$0x2], $0x40, s4, s26, $0xb8;
	[tilespmem:$0x1D580] =	vst v63  }
0xac: {  	_ =	swait.ge [sflag:s24], $0x2000  }
0xad: {  	[sflag:s24] =	ssyncset.done $0x0  }
0xae: {  	[sflag:s24] =	ssyncadd.s32 $0xFFFFE000  }
0xaf: {  	[spmem:s2] =	stream.indirect.scatter.add.f32 [tilespmem:s23], [sflag:$0x2], $0x10, s4, s26, $0xb8;
	[tilespmem:$0x1D580] =	vst v63  }
0xb0: {  	_ =	swait.ge [sflag:s24], $0x800  }
0xb1: {  	s0 =	sor.u32 $0x6800, s16;
	s4 =	sor.u32 $0x580, s30;
	[sflag:s24] =	ssyncset.done $0x0  }
0xb2: {  	[sflag:s24] =	ssyncadd.s32 $0xFFFFF800  }
0xb3: {  	[spmem:s1] =	stream.indirect.scatter.add.f32 [tilespmem:s0], [sflag:$0x2], $0x40, s4, s26, $0xb8;
	[tilespmem:$0x1D580] =	vst v63  }
.Ltmp2:
0xb4: {  	_ =	swait.ge [sflag:s24], $0x2000;
	(pc) =	sbr.rel @p3 .LBB2_5-.Ltmp2, $4  }
0xb5: {  	s19 =	sadd.s32 $0x40, s19;
	s20 =	sadd.s32 $0x40, s20;
	[sflag:s24] =	ssyncset.done $0x0  }
0xb6: {  	s31 =	simm.s32 @!p1 $0x2;
	s30 =	sand.u32 $0x1, s29;
	[sflag:s24] =	ssyncadd.s32 $0xFFFFE000  }
0xb7: {  	[spmem:s2] =	stream.indirect.scatter.add.f32 [tilespmem:s23], [sflag:$0x2], $0x10, s4, s26, $0xb8;
	[tilespmem:$0x1D580] =	vst v63  }
0xb8: {  	s16 =	sshll.u32 s30, $0xF;
	s0 =	sxor.u32 @!p1 $0x1, s30;
	_ =	swait.ge [sflag:s24], $0x800  }
0xb9: {  	s22 =	smov.u32 s17;
	s13 =	rddreg [dreg:$0x15];
	s25 =	smov.u32 s14  }
0xba: {  	s14 =	simm.s32 $0x400;
	s17 =	simm.s32 $0x800;
	s29 =	simm.s32 $0x2800  }
.LBB2_7:
0xbb: {  	[sflag:s24] =	ssyncset.done @p2 $0x0  }
0xbc: {  	s4 =	sshll.u32 @!p1 s0, $0x9;
	[sflag:s24] =	ssyncadd.s32 @p2 $0xFFFFF800  }
0xbd: {  	[tilespmem:s4], [sflag:$0x2] =	stream.linear.gather @!p1 [hbm4b:s19+s18], $0x200, $0x38;
	[tilespmem:$0x1D580] =	vst v63  }
0xbe: {  	_ =	swait.ge @!p1 [sflag:s31], $0x200  }
0xbf: {  	[sflag:s31] =	ssyncset.done @!p1 $0x0  }
0xc0: {  	s6 =	sor.u32 @!p1 $0x400, s4;
	[sflag:s31] =	ssyncadd.s32 @!p1 $0xFFFFFE00  }
0xc1: {  	[tilespmem:s6], [sflag:$0x2] =	stream.linear.gather @!p1 [hbm4b:s20+s18], $0x200, $0x38;
	[tilespmem:$0x1D580] =	vst v63  }
0xc2: {  	_ =	swait.ge @!p1 [sflag:s31], $0x200  }
0xc3: {  	s0 =	sshll.u32 @!p1 s0, $0xF;
	[sflag:s31] =	ssyncset.done @!p1 $0x0  }
0xc4: {  	s8 =	sor.u32 @!p1 $0x800, s0;
	s6 =	simm.s32 @!p1 $0x80;
	[sflag:s31] =	ssyncadd.s32 @!p1 $0xFFFFFE00  }
0xc5: {  	[tilespmem:s8], [sflag:$0x1] =	stream.indirect.gather @!p1 [hbm4b:s5+s6], $0x40, s4, s6, $0xb8;
	[tilespmem:$0x1D580] =	vst v63  }
0xc6: {  	s10 =	sor.u32 @!p1 $0x2800, s0;
	s8 =	sor.u32 @!p1 $0x80, s4  }
0xc7: {  	[tilespmem:s10], [sflag:$0x1] =	stream.indirect.gather @!p1 [hbm4b:s5+s6], $0x40, s8, s6, $0xb8;
	[tilespmem:$0x1D580] =	vst v63  }
0xc8: {  	s8 =	sor.u32 @!p1 $0x100, s4;
	s10 =	sor.u32 @!p1 $0x4800, s0  }
0xc9: {  	[tilespmem:s10], [sflag:$0x1] =	stream.indirect.gather @!p1 [hbm4b:s5+s6], $0x40, s8, s6, $0xb8;
	[tilespmem:$0x1D580] =	vst v63  }
0xca: {  	s4 =	sor.u32 @!p1 $0x180, s4;
	s0 =	sor.u32 @!p1 $0x6800, s0  }
0xcb: {  	[tilespmem:s0], [sflag:$0x1] =	stream.indirect.gather @!p1 [hbm4b:s5+s6], $0x40, s4, s6, $0xb8;
	[tilespmem:$0x1D580] =	vst v63  }
0xcc: {  	_ =	swait.ge [sflag:s7], $0x2000  }
0xcd: {  	[sflag:s7] =	ssyncset.done $0x0  }
0xce: {  	[sflag:s7] =	ssyncadd.s32 $0xFFFFE000  }
0xcf: {  	_ =	swait.ge [sflag:s7], $0x2000  }
0xd0: {  	[sflag:s7] =	ssyncset.done $0x0  }
0xd1: {  	[sflag:s7] =	ssyncadd.s32 $0xFFFFE000  }
0xd2: {  	_ =	swait.ge [sflag:s7], $0x2000  }
0xd3: {  	[sflag:s7] =	ssyncset.done $0x0  }
0xd4: {  	[sflag:s7] =	ssyncadd.s32 $0xFFFFE000  }
0xd5: {  	_ =	swait.ge [sflag:s7], $0x2000  }
0xd6: {  	s0 =	sshll.u32 s30, $0x9;
	[sflag:s7] =	ssyncset.done $0x0  }
0xd7: {  	s10 =	sor.u32 $0x800, s16;
	s18 =	sor.u32 $0x400, s0;
	[sflag:s7] =	ssyncadd.s32 $0xFFFFE000  }
0xd8: {  	[spmem:s1] =	stream.indirect.scatter.add.f32 [tilespmem:s10], [sflag:$0x2], $0x40, s18, s26, $0xb8;
	[tilespmem:$0x1D580] =	vst v63  }
0xd9: {  	_ =	swait.ge [sflag:s24], $0x2000  }
0xda: {  	[sflag:s24] =	ssyncset.done $0x0  }
0xdb: {  	[sflag:s24] =	ssyncadd.s32 $0xFFFFE000  }
0xdc: {  	[spmem:s2] =	stream.indirect.scatter.add.f32 [tilespmem:s23], [sflag:$0x2], $0x10, s18, s26, $0xb8;
	[tilespmem:$0x1D580] =	vst v63  }
0xdd: {  	_ =	swait.ge [sflag:s24], $0x800  }
0xde: {  	[sflag:s24] =	ssyncset.done $0x0  }
0xdf: {  	s19 =	sor.u32 $0x2800, s16;
	s20 =	sor.u32 $0x480, s0;
	[sflag:s24] =	ssyncadd.s32 $0xFFFFF800  }
0xe0: {  	[spmem:s1] =	stream.indirect.scatter.add.f32 [tilespmem:s19], [sflag:$0x2], $0x40, s20, s26, $0xb8;
	[tilespmem:$0x1D580] =	vst v63  }
0xe1: {  	_ =	swait.ge [sflag:s24], $0x2000  }
0xe2: {  	[sflag:s24] =	ssyncset.done $0x0  }
0xe3: {  	[sflag:s24] =	ssyncadd.s32 $0xFFFFE000  }
0xe4: {  	[spmem:s2] =	stream.indirect.scatter.add.f32 [tilespmem:s23], [sflag:$0x2], $0x10, s20, s26, $0xb8;
	[tilespmem:$0x1D580] =	vst v63  }
0xe5: {  	_ =	swait.ge [sflag:s24], $0x800  }
0xe6: {  	[sflag:s24] =	ssyncset.done $0x0  }
0xe7: {  	s6 =	sor.u32 $0x4800, s16;
	s8 =	sor.u32 $0x500, s0;
	[sflag:s24] =	ssyncadd.s32 $0xFFFFF800  }
0xe8: {  	[spmem:s1] =	stream.indirect.scatter.add.f32 [tilespmem:s6], [sflag:$0x2], $0x40, s8, s26, $0xb8;
	[tilespmem:$0x1D580] =	vst v63  }
0xe9: {  	_ =	swait.ge [sflag:s24], $0x2000  }
0xea: {  	[sflag:s24] =	ssyncset.done $0x0  }
0xeb: {  	[sflag:s24] =	ssyncadd.s32 $0xFFFFE000  }
0xec: {  	[spmem:s2] =	stream.indirect.scatter.add.f32 [tilespmem:s23], [sflag:$0x2], $0x10, s8, s26, $0xb8;
	[tilespmem:$0x1D580] =	vst v63  }
0xed: {  	_ =	swait.ge [sflag:s24], $0x800  }
0xee: {  	[sflag:s24] =	ssyncset.done $0x0  }
0xef: {  	s0 =	sor.u32 $0x580, s0;
	s10 =	sor.u32 $0x6800, s16;
	[sflag:s24] =	ssyncadd.s32 $0xFFFFF800  }
0xf0: {  	[spmem:s1] =	stream.indirect.scatter.add.f32 [tilespmem:s10], [sflag:$0x2], $0x40, s0, s26, $0xb8;
	[tilespmem:$0x1D580] =	vst v63  }
0xf1: {  	_ =	swait.ge [sflag:s24], $0x2000  }
0xf2: {  	[sflag:s24] =	ssyncset.done $0x0  }
0xf3: {  	[sflag:s24] =	ssyncadd.s32 $0xFFFFE000  }
0xf4: {  	[spmem:s2] =	stream.indirect.scatter.add.f32 [tilespmem:s23], [sflag:$0x2], $0x10, s0, s26, $0xb8;
	[tilespmem:$0x1D580] =	vst v63  }
0xf5: {  	_ =	swait.ge [sflag:s24], $0x800  }
0xf6: {  	[sflag:s24] =	ssyncset.done $0x0  }
0xf7: {  	[sflag:s24] =	ssyncadd.s32 $0xFFFFF800  }
0xf8: {  	[bflag:$0x0] =	sbarrier.arrive $0xFFFF  }
0xf9: {  	s16 =	rddreg [dreg:$0xf]  }
0xfa: {  	s18 =	simm.s32 $0x10;
	s19 =	simm.s32 $0x8;
	s20 =	rddreg [dreg:$0x17]  }
0xfb: {  	[hbm:s16@s18], [sflag:s12] =	dma.strided [spmem:s20@s19], $0x13C0, s7, $0x8   }
0xfc: {  	_ =	swait.ge [sflag:s24], $0x13C0  }
0xfd: {  	[sflag:s24] =	ssyncset.done $0x0  }
0xfe: {  	s10 =	rddreg [dreg:$0x10];
	[sflag:s24] =	ssyncadd.s32 $0xFFFFEC40  }
0xff: {  	[hbm:s10@s18], [sflag:s12] =	dma.strided [spmem:s15@s24], $0x4F0, s7, $0x2   }
0x100: {  	_ =	swait.ge [sflag:s24], $0x4F0  }
0x101: {  	[sflag:s24] =	ssyncset.done $0x0  }
0x102: {  	[sflag:s24] =	ssyncadd.s32 $0xFFFFFB10  }
0x103: {  	[spmem:s20], [sflag:s12] =	dma.local [hbm:s22], $0x13C0  }
0x104: {  	_ =	swait.ge [sflag:s24], $0x13C0  }
0x105: {  	[sflag:s24] =	ssyncset.done $0x0  }
0x106: {  	[sflag:s24] =	ssyncadd.s32 $0xFFFFEC40  }
0x107: {  	[bflag:$0x0] =	sbarrier.arrive $0xFFFF  }
0x108: {  	s16 =	simm.s32 $0x0;
	s18 =	rddreg [dreg:$0x11]  }
0x109: {  	[tilespmem:s16], [sflag:$0x2] =	stream.linear.gather [hbm4b:s18+s16], $0x200, $0x38;
	[tilespmem:$0x1D580] =	vst v63  }
0x10a: {  	_ =	swait.ge [sflag:s24], $0x200  }
0x10b: {  	[sflag:s24] =	ssyncset.done $0x0  }
0x10c: {  	[sflag:s24] =	ssyncadd.s32 $0xFFFFFE00  }
0x10d: {  	[tilespmem:s14], [sflag:$0x2] =	stream.linear.gather [hbm4b:s13+s16], $0x200, $0x38;
	[tilespmem:$0x1D580] =	vst v63  }
0x10e: {  	_ =	swait.ge [sflag:s24], $0x200  }
0x10f: {  	[sflag:s24] =	ssyncset.done $0x0  }
0x110: {  	[sflag:s24] =	ssyncadd.s32 $0xFFFFFE00  }
0x111: {  	[tilespmem:s17], [sflag:$0x1] =	stream.indirect.gather [hbm4b:s5+s26], $0x40, s16, s26, $0xb8;
	[tilespmem:$0x1D580] =	vst v63  }
0x112: {  	p1 =	sne.s32 s21, $0x1  }
0x113: {  	[tilespmem:s29], [sflag:$0x1] =	stream.indirect.gather [hbm4b:s5+s26], $0x40, s26, s26, $0xb8;
	[tilespmem:$0x1D580] =	vst v63  }
.Ltmp3:
0x114: {  	s31 =	simm.s32 $0x4800;
	s28 =	sand.u32 $0x1, s16;
	(pc) =	sbr.rel @!p1 .LBB2_8-.Ltmp3, $4  }
0x115: {  	s30 =	simm.s32 $0x100;
	s19 =	simm.s32 $0x180;
	s0 =	sxor.u32 $0x1, s28  }
0x116: {  	[tilespmem:s31], [sflag:$0x1] =	stream.indirect.gather [hbm4b:s5+s26], $0x40, s30, s26, $0xb8;
	[tilespmem:$0x1D580] =	vst v63  }
0x117: {  	s15 =	sshll.u32 s28, $0xF;
	s20 =	simm.s32 $0x6800;
	s16 =	simm.s32 $0x1  }
0x118: {  	[tilespmem:s20], [sflag:$0x1] =	stream.indirect.gather [hbm4b:s5+s26], $0x40, s19, s26, $0xb8;
	[tilespmem:$0x1D580] =	vst v63  }
0x119: {  	s4 =	sshll.u32 s0, $0x9;
	s10 =	rddreg [dreg:$0x16]  }
0x11a: {  	[tilespmem:s4], [sflag:$0x2] =	stream.linear.gather [hbm4b:s10+s3], $0x200, $0x38;
	[tilespmem:$0x1D580] =	vst v63  }
0x11b: {  	_ =	swait.ge [sflag:s24], $0x200  }
0x11c: {  	[sflag:s24] =	ssyncset.done $0x0  }
0x11d: {  	s6 =	sor.u32 $0x400, s4;
	[sflag:s24] =	ssyncadd.s32 $0xFFFFFE00  }
0x11e: {  	[tilespmem:s6], [sflag:$0x2] =	stream.linear.gather [hbm4b:s25+s3], $0x200, $0x38;
	[tilespmem:$0x1D580] =	vst v63  }
0x11f: {  	_ =	swait.ge [sflag:s24], $0x200  }
0x120: {  	s0 =	sshll.u32 s0, $0xF;
	[sflag:s24] =	ssyncset.done $0x0  }
0x121: {  	s19 =	sor.u32 $0x800, s0;
	[sflag:s24] =	ssyncadd.s32 $0xFFFFFE00  }
0x122: {  	[tilespmem:s19], [sflag:$0x1] =	stream.indirect.gather [hbm4b:s5+s26], $0x40, s4, s26, $0xb8;
	[tilespmem:$0x1D580] =	vst v63  }
0x123: {  	s20 =	sor.u32 $0x2800, s0;
	s8 =	sor.u32 $0x80, s4  }
0x124: {  	[tilespmem:s20], [sflag:$0x1] =	stream.indirect.gather [hbm4b:s5+s26], $0x40, s8, s26, $0xb8;
	[tilespmem:$0x1D580] =	vst v63  }
0x125: {  	s18 =	sor.u32 $0x100, s4;
	s8 =	sor.u32 $0x4800, s0  }
0x126: {  	[tilespmem:s8], [sflag:$0x1] =	stream.indirect.gather [hbm4b:s5+s26], $0x40, s18, s26, $0xb8;
	[tilespmem:$0x1D580] =	vst v63  }
0x127: {  	s4 =	sor.u32 $0x180, s4;
	s0 =	sor.u32 $0x6800, s0  }
0x128: {  	[tilespmem:s0], [sflag:$0x1] =	stream.indirect.gather [hbm4b:s5+s26], $0x40, s4, s26, $0xb8;
	[tilespmem:$0x1D580] =	vst v63  }
0x129: {  	_ =	swait.ge [sflag:s7], $0x2000  }
0x12a: {  	[sflag:s7] =	ssyncset.done $0x0  }
0x12b: {  	[sflag:s7] =	ssyncadd.s32 $0xFFFFE000  }
0x12c: {  	_ =	swait.ge [sflag:s7], $0x2000  }
0x12d: {  	[sflag:s7] =	ssyncset.done $0x0  }
0x12e: {  	[sflag:s7] =	ssyncadd.s32 $0xFFFFE000  }
0x12f: {  	_ =	swait.ge [sflag:s7], $0x2000  }
0x130: {  	[sflag:s7] =	ssyncset.done $0x0  }
0x131: {  	[sflag:s7] =	ssyncadd.s32 $0xFFFFE000  }
0x132: {  	_ =	swait.ge [sflag:s7], $0x2000  }
0x133: {  	s0 =	sshll.u32 s28, $0x9;
	[sflag:s7] =	ssyncset.done $0x0  }
0x134: {  	s19 =	sor.u32 $0x800, s15;
	s20 =	sor.u32 $0x400, s0;
	[sflag:s7] =	ssyncadd.s32 $0xFFFFE000  }
0x135: {  	[spmem:s1] =	stream.indirect.scatter.add.f32 [tilespmem:s19], [sflag:$0x2], $0x40, s20, s26, $0xb8;
	[tilespmem:$0x1D580] =	vst v63  }
0x136: {  	_ =	swait.ge [sflag:s24], $0x2000  }
0x137: {  	[sflag:s24] =	ssyncset.done $0x0  }
0x138: {  	s6 =	sor.u32 $0x2800, s15;
	s8 =	sor.u32 $0x480, s0;
	[sflag:s24] =	ssyncadd.s32 $0xFFFFE000  }
0x139: {  	[spmem:s1] =	stream.indirect.scatter.add.f32 [tilespmem:s6], [sflag:$0x2], $0x40, s8, s26, $0xb8;
	[tilespmem:$0x1D580] =	vst v63  }
0x13a: {  	_ =	swait.ge [sflag:s24], $0x2000  }
0x13b: {  	p1 =	sne.s32 s21, $0x2;
	[sflag:s24] =	ssyncset.done $0x0  }
0x13c: {  	s18 =	sor.u32 $0x4800, s15;
	s19 =	sor.u32 $0x500, s0;
	[sflag:s24] =	ssyncadd.s32 $0xFFFFE000  }
0x13d: {  	[spmem:s1] =	stream.indirect.scatter.add.f32 [tilespmem:s18], [sflag:$0x2], $0x40, s19, s26, $0xb8;
	[tilespmem:$0x1D580] =	vst v63  }
0x13e: {  	p0 =	por $0x1, $0x1;
	s28 =	sand.u32 $0x1, s16;
	_ =	swait.ge [sflag:s24], $0x2000  }
.Ltmp4:
0x13f: {  	s20 =	sor.u32 $0x6800, s15;
	[sflag:s24] =	ssyncset.done $0x0;
	(pc) =	sbr.rel @!p1 .LBB2_10-.Ltmp4, $4  }
0x140: {  	s0 =	sor.u32 $0x580, s0;
	s15 =	sshll.u32 s28, $0xF;
	[sflag:s24] =	ssyncadd.s32 $0xFFFFE000  }
0x141: {  	[spmem:s1] =	stream.indirect.scatter.add.f32 [tilespmem:s20], [sflag:$0x2], $0x40, s0, s26, $0xb8;
	[tilespmem:$0x1D580] =	vst v63  }
0x142: {  	s19 =	simm.s32 $0x2;
	s18 =	sadd.s32 $0x40, s25;
	_ =	swait.ge [sflag:s24], $0x2000  }
0x143: {  	s20 =	sadd.s32 $0x40, s10;
	s0 =	sxor.u32 $0x1, s28;
	[sflag:s24] =	ssyncset.done $0x0  }
.LBB2_11:
0x144: {  	s4 =	sshll.u32 s0, $0x9;
	s16 =	sshll.u32 s28, $0x9;
	[sflag:s24] =	ssyncadd.s32 $0xFFFFE000  }
0x145: {  	[tilespmem:s4], [sflag:$0x2] =	stream.linear.gather [hbm4b:s20+s3], $0x200, $0x38;
	[tilespmem:$0x1D580] =	vst v63  }
0x146: {  	s28 =	smov.u32 s19;
	s19 =	sadd.s32 $0x1, s19;
	_ =	swait.ge [sflag:s24], $0x200  }
0x147: {  	p1 =	sne.s32 s21, s19;
	[sflag:s24] =	ssyncset.done $0x0  }
0x148: {  	s6 =	sor.u32 $0x400, s4;
	[sflag:s24] =	ssyncadd.s32 $0xFFFFFE00  }
0x149: {  	[tilespmem:s6], [sflag:$0x2] =	stream.linear.gather [hbm4b:s18+s3], $0x200, $0x38;
	[tilespmem:$0x1D580] =	vst v63  }
0x14a: {  	_ =	swait.ge [sflag:s24], $0x200  }
0x14b: {  	s0 =	sshll.u32 s0, $0xF;
	[sflag:s24] =	ssyncset.done $0x0  }
0x14c: {  	s6 =	sor.u32 $0x800, s0;
	[sflag:s24] =	ssyncadd.s32 $0xFFFFFE00  }
0x14d: {  	[tilespmem:s6], [sflag:$0x1] =	stream.indirect.gather [hbm4b:s5+s26], $0x40, s4, s26, $0xb8;
	[tilespmem:$0x1D580] =	vst v63  }
0x14e: {  	s8 =	sor.u32 $0x80, s4;
	s6 =	sor.u32 $0x2800, s0  }
0x14f: {  	[tilespmem:s6], [sflag:$0x1] =	stream.indirect.gather [hbm4b:s5+s26], $0x40, s8, s26, $0xb8;
	[tilespmem:$0x1D580] =	vst v63  }
0x150: {  	s6 =	sor.u32 $0x4800, s0;
	s8 =	sor.u32 $0x100, s4  }
0x151: {  	[tilespmem:s6], [sflag:$0x1] =	stream.indirect.gather [hbm4b:s5+s26], $0x40, s8, s26, $0xb8;
	[tilespmem:$0x1D580] =	vst v63  }
0x152: {  	s0 =	sor.u32 $0x6800, s0;
	s4 =	sor.u32 $0x180, s4  }
0x153: {  	[tilespmem:s0], [sflag:$0x1] =	stream.indirect.gather [hbm4b:s5+s26], $0x40, s4, s26, $0xb8;
	[tilespmem:$0x1D580] =	vst v63  }
0x154: {  	_ =	swait.ge [sflag:s7], $0x2000  }
0x155: {  	[sflag:s7] =	ssyncset.done $0x0  }
0x156: {  	[sflag:s7] =	ssyncadd.s32 $0xFFFFE000  }
0x157: {  	_ =	swait.ge [sflag:s7], $0x2000  }
0x158: {  	[sflag:s7] =	ssyncset.done $0x0  }
0x159: {  	[sflag:s7] =	ssyncadd.s32 $0xFFFFE000  }
0x15a: {  	_ =	swait.ge [sflag:s7], $0x2000  }
0x15b: {  	[sflag:s7] =	ssyncset.done $0x0  }
0x15c: {  	[sflag:s7] =	ssyncadd.s32 $0xFFFFE000  }
0x15d: {  	_ =	swait.ge [sflag:s7], $0x2000  }
0x15e: {  	[sflag:s7] =	ssyncset.done $0x0  }
0x15f: {  	s0 =	sor.u32 $0x800, s15;
	s4 =	sor.u32 $0x400, s16;
	[sflag:s7] =	ssyncadd.s32 $0xFFFFE000  }
0x160: {  	[spmem:s1] =	stream.indirect.scatter.add.f32 [tilespmem:s0], [sflag:$0x2], $0x40, s4, s26, $0xb8;
	[tilespmem:$0x1D580] =	vst v63  }
0x161: {  	_ =	swait.ge [sflag:s24], $0x2000  }
0x162: {  	[sflag:s24] =	ssyncset.done $0x0  }
0x163: {  	s0 =	sor.u32 $0x2800, s15;
	s4 =	sor.u32 $0x480, s16;
	[sflag:s24] =	ssyncadd.s32 $0xFFFFE000  }
0x164: {  	[spmem:s1] =	stream.indirect.scatter.add.f32 [tilespmem:s0], [sflag:$0x2], $0x40, s4, s26, $0xb8;
	[tilespmem:$0x1D580] =	vst v63  }
0x165: {  	_ =	swait.ge [sflag:s24], $0x2000  }
0x166: {  	[sflag:s24] =	ssyncset.done $0x0  }
0x167: {  	s0 =	sor.u32 $0x4800, s15;
	s4 =	sor.u32 $0x500, s16;
	[sflag:s24] =	ssyncadd.s32 $0xFFFFE000  }
0x168: {  	[spmem:s1] =	stream.indirect.scatter.add.f32 [tilespmem:s0], [sflag:$0x2], $0x40, s4, s26, $0xb8;
	[tilespmem:$0x1D580] =	vst v63  }
0x169: {  	_ =	swait.ge [sflag:s24], $0x2000  }
.Ltmp5:
0x16a: {  	s18 =	sadd.s32 $0x40, s18;
	[sflag:s24] =	ssyncset.done $0x0;
	(pc) =	sbr.rel @p1 .LBB2_11-.Ltmp5, $4  }
0x16b: {  	s0 =	sor.u32 $0x6800, s15;
	s4 =	sor.u32 $0x580, s16;
	[sflag:s24] =	ssyncadd.s32 $0xFFFFE000  }
0x16c: {  	[spmem:s1] =	stream.indirect.scatter.add.f32 [tilespmem:s0], [sflag:$0x2], $0x40, s4, s26, $0xb8;
	[tilespmem:$0x1D580] =	vst v63  }
0x16d: {  	s28 =	sand.u32 $0x1, s28;
	s20 =	sadd.s32 $0x40, s20;
	_ =	swait.ge [sflag:s24], $0x2000  }
0x16e: {  	s15 =	sshll.u32 s28, $0xF;
	s0 =	sxor.u32 $0x1, s28;
	[sflag:s24] =	ssyncset.done $0x0  }
0x16f: {  	s16 =	smov.u32 s19  }
.LBB2_13:
0x170: {  	s4 =	sshll.u32 s0, $0x9;
	[sflag:s24] =	ssyncadd.s32 @p0 $0xFFFFE000  }
0x171: {  	[tilespmem:s4], [sflag:$0x2] =	stream.linear.gather [hbm4b:s20+s3], $0x200, $0x38;
	[tilespmem:$0x1D580] =	vst v63  }
0x172: {  	_ =	swait.ge [sflag:s24], $0x200  }
0x173: {  	[sflag:s24] =	ssyncset.done $0x0  }
0x174: {  	s6 =	sor.u32 $0x400, s4;
	[sflag:s24] =	ssyncadd.s32 $0xFFFFFE00  }
0x175: {  	[tilespmem:s6], [sflag:$0x2] =	stream.linear.gather [hbm4b:s18+s3], $0x200, $0x38;
	[tilespmem:$0x1D580] =	vst v63  }
0x176: {  	_ =	swait.ge [sflag:s24], $0x200  }
0x177: {  	s18 =	sshll.u32 s0, $0xF;
	[sflag:s24] =	ssyncset.done $0x0  }
0x178: {  	s19 =	sor.u32 $0x800, s18;
	[sflag:s24] =	ssyncadd.s32 $0xFFFFFE00  }
0x179: {  	[tilespmem:s19], [sflag:$0x1] =	stream.indirect.gather [hbm4b:s5+s26], $0x40, s4, s26, $0xb8;
	[tilespmem:$0x1D580] =	vst v63  }
0x17a: {  	s8 =	sor.u32 $0x80, s4;
	s20 =	sor.u32 $0x2800, s18  }
0x17b: {  	[tilespmem:s20], [sflag:$0x1] =	stream.indirect.gather [hbm4b:s5+s26], $0x40, s8, s26, $0xb8;
	[tilespmem:$0x1D580] =	vst v63  }
0x17c: {  	s10 =	sor.u32 $0x100, s4;
	s8 =	sor.u32 $0x4800, s18  }
0x17d: {  	[tilespmem:s8], [sflag:$0x1] =	stream.indirect.gather [hbm4b:s5+s26], $0x40, s10, s26, $0xb8;
	[tilespmem:$0x1D580] =	vst v63  }
0x17e: {  	s0 =	sor.u32 $0x6800, s18;
	s4 =	sor.u32 $0x180, s4  }
0x17f: {  	[tilespmem:s0], [sflag:$0x1] =	stream.indirect.gather [hbm4b:s5+s26], $0x40, s4, s26, $0xb8;
	[tilespmem:$0x1D580] =	vst v63  }
0x180: {  	_ =	swait.ge [sflag:s7], $0x2000  }
0x181: {  	[sflag:s7] =	ssyncset.done $0x0  }
0x182: {  	[sflag:s7] =	ssyncadd.s32 $0xFFFFE000  }
0x183: {  	_ =	swait.ge [sflag:s7], $0x2000  }
0x184: {  	[sflag:s7] =	ssyncset.done $0x0  }
0x185: {  	[sflag:s7] =	ssyncadd.s32 $0xFFFFE000  }
0x186: {  	_ =	swait.ge [sflag:s7], $0x2000  }
0x187: {  	[sflag:s7] =	ssyncset.done $0x0  }
0x188: {  	[sflag:s7] =	ssyncadd.s32 $0xFFFFE000  }
0x189: {  	_ =	swait.ge [sflag:s7], $0x2000  }
0x18a: {  	s0 =	sshll.u32 s28, $0x9;
	[sflag:s7] =	ssyncset.done $0x0  }
0x18b: {  	s18 =	sor.u32 $0x800, s15;
	s19 =	sor.u32 $0x400, s0;
	[sflag:s7] =	ssyncadd.s32 $0xFFFFE000  }
0x18c: {  	[spmem:s1] =	stream.indirect.scatter.add.f32 [tilespmem:s18], [sflag:$0x2], $0x40, s19, s26, $0xb8;
	[tilespmem:$0x1D580] =	vst v63  }
0x18d: {  	_ =	swait.ge [sflag:s24], $0x2000  }
0x18e: {  	[sflag:s24] =	ssyncset.done $0x0  }
0x18f: {  	s20 =	sor.u32 $0x2800, s15;
	s28 =	sor.u32 $0x480, s0;
	[sflag:s24] =	ssyncadd.s32 $0xFFFFE000  }
0x190: {  	[spmem:s1] =	stream.indirect.scatter.add.f32 [tilespmem:s20], [sflag:$0x2], $0x40, s28, s26, $0xb8;
	[tilespmem:$0x1D580] =	vst v63  }
0x191: {  	_ =	swait.ge [sflag:s24], $0x2000  }
0x192: {  	[sflag:s24] =	ssyncset.done $0x0  }
0x193: {  	s6 =	sor.u32 $0x4800, s15;
	s8 =	sor.u32 $0x500, s0;
	[sflag:s24] =	ssyncadd.s32 $0xFFFFE000  }
0x194: {  	[spmem:s1] =	stream.indirect.scatter.add.f32 [tilespmem:s6], [sflag:$0x2], $0x40, s8, s26, $0xb8;
	[tilespmem:$0x1D580] =	vst v63  }
0x195: {  	_ =	swait.ge [sflag:s24], $0x2000  }
0x196: {  	[sflag:s24] =	ssyncset.done $0x0  }
0x197: {  	s10 =	sor.u32 $0x6800, s15;
	s0 =	sor.u32 $0x580, s0;
	[sflag:s24] =	ssyncadd.s32 $0xFFFFE000  }
0x198: {  	[spmem:s1] =	stream.indirect.scatter.add.f32 [tilespmem:s10], [sflag:$0x2], $0x40, s0, s26, $0xb8;
	[tilespmem:$0x1D580] =	vst v63  }
0x199: {  	_ =	swait.ge [sflag:s24], $0x2000  }
0x19a: {  	[sflag:s24] =	ssyncset.done $0x0  }
0x19b: {  	[sflag:s24] =	ssyncadd.s32 $0xFFFFE000  }
0x19c: {  	_ =	swait.ge [sflag:s7], $0x2000  }
0x19d: {  	[sflag:s7] =	ssyncset.done $0x0  }
0x19e: {  	[sflag:s7] =	ssyncadd.s32 $0xFFFFE000  }
0x19f: {  	_ =	swait.ge [sflag:s7], $0x2000  }
0x1a0: {  	[sflag:s7] =	ssyncset.done $0x0  }
0x1a1: {  	[sflag:s7] =	ssyncadd.s32 $0xFFFFE000  }
0x1a2: {  	_ =	swait.ge [sflag:s7], $0x2000  }
0x1a3: {  	[sflag:s7] =	ssyncset.done $0x0  }
0x1a4: {  	[sflag:s7] =	ssyncadd.s32 $0xFFFFE000  }
0x1a5: {  	s15 =	sand.u32 $0x1, s16;
	_ =	swait.ge [sflag:s7], $0x2000  }
0x1a6: {  	s16 =	sshll.u32 s15, $0xF;
	s0 =	sshll.u32 s15, $0x9;
	[sflag:s7] =	ssyncset.done $0x0  }
0x1a7: {  	s18 =	sor.u32 $0x800, s16;
	s19 =	sor.u32 $0x400, s0;
	[sflag:s7] =	ssyncadd.s32 $0xFFFFE000  }
0x1a8: {  	[spmem:s1] =	stream.indirect.scatter.add.f32 [tilespmem:s18], [sflag:$0x2], $0x40, s19, s26, $0xb8;
	[tilespmem:$0x1D580] =	vst v63  }
0x1a9: {  	_ =	swait.ge [sflag:s24], $0x2000  }
0x1aa: {  	[sflag:s24] =	ssyncset.done $0x0  }
0x1ab: {  	s20 =	sor.u32 $0x2800, s16;
	s28 =	sor.u32 $0x480, s0;
	[sflag:s24] =	ssyncadd.s32 $0xFFFFE000  }
0x1ac: {  	[spmem:s1] =	stream.indirect.scatter.add.f32 [tilespmem:s20], [sflag:$0x2], $0x40, s28, s26, $0xb8;
	[tilespmem:$0x1D580] =	vst v63  }
0x1ad: {  	_ =	swait.ge [sflag:s24], $0x2000  }
0x1ae: {  	[sflag:s24] =	ssyncset.done $0x0  }
0x1af: {  	s10 =	sor.u32 $0x4800, s16;
	s15 =	sor.u32 $0x500, s0;
	[sflag:s24] =	ssyncadd.s32 $0xFFFFE000  }
0x1b0: {  	[spmem:s1] =	stream.indirect.scatter.add.f32 [tilespmem:s10], [sflag:$0x2], $0x40, s15, s26, $0xb8;
	[tilespmem:$0x1D580] =	vst v63  }
0x1b1: {  	_ =	swait.ge [sflag:s24], $0x2000  }
0x1b2: {  	[sflag:s24] =	ssyncset.done $0x0  }
0x1b3: {  	s4 =	sor.u32 $0x6800, s16;
	s0 =	sor.u32 $0x580, s0;
	[sflag:s24] =	ssyncadd.s32 $0xFFFFE000  }
0x1b4: {  	[spmem:s1] =	stream.indirect.scatter.add.f32 [tilespmem:s4], [sflag:$0x2], $0x40, s0, s26, $0xb8;
	[tilespmem:$0x1D580] =	vst v63  }
0x1b5: {  	_ =	swait.ge [sflag:s24], $0x2000  }
0x1b6: {  	[sflag:s24] =	ssyncset.done $0x0  }
0x1b7: {  	[sflag:s24] =	ssyncadd.s32 $0xFFFFE000  }
0x1b8: {  	[bflag:$0x0] =	sbarrier.arrive $0xFFFF  }
0x1b9: {  	s16 =	rddreg [dreg:$0x12]  }
0x1ba: {  	s18 =	simm.s32 $0x10;
	s19 =	simm.s32 $0x8;
	s20 =	rddreg [dreg:$0x17]  }
0x1bb: {  	[hbm:s16@s18], [sflag:s12] =	dma.strided [spmem:s20@s19], $0x13C0, s7, $0x8   }
0x1bc: {  	_ =	swait.ge [sflag:s24], $0x13C0  }
0x1bd: {  	s11 =	sadd.s32 $0x1, s11;
	s28 =	rddreg [dreg:$0x13]  }
0x1be: {  	p0 =	sne.s32 s11, s28  }
.Ltmp6:
0x1bf: {  	_ = 	snop;
	(pc) =	sbr.rel @p0 .LBB2_1-.Ltmp6, $4  }
.Ltmp7:
0x1c0: {  	_ = 	snop;
	(pc) =	sbr.rel @!p0 .LBB2_14-.Ltmp7, $4  }
0x1c1: {  	_ = 	snop  }
0x1c2: {  	[sflag:s24] =	ssyncset.done $0x0  }
0x1c3: {  	[sflag:s24] =	ssyncadd.s32 $0xFFFFEC40  }
0x1c4: {  	_ = 	snop  }
.LBB2_2:
.Ltmp8:
0x1c5: {  	(pc) =	sbr.rel .LBB2_7-.Ltmp8, $2  }
0x1c6: {  	_ =	sdelay $0x2  }
0x1c7: {  	s19 =	rddreg [dreg:$0x14];
	s20 =	smov.u32 s25;
	p2 =	por $0x0, $0x0  }
.LBB2_8:
.Ltmp9:
0x1c8: {  	(pc) =	sbr.rel .LBB2_13-.Ltmp9, $2  }
0x1c9: {  	_ =	sdelay $0x2  }
0x1ca: {  	s20 =	rddreg [dreg:$0x16];
	s18 =	smov.u32 s25  }
.LBB2_4:
.Ltmp10:
0x1cb: {  	(pc) =	sbr.rel .LBB2_7-.Ltmp10, $3  }
0x1cc: {  	_ =	sdelay $0x1  }
0x1cd: {  	s22 =	smov.u32 s17;
	s13 =	rddreg [dreg:$0x15];
	s25 =	smov.u32 s14  }
0x1ce: {  	s14 =	simm.s32 $0x400;
	s17 =	simm.s32 $0x800;
	s29 =	simm.s32 $0x2800  }
.LBB2_10:
.Ltmp11:
0x1cf: {  	(pc) =	sbr.rel .LBB2_13-.Ltmp11, $2  }
0x1d0: {  	_ =	sdelay $0x2  }
0x1d1: {  	s16 =	simm.s32 $0x2  }
.LBB2_14:
0x1d2: {  	_ =	sfence.sel $0x180000  }
0x1d3: {  	[bflag:$0x0] =	sbarrier.arrive $0xFFFF  }
0x1d4: {  	_ =	strace $0x90000047  }
0x1d5: {  	s0 =	stileid.u32;
	[bflag:$0x2] =	sbarrier.arrive $0xFFFF  }
0x1d6: {  	p0 =	sne.s32 s0, $0x0;
	s0 =	rddreg [dreg:$0x9]  }
0x1d7: {  	s0 =	sadd.s32 @!p0 $0x100000, s0  }
0x1d8: {  	[sflag:s0] =	ssyncadd.tile.s32 @!p0 $0x1;
	_ =	shalt  }
.Lfunc_end2:
_tile_overlayer_lowered:
.L_overlay_start_2:
0x1d9: {  	(tag) =	ssettag $0x2  }
0x1da: {  	s0 =	rddreg [dreg:$0x0];
	s2 =	stileid.u32  }
0x1db: {  	s1 =	rddreg [dreg:$0x1];
	p0 =	sne.s32 s2, $0x0  }
0x1dc: {  	s3 =	rddreg [dreg:$0x2];
	[bflag:$0x3] =	sbarrier.arrive $0xFFFF;
	s2 =	simm.s32 @!p0 $0x1C02  }
0x1dd: {  	[timem:s3], [sflag:s2] =	dma.local @!p0 [hbm:s0], s1  }
0x1de: {  	s0 =	simm.s32 @!p0 $0x2  }
0x1df: {  	_ =	swait.ge @!p0 [sflag:s0], s1  }
0x1e0: {  	s1 =	ssub.s32 @!p0 $0x0, s1;
	[sflag:s0] =	ssyncset.done @!p0 $0x0  }
0x1e1: {  	[sflag:s0] =	ssyncadd.s32 @!p0 s1  }
0x1e2: {  	[bflag:$0x3] =	sbarrier.arrive $0xFFFF  }
0x1e3: {  	_ =	shalt  }

</sc_bundles>
